<compile_context>
chip_gen: v7x
topology: tpu7x:2x2x1
jax: 0.10.2.dev20260603
libtpu: 0.0.44.dev20260713+nightly
codegen_flags: <defaults>
</compile_context>

<pallas_src>
import jax
import jax.numpy as jnp
from jax import lax
from jax.experimental import pallas as pl
from jax.experimental.pallas import tpu as pltpu
from jax.experimental.pallas import tpu_sc as plsc

N = 1048576
RES = (128, 256, 512, 1024)
NF = 4
NC, NS = 2, 16
NW = NC * NS
PW = N // NW
CHUNK = 128
NCHUNKS = PW // CHUNK
NG = CHUNK // 16
BLOCK_I = {128: 4, 256: 8, 512: 8, 1024: 4}

_CPARAMS = pltpu.CompilerParams(needs_layout_passes=False,
                                use_tc_tiling_on_sc=False)


def _repack_body(v0, v1, v2, v3, c0, c1, c2, c3, sem):
    values = (v0, v1, v2, v3)
    cells = (c0, c1, c2, c3)
    wid = lax.axis_index("s") * NC + lax.axis_index("c")

    for o, r in enumerate(RES):
        rows_per = r // NW
        bi = BLOCK_I[r]

        def scoped(buf, o=o, r=r, rows_per=rows_per, bi=bi):
            def blk_body(b, carry):
                i0 = wid * rows_per + b * bi
                for c in range(4):
                    pltpu.sync_copy(
                        values[o].at[pl.ds(i0 + (c >> 1), bi),
                                     pl.ds(c & 1, r), :],
                        buf.at[:, :, pl.ds(c * NF, NF)])
                pltpu.sync_copy(buf, cells[o].at[pl.ds(i0, bi), :, :])
                return carry

            lax.fori_loop(0, rows_per // bi, blk_body, 0)

        pl.run_scoped(scoped, pltpu.VMEM((bi, r, 4 * NF), jnp.float32))


def _main_body(xt_hbm, c0, c1, c2, c3, out_hbm, x0buf, x1buf, idxbuf, wbuf,
               gbuf, outbuf, sem):
    cells = (c0, c1, c2, c3)
    wid = lax.axis_index("s") * NC + lax.axis_index("c")
    iota = lax.iota(jnp.int32, 16)

    def chunk_body(c, carry):
        base = (wid * NCHUNKS + c) * CHUNK
        pltpu.sync_copy(xt_hbm.at[0, pl.ds(base, CHUNK)], x0buf)
        pltpu.sync_copy(xt_hbm.at[1, pl.ds(base, CHUNK)], x1buf)

        def idx_body(g, carry2):
            x0 = x0buf[pl.ds(g * 16, 16)]
            x1 = x1buf[pl.ds(g * 16, 16)]
            for o, r in enumerate(RES):
                rf = float(r)
                ii = []
                for d, xd in ((0, x0), (1, x1)):
                    xr = xd * rf
                    xr = jnp.where(xr >= rf, xr - rf, xr)
                    iv = xr.astype(jnp.int32)
                    fr = xr - iv.astype(jnp.float32)
                    w = (3.0 - 2.0 * fr) * fr * fr
                    wbuf[o * 2 + d, pl.ds(g * 16, 16)] = w
                    ii.append(iv)
                idxbuf[o, pl.ds(g * 16, 16)] = ii[0] * r + ii[1]
            return carry2

        lax.fori_loop(0, NG, idx_body, 0)

        copies = [
            pltpu.async_copy(cells[o].at[idxbuf.at[o]], gbuf.at[o], sem)
            for o in range(4)
        ]
        for cp in copies:
            cp.wait()

        def lerp_body(g, carry2):
            p = g * 16 + iota
            accs = [None] * NF
            for o in range(4):
                w0 = wbuf[o * 2 + 0, pl.ds(g * 16, 16)]
                w1 = wbuf[o * 2 + 1, pl.ds(g * 16, 16)]
                amp = 128.0 / RES[o]
                for f in range(NF):
                    v00 = plsc.load_gather(gbuf.at[o], [p, jnp.full((16,), f, jnp.int32)])
                    v01 = plsc.load_gather(gbuf.at[o], [p, jnp.full((16,), 4 + f, jnp.int32)])
                    v10 = plsc.load_gather(gbuf.at[o], [p, jnp.full((16,), 8 + f, jnp.int32)])
                    v11 = plsc.load_gather(gbuf.at[o], [p, jnp.full((16,), 12 + f, jnp.int32)])
                    va = v00 + w0 * (v10 - v00)
                    vb = v01 + w0 * (v11 - v01)
                    rv = (va + w1 * (vb - va)) * amp
                    accs[f] = rv if accs[f] is None else accs[f] + rv
            for f in range(NF):
                plsc.store_scatter(outbuf, [p, jnp.full((16,), f, jnp.int32)],
                                   accs[f])
            return carry2

        lax.fori_loop(0, NG, lerp_body, 0)

        pltpu.sync_copy(outbuf, out_hbm.at[pl.ds(base, CHUNK), :])
        return carry

    lax.fori_loop(0, NCHUNKS, chunk_body, 0)


def kernel(x, values_0, values_1, values_2, values_3):
    mesh = plsc.VectorSubcoreMesh(core_axis_name="c", subcore_axis_name="s")

    repack = pl.kernel(
        _repack_body,
        out_type=tuple(
            jax.ShapeDtypeStruct((r, r, 4 * NF), jnp.float32) for r in RES),
        mesh=mesh,
        scratch_types=[pltpu.SemaphoreType.DMA],
        compiler_params=_CPARAMS,
    )
    cells = repack(values_0, values_1, values_2, values_3)

    main = pl.kernel(
        _main_body,
        out_type=jax.ShapeDtypeStruct((N, NF), jnp.float32),
        mesh=mesh,
        scratch_types=[
            pltpu.VMEM((CHUNK,), jnp.float32),
            pltpu.VMEM((CHUNK,), jnp.float32),
            pltpu.VMEM((4, CHUNK), jnp.int32),
            pltpu.VMEM((8, CHUNK), jnp.float32),
            pltpu.VMEM((4, CHUNK, 4 * NF), jnp.float32),
            pltpu.VMEM((CHUNK, NF), jnp.float32),
            pltpu.SemaphoreType.DMA,
        ],
        compiler_params=_CPARAMS,
    )
    return main(x.T, *(cl.reshape(-1, 4 * NF) for cl in cells))

# --- scband reference (transcript-rebuilt; emitter-appended) ---
"""Pipeline reference for scband-composite-value-noise-43662637531393 (READ-ONLY COPY).

The authoritative reference and input builder live on the scoring server;
editing this copy changes nothing except your own understanding.
"""

import jax, jax.numpy as jnp
import numpy as np

N_DIMS = 2
N_FIELDS = 4
RES_LIST = [128, 256, 512, 1024]
MULTIPLIER = 1.0
N_POINTS = 1048576


def _wfun(w):
    # smoothness == 2
    return (3.0 - 2.0 * w) * w * w


def _value_noise(x, values, res, multiplier):
    # x: [N, 2] in [0, 1); values: [res+1, res+1, F]
    xr = jnp.mod(x * res, res)          # torch.fmod == mod for non-negative x
    fl = jnp.floor(xr)
    locs = xr - fl                      # torch.frac
    idxA = fl.astype(jnp.int32)
    idxB = idxA + 1                     # periodic=False: idxB <= res is valid (table has res+1 rows)
    idx = jnp.stack((idxA, idxB), axis=-1)   # [N, n_dims, 2]
    zo = np.array([0, 1])
    c0, c1 = np.meshgrid(zo, zo, indexing='ij')  # corners, each (2, 2)
    v0 = idx[:, 0, :][:, c0]            # [N, 2, 2]
    v1 = idx[:, 1, :][:, c1]            # [N, 2, 2]
    vals = values[v0, v1, :]            # gather -> [N, 2, 2, F]
    # dim 0 lerp: weight [N, 1, 1] broadcasts against [N, 2, F]
    w0 = _wfun(locs[:, 0])[:, None, None]
    vals = vals[:, 0] + w0 * (vals[:, 1] - vals[:, 0])   # [N, 2, F]
    # dim 1 lerp: weight [N, 1] broadcasts against [N, F]
    w1 = _wfun(locs[:, 1])[:, None]
    vals = vals[:, 0] + w1 * (vals[:, 1] - vals[:, 0])   # [N, F]
    return vals * multiplier


def setup_inputs(seed: int = 0) -> dict:
    key = jax.random.key(seed)
    ks = jax.random.split(key, 1 + len(RES_LIST))
    x = jax.random.uniform(ks[0], (N_POINTS, N_DIMS), dtype=jnp.float32)
    inp = {"x": x}
    for i, res in enumerate(RES_LIST):
        inp[f"values_{i}"] = jax.random.normal(ks[1 + i], (res + 1, res + 1, N_FIELDS), dtype=jnp.float32)
    return inp


def reference(x, values_0, values_1, values_2, values_3):
    tables = [values_0, values_1, values_2, values_3]
    out = None
    for i, res in enumerate(RES_LIST):
        frac = float(RES_LIST[0]) / float(res)  # octave amplitude falloff: 1, 0.5, 0.25, 0.125
        comp = _value_noise(x, tables[i], res, MULTIPLIER * frac)
        out = comp if out is None else out + comp
    return out

if __name__ == "__main__":
    import jax
    _d = setup_inputs()
    print(jax.jit(kernel)(*tuple(_d.values())))

</pallas_src>

<mosaic_0001>
#map = affine_map<(d0, d1) -> (0, 0)>
module attributes {stable_mosaic.version = 14 : i64} {
  func.func @_main_body(%arg0: i32, %arg1: i32, %arg2: memref<2x1048576xf32, #tpu.memory_space<hbm>>, %arg3: memref<16384x16xf32, #tpu.memory_space<hbm>>, %arg4: memref<65536x16xf32, #tpu.memory_space<hbm>>, %arg5: memref<262144x16xf32, #tpu.memory_space<hbm>>, %arg6: memref<1048576x16xf32, #tpu.memory_space<hbm>>, %arg7: memref<1048576x4xf32, #tpu.memory_space<hbm>>, %arg8: memref<128xf32, #tpu.memory_space<vmem>>, %arg9: memref<128xf32, #tpu.memory_space<vmem>>, %arg10: memref<4x128xi32, #tpu.memory_space<vmem>>, %arg11: memref<8x128xf32, #tpu.memory_space<vmem>>, %arg12: memref<4x128x16xf32, #tpu.memory_space<vmem>>, %arg13: memref<128x4xf32, #tpu.memory_space<vmem>>, %arg14: memref<!tpu.dma_semaphore, #tpu.memory_space<semaphore_mem>>) attributes {dimension_semantics = [#tpu.dimension_semantics<core_parallel>, #tpu.dimension_semantics<subcore_parallel>], iteration_bounds = array<i64: 2, 16>, scalar_prefetch = 0 : i64, scratch_operands = 7 : i64, tpu.core_type = #tpu.core_type<sc_vector_subcore>, window_params = [{transform_indices = #map}, {transform_indices = #map}, {transform_indices = #map}, {transform_indices = #map}, {transform_indices = #map}, {transform_indices = #map}]} {
    %mul3A = arith.constant 2 : i32
    %mul3A_0 = arith.muli %arg1, %mul3A : i32
    %add3A = arith.addi %mul3A_0, %arg0 : i32
    %iota3A = tpu.iota {dimensions = array<i32: 0>} : vector<16xi32>
    %scan3A = arith.constant 0 : i32
    %scan3A_1 = arith.constant 0 : i32
    %scan3A_2 = arith.constant 256 : i32
    %scan3A_3 = arith.addi %scan3A_1, %scan3A_2 : i32
    %scan3A_4 = arith.constant 1 : i32
    scf.for %scan3A_6 = %scan3A_1 to %scan3A_3 step %scan3A_4  : i32 {
      %mul3A_7 = arith.constant 256 : i32
      %mul3A_8 = arith.muli %add3A, %mul3A_7 : i32
      %add3A_9 = arith.addi %mul3A_8, %scan3A_6 : i32
      %mul3A_10 = arith.constant 128 : i32
      %mul3A_11 = arith.muli %add3A_9, %mul3A_10 : i32
      %run_scoped3A = arith.constant 0 : i32
      "tpu.region"() ({
        %run_scoped3A_119 = tpu.sem_alloc : memref<!tpu.dma_semaphore, #tpu.memory_space<semaphore_mem>>
        %dma_start3A_120 = tpu.memref_slice %arg2[%run_scoped3A, %mul3A_11] : memref<2x1048576xf32, #tpu.memory_space<hbm>> -> memref<1x128xf32, #tpu.memory_space<hbm>>
        %dma_start3A_121 = tpu.memref_squeeze %dma_start3A_120 : memref<1x128xf32, #tpu.memory_space<hbm>> -> memref<128xf32, #tpu.memory_space<hbm>>
        %dma_start3A_122 = tpu.memref_slice %arg2[%run_scoped3A, %mul3A_11] : memref<2x1048576xf32, #tpu.memory_space<hbm>> -> memref<1x128xf32, #tpu.memory_space<hbm>>
        %dma_start3A_123 = tpu.memref_squeeze %dma_start3A_122 : memref<1x128xf32, #tpu.memory_space<hbm>> -> memref<128xf32, #tpu.memory_space<hbm>>
        tpu.enqueue_dma source(%dma_start3A_123 : memref<128xf32, #tpu.memory_space<hbm>>) target(%arg8 : memref<128xf32, #tpu.memory_space<vmem>>) target_semaphore(%run_scoped3A_119 : memref<!tpu.dma_semaphore, #tpu.memory_space<semaphore_mem>>)
        %dma_wait3A_124 = tpu.memref_slice %arg2[%run_scoped3A, %mul3A_11] : memref<2x1048576xf32, #tpu.memory_space<hbm>> -> memref<1x128xf32, #tpu.memory_space<hbm>>
        %dma_wait3A_125 = tpu.memref_squeeze %dma_wait3A_124 : memref<1x128xf32, #tpu.memory_space<hbm>> -> memref<128xf32, #tpu.memory_space<hbm>>
        %dma_wait3A_126 = tpu.memref_slice %arg2[%run_scoped3A, %mul3A_11] : memref<2x1048576xf32, #tpu.memory_space<hbm>> -> memref<1x128xf32, #tpu.memory_space<hbm>>
        %dma_wait3A_127 = tpu.memref_squeeze %dma_wait3A_126 : memref<1x128xf32, #tpu.memory_space<hbm>> -> memref<128xf32, #tpu.memory_space<hbm>>
        tpu.wait_dma2 semaphore(%run_scoped3A_119 : memref<!tpu.dma_semaphore, #tpu.memory_space<semaphore_mem>>) src(%dma_wait3A_127 : memref<128xf32, #tpu.memory_space<hbm>>) dst(%arg8 : memref<128xf32, #tpu.memory_space<vmem>>)
        tpu.yield
      }) : () -> ()
      %run_scoped3A_12 = arith.constant 1 : i32
      "tpu.region"() ({
        %run_scoped3A_119 = tpu.sem_alloc : memref<!tpu.dma_semaphore, #tpu.memory_space<semaphore_mem>>
        %dma_start3A_120 = tpu.memref_slice %arg2[%run_scoped3A_12, %mul3A_11] : memref<2x1048576xf32, #tpu.memory_space<hbm>> -> memref<1x128xf32, #tpu.memory_space<hbm>>
        %dma_start3A_121 = tpu.memref_squeeze %dma_start3A_120 : memref<1x128xf32, #tpu.memory_space<hbm>> -> memref<128xf32, #tpu.memory_space<hbm>>
        %dma_start3A_122 = tpu.memref_slice %arg2[%run_scoped3A_12, %mul3A_11] : memref<2x1048576xf32, #tpu.memory_space<hbm>> -> memref<1x128xf32, #tpu.memory_space<hbm>>
        %dma_start3A_123 = tpu.memref_squeeze %dma_start3A_122 : memref<1x128xf32, #tpu.memory_space<hbm>> -> memref<128xf32, #tpu.memory_space<hbm>>
        tpu.enqueue_dma source(%dma_start3A_123 : memref<128xf32, #tpu.memory_space<hbm>>) target(%arg9 : memref<128xf32, #tpu.memory_space<vmem>>) target_semaphore(%run_scoped3A_119 : memref<!tpu.dma_semaphore, #tpu.memory_space<semaphore_mem>>)
        %dma_wait3A_124 = tpu.memref_slice %arg2[%run_scoped3A_12, %mul3A_11] : memref<2x1048576xf32, #tpu.memory_space<hbm>> -> memref<1x128xf32, #tpu.memory_space<hbm>>
        %dma_wait3A_125 = tpu.memref_squeeze %dma_wait3A_124 : memref<1x128xf32, #tpu.memory_space<hbm>> -> memref<128xf32, #tpu.memory_space<hbm>>
        %dma_wait3A_126 = tpu.memref_slice %arg2[%run_scoped3A_12, %mul3A_11] : memref<2x1048576xf32, #tpu.memory_space<hbm>> -> memref<1x128xf32, #tpu.memory_space<hbm>>
        %dma_wait3A_127 = tpu.memref_squeeze %dma_wait3A_126 : memref<1x128xf32, #tpu.memory_space<hbm>> -> memref<128xf32, #tpu.memory_space<hbm>>
        tpu.wait_dma2 semaphore(%run_scoped3A_119 : memref<!tpu.dma_semaphore, #tpu.memory_space<semaphore_mem>>) src(%dma_wait3A_127 : memref<128xf32, #tpu.memory_space<hbm>>) dst(%arg9 : memref<128xf32, #tpu.memory_space<vmem>>)
        tpu.yield
      }) : () -> ()
      %scan3A_13 = arith.constant 0 : i32
      %scan3A_14 = arith.constant 0 : i32
      %scan3A_15 = arith.constant 8 : i32
      %scan3A_16 = arith.addi %scan3A_14, %scan3A_15 : i32
      %scan3A_17 = arith.constant 1 : i32
      scf.for %scan3A_119 = %scan3A_14 to %scan3A_16 step %scan3A_17  : i32 {
        %mul3A_120 = arith.constant 16 : i32
        %mul3A_121 = arith.muli %scan3A_119, %mul3A_120 : i32
        %get3A = arith.index_cast %mul3A_121 : i32 to index
        %get3A_122 = tpu.vector_load %arg8[%get3A] {strides = array<i32>} : memref<128xf32, #tpu.memory_space<vmem>>, vector<16xf32>,
        %mul3A_123 = arith.constant 16 : i32
        %mul3A_124 = arith.muli %scan3A_119, %mul3A_123 : i32
        %get3A_125 = arith.index_cast %mul3A_124 : i32 to index
        %get3A_126 = tpu.vector_load %arg9[%get3A_125] {strides = array<i32>} : memref<128xf32, #tpu.memory_space<vmem>>, vector<16xf32>,
        %mul3A_127 = arith.constant 1.280000e+02 : f32
        %mul3A_128 = vector.broadcast %mul3A_127 : f32 to vector<16xf32>
        %mul3A_129 = arith.mulf %get3A_122, %mul3A_128 : vector<16xf32>
        %ge3A = arith.constant 1.280000e+02 : f32
        %ge3A_130 = vector.broadcast %ge3A : f32 to vector<16xf32>
        %ge3A_131 = arith.cmpf oge, %mul3A_129, %ge3A_130 : vector<16xf32>
        %sub3A = arith.constant 1.280000e+02 : f32
        %sub3A_132 = vector.broadcast %sub3A : f32 to vector<16xf32>
        %sub3A_133 = arith.subf %mul3A_129, %sub3A_132 : vector<16xf32>
        %select_n3A = arith.select %ge3A_131, %sub3A_133, %mul3A_129 : vector<16xi1>, vector<16xf32>
        %convert_element_type3A = arith.fptosi %select_n3A : vector<16xf32> to vector<16xi32>
        %convert_element_type3A_134 = arith.sitofp %convert_element_type3A : vector<16xi32> to vector<16xf32>
        %sub3A_135 = arith.subf %select_n3A, %convert_element_type3A_134 : vector<16xf32>
        %mul3A_136 = arith.constant 2.000000e+00 : f32
        %mul3A_137 = vector.broadcast %mul3A_136 : f32 to vector<16xf32>
        %mul3A_138 = arith.mulf %mul3A_137, %sub3A_135 : vector<16xf32>
        %sub3A_139 = arith.constant 3.000000e+00 : f32
        %sub3A_140 = vector.broadcast %sub3A_139 : f32 to vector<16xf32>
        %sub3A_141 = arith.subf %sub3A_140, %mul3A_138 : vector<16xf32>
        %mul3A_142 = arith.mulf %sub3A_141, %sub3A_135 : vector<16xf32>
        %mul3A_143 = arith.mulf %mul3A_142, %sub3A_135 : vector<16xf32>
        %mul3A_144 = arith.constant 16 : i32
        %mul3A_145 = arith.muli %scan3A_119, %mul3A_144 : i32
        %swap3A = arith.constant 0 : i32
        %swap3A_146 = arith.index_cast %swap3A : i32 to index
        %swap3A_147 = arith.index_cast %mul3A_145 : i32 to index
        %swap3A_148 = tpu.vector_load %arg11[%swap3A_146, %swap3A_147] {strides = array<i32>} : memref<8x128xf32, #tpu.memory_space<vmem>>, vector<16xf32>,
        tpu.vector_store %arg11[%swap3A_146, %swap3A_147], %mul3A_143 {strides = array<i32>} : memref<8x128xf32, #tpu.memory_space<vmem>>, vector<16xf32>,
        %mul3A_149 = arith.constant 1.280000e+02 : f32
        %mul3A_150 = vector.broadcast %mul3A_149 : f32 to vector<16xf32>
        %mul3A_151 = arith.mulf %get3A_126, %mul3A_150 : vector<16xf32>
        %ge3A_152 = arith.constant 1.280000e+02 : f32
        %ge3A_153 = vector.broadcast %ge3A_152 : f32 to vector<16xf32>
        %ge3A_154 = arith.cmpf oge, %mul3A_151, %ge3A_153 : vector<16xf32>
        %sub3A_155 = arith.constant 1.280000e+02 : f32
        %sub3A_156 = vector.broadcast %sub3A_155 : f32 to vector<16xf32>
        %sub3A_157 = arith.subf %mul3A_151, %sub3A_156 : vector<16xf32>
        %select_n3A_158 = arith.select %ge3A_154, %sub3A_157, %mul3A_151 : vector<16xi1>, vector<16xf32>
        %convert_element_type3A_159 = arith.fptosi %select_n3A_158 : vector<16xf32> to vector<16xi32>
        %convert_element_type3A_160 = arith.sitofp %convert_element_type3A_159 : vector<16xi32> to vector<16xf32>
        %sub3A_161 = arith.subf %select_n3A_158, %convert_element_type3A_160 : vector<16xf32>
        %mul3A_162 = arith.constant 2.000000e+00 : f32
        %mul3A_163 = vector.broadcast %mul3A_162 : f32 to vector<16xf32>
        %mul3A_164 = arith.mulf %mul3A_163, %sub3A_161 : vector<16xf32>
        %sub3A_165 = arith.constant 3.000000e+00 : f32
        %sub3A_166 = vector.broadcast %sub3A_165 : f32 to vector<16xf32>
        %sub3A_167 = arith.subf %sub3A_166, %mul3A_164 : vector<16xf32>
        %mul3A_168 = arith.mulf %sub3A_167, %sub3A_161 : vector<16xf32>
        %mul3A_169 = arith.mulf %mul3A_168, %sub3A_161 : vector<16xf32>
        %mul3A_170 = arith.constant 16 : i32
        %mul3A_171 = arith.muli %scan3A_119, %mul3A_170 : i32
        %swap3A_172 = arith.constant 1 : i32
        %swap3A_173 = arith.index_cast %swap3A_172 : i32 to index
        %swap3A_174 = arith.index_cast %mul3A_171 : i32 to index
        %swap3A_175 = tpu.vector_load %arg11[%swap3A_173, %swap3A_174] {strides = array<i32>} : memref<8x128xf32, #tpu.memory_space<vmem>>, vector<16xf32>,
        tpu.vector_store %arg11[%swap3A_173, %swap3A_174], %mul3A_169 {strides = array<i32>} : memref<8x128xf32, #tpu.memory_space<vmem>>, vector<16xf32>,
        %mul3A_176 = arith.constant 128 : i32
        %mul3A_177 = vector.broadcast %mul3A_176 : i32 to vector<16xi32>
        %mul3A_178 = arith.muli %convert_element_type3A, %mul3A_177 : vector<16xi32>
        %add3A_179 = arith.addi %mul3A_178, %convert_element_type3A_159 : vector<16xi32>
        %mul3A_180 = arith.constant 16 : i32
        %mul3A_181 = arith.muli %scan3A_119, %mul3A_180 : i32
        %swap3A_182 = arith.constant 0 : i32
        %swap3A_183 = arith.index_cast %swap3A_182 : i32 to index
        %swap3A_184 = arith.index_cast %mul3A_181 : i32 to index
        %swap3A_185 = tpu.vector_load %arg10[%swap3A_183, %swap3A_184] {strides = array<i32>} : memref<4x128xi32, #tpu.memory_space<vmem>>, vector<16xi32>,
        tpu.vector_store %arg10[%swap3A_183, %swap3A_184], %add3A_179 {strides = array<i32>} : memref<4x128xi32, #tpu.memory_space<vmem>>, vector<16xi32>,
        %mul3A_186 = arith.constant 2.560000e+02 : f32
        %mul3A_187 = vector.broadcast %mul3A_186 : f32 to vector<16xf32>
        %mul3A_188 = arith.mulf %get3A_122, %mul3A_187 : vector<16xf32>
        %ge3A_189 = arith.constant 2.560000e+02 : f32
        %ge3A_190 = vector.broadcast %ge3A_189 : f32 to vector<16xf32>
        %ge3A_191 = arith.cmpf oge, %mul3A_188, %ge3A_190 : vector<16xf32>
        %sub3A_192 = arith.constant 2.560000e+02 : f32
        %sub3A_193 = vector.broadcast %sub3A_192 : f32 to vector<16xf32>
        %sub3A_194 = arith.subf %mul3A_188, %sub3A_193 : vector<16xf32>
        %select_n3A_195 = arith.select %ge3A_191, %sub3A_194, %mul3A_188 : vector<16xi1>, vector<16xf32>
        %convert_element_type3A_196 = arith.fptosi %select_n3A_195 : vector<16xf32> to vector<16xi32>
        %convert_element_type3A_197 = arith.sitofp %convert_element_type3A_196 : vector<16xi32> to vector<16xf32>
        %sub3A_198 = arith.subf %select_n3A_195, %convert_element_type3A_197 : vector<16xf32>
        %mul3A_199 = arith.constant 2.000000e+00 : f32
        %mul3A_200 = vector.broadcast %mul3A_199 : f32 to vector<16xf32>
        %mul3A_201 = arith.mulf %mul3A_200, %sub3A_198 : vector<16xf32>
        %sub3A_202 = arith.constant 3.000000e+00 : f32
        %sub3A_203 = vector.broadcast %sub3A_202 : f32 to vector<16xf32>
        %sub3A_204 = arith.subf %sub3A_203, %mul3A_201 : vector<16xf32>
        %mul3A_205 = arith.mulf %sub3A_204, %sub3A_198 : vector<16xf32>
        %mul3A_206 = arith.mulf %mul3A_205, %sub3A_198 : vector<16xf32>
        %mul3A_207 = arith.constant 16 : i32
        %mul3A_208 = arith.muli %scan3A_119, %mul3A_207 : i32
        %swap3A_209 = arith.constant 2 : i32
        %swap3A_210 = arith.index_cast %swap3A_209 : i32 to index
        %swap3A_211 = arith.index_cast %mul3A_208 : i32 to index
        %swap3A_212 = tpu.vector_load %arg11[%swap3A_210, %swap3A_211] {strides = array<i32>} : memref<8x128xf32, #tpu.memory_space<vmem>>, vector<16xf32>,
        tpu.vector_store %arg11[%swap3A_210, %swap3A_211], %mul3A_206 {strides = array<i32>} : memref<8x128xf32, #tpu.memory_space<vmem>>, vector<16xf32>,
        %mul3A_213 = arith.constant 2.560000e+02 : f32
        %mul3A_214 = vector.broadcast %mul3A_213 : f32 to vector<16xf32>
        %mul3A_215 = arith.mulf %get3A_126, %mul3A_214 : vector<16xf32>
        %ge3A_216 = arith.constant 2.560000e+02 : f32
        %ge3A_217 = vector.broadcast %ge3A_216 : f32 to vector<16xf32>
        %ge3A_218 = arith.cmpf oge, %mul3A_215, %ge3A_217 : vector<16xf32>
        %sub3A_219 = arith.constant 2.560000e+02 : f32
        %sub3A_220 = vector.broadcast %sub3A_219 : f32 to vector<16xf32>
        %sub3A_221 = arith.subf %mul3A_215, %sub3A_220 : vector<16xf32>
        %select_n3A_222 = arith.select %ge3A_218, %sub3A_221, %mul3A_215 : vector<16xi1>, vector<16xf32>
        %convert_element_type3A_223 = arith.fptosi %select_n3A_222 : vector<16xf32> to vector<16xi32>
        %convert_element_type3A_224 = arith.sitofp %convert_element_type3A_223 : vector<16xi32> to vector<16xf32>
        %sub3A_225 = arith.subf %select_n3A_222, %convert_element_type3A_224 : vector<16xf32>
        %mul3A_226 = arith.constant 2.000000e+00 : f32
        %mul3A_227 = vector.broadcast %mul3A_226 : f32 to vector<16xf32>
        %mul3A_228 = arith.mulf %mul3A_227, %sub3A_225 : vector<16xf32>
        %sub3A_229 = arith.constant 3.000000e+00 : f32
        %sub3A_230 = vector.broadcast %sub3A_229 : f32 to vector<16xf32>
        %sub3A_231 = arith.subf %sub3A_230, %mul3A_228 : vector<16xf32>
        %mul3A_232 = arith.mulf %sub3A_231, %sub3A_225 : vector<16xf32>
        %mul3A_233 = arith.mulf %mul3A_232, %sub3A_225 : vector<16xf32>
        %mul3A_234 = arith.constant 16 : i32
        %mul3A_235 = arith.muli %scan3A_119, %mul3A_234 : i32
        %swap3A_236 = arith.constant 3 : i32
        %swap3A_237 = arith.index_cast %swap3A_236 : i32 to index
        %swap3A_238 = arith.index_cast %mul3A_235 : i32 to index
        %swap3A_239 = tpu.vector_load %arg11[%swap3A_237, %swap3A_238] {strides = array<i32>} : memref<8x128xf32, #tpu.memory_space<vmem>>, vector<16xf32>,
        tpu.vector_store %arg11[%swap3A_237, %swap3A_238], %mul3A_233 {strides = array<i32>} : memref<8x128xf32, #tpu.memory_space<vmem>>, vector<16xf32>,
        %mul3A_240 = arith.constant 256 : i32
        %mul3A_241 = vector.broadcast %mul3A_240 : i32 to vector<16xi32>
        %mul3A_242 = arith.muli %convert_element_type3A_196, %mul3A_241 : vector<16xi32>
        %add3A_243 = arith.addi %mul3A_242, %convert_element_type3A_223 : vector<16xi32>
        %mul3A_244 = arith.constant 16 : i32
        %mul3A_245 = arith.muli %scan3A_119, %mul3A_244 : i32
        %swap3A_246 = arith.constant 1 : i32
        %swap3A_247 = arith.index_cast %swap3A_246 : i32 to index
        %swap3A_248 = arith.index_cast %mul3A_245 : i32 to index
        %swap3A_249 = tpu.vector_load %arg10[%swap3A_247, %swap3A_248] {strides = array<i32>} : memref<4x128xi32, #tpu.memory_space<vmem>>, vector<16xi32>,
        tpu.vector_store %arg10[%swap3A_247, %swap3A_248], %add3A_243 {strides = array<i32>} : memref<4x128xi32, #tpu.memory_space<vmem>>, vector<16xi32>,
        %mul3A_250 = arith.constant 5.120000e+02 : f32
        %mul3A_251 = vector.broadcast %mul3A_250 : f32 to vector<16xf32>
        %mul3A_252 = arith.mulf %get3A_122, %mul3A_251 : vector<16xf32>
        %ge3A_253 = arith.constant 5.120000e+02 : f32
        %ge3A_254 = vector.broadcast %ge3A_253 : f32 to vector<16xf32>
        %ge3A_255 = arith.cmpf oge, %mul3A_252, %ge3A_254 : vector<16xf32>
        %sub3A_256 = arith.constant 5.120000e+02 : f32
        %sub3A_257 = vector.broadcast %sub3A_256 : f32 to vector<16xf32>
        %sub3A_258 = arith.subf %mul3A_252, %sub3A_257 : vector<16xf32>
        %select_n3A_259 = arith.select %ge3A_255, %sub3A_258, %mul3A_252 : vector<16xi1>, vector<16xf32>
        %convert_element_type3A_260 = arith.fptosi %select_n3A_259 : vector<16xf32> to vector<16xi32>
        %convert_element_type3A_261 = arith.sitofp %convert_element_type3A_260 : vector<16xi32> to vector<16xf32>
        %sub3A_262 = arith.subf %select_n3A_259, %convert_element_type3A_261 : vector<16xf32>
        %mul3A_263 = arith.constant 2.000000e+00 : f32
        %mul3A_264 = vector.broadcast %mul3A_263 : f32 to vector<16xf32>
        %mul3A_265 = arith.mulf %mul3A_264, %sub3A_262 : vector<16xf32>
        %sub3A_266 = arith.constant 3.000000e+00 : f32
        %sub3A_267 = vector.broadcast %sub3A_266 : f32 to vector<16xf32>
        %sub3A_268 = arith.subf %sub3A_267, %mul3A_265 : vector<16xf32>
        %mul3A_269 = arith.mulf %sub3A_268, %sub3A_262 : vector<16xf32>
        %mul3A_270 = arith.mulf %mul3A_269, %sub3A_262 : vector<16xf32>
        %mul3A_271 = arith.constant 16 : i32
        %mul3A_272 = arith.muli %scan3A_119, %mul3A_271 : i32
        %swap3A_273 = arith.constant 4 : i32
        %swap3A_274 = arith.index_cast %swap3A_273 : i32 to index
        %swap3A_275 = arith.index_cast %mul3A_272 : i32 to index
        %swap3A_276 = tpu.vector_load %arg11[%swap3A_274, %swap3A_275] {strides = array<i32>} : memref<8x128xf32, #tpu.memory_space<vmem>>, vector<16xf32>,
        tpu.vector_store %arg11[%swap3A_274, %swap3A_275], %mul3A_270 {strides = array<i32>} : memref<8x128xf32, #tpu.memory_space<vmem>>, vector<16xf32>,
        %mul3A_277 = arith.constant 5.120000e+02 : f32
        %mul3A_278 = vector.broadcast %mul3A_277 : f32 to vector<16xf32>
        %mul3A_279 = arith.mulf %get3A_126, %mul3A_278 : vector<16xf32>
        %ge3A_280 = arith.constant 5.120000e+02 : f32
        %ge3A_281 = vector.broadcast %ge3A_280 : f32 to vector<16xf32>
        %ge3A_282 = arith.cmpf oge, %mul3A_279, %ge3A_281 : vector<16xf32>
        %sub3A_283 = arith.constant 5.120000e+02 : f32
        %sub3A_284 = vector.broadcast %sub3A_283 : f32 to vector<16xf32>
        %sub3A_285 = arith.subf %mul3A_279, %sub3A_284 : vector<16xf32>
        %select_n3A_286 = arith.select %ge3A_282, %sub3A_285, %mul3A_279 : vector<16xi1>, vector<16xf32>
        %convert_element_type3A_287 = arith.fptosi %select_n3A_286 : vector<16xf32> to vector<16xi32>
        %convert_element_type3A_288 = arith.sitofp %convert_element_type3A_287 : vector<16xi32> to vector<16xf32>
        %sub3A_289 = arith.subf %select_n3A_286, %convert_element_type3A_288 : vector<16xf32>
        %mul3A_290 = arith.constant 2.000000e+00 : f32
        %mul3A_291 = vector.broadcast %mul3A_290 : f32 to vector<16xf32>
        %mul3A_292 = arith.mulf %mul3A_291, %sub3A_289 : vector<16xf32>
        %sub3A_293 = arith.constant 3.000000e+00 : f32
        %sub3A_294 = vector.broadcast %sub3A_293 : f32 to vector<16xf32>
        %sub3A_295 = arith.subf %sub3A_294, %mul3A_292 : vector<16xf32>
        %mul3A_296 = arith.mulf %sub3A_295, %sub3A_289 : vector<16xf32>
        %mul3A_297 = arith.mulf %mul3A_296, %sub3A_289 : vector<16xf32>
        %mul3A_298 = arith.constant 16 : i32
        %mul3A_299 = arith.muli %scan3A_119, %mul3A_298 : i32
        %swap3A_300 = arith.constant 5 : i32
        %swap3A_301 = arith.index_cast %swap3A_300 : i32 to index
        %swap3A_302 = arith.index_cast %mul3A_299 : i32 to index
        %swap3A_303 = tpu.vector_load %arg11[%swap3A_301, %swap3A_302] {strides = array<i32>} : memref<8x128xf32, #tpu.memory_space<vmem>>, vector<16xf32>,
        tpu.vector_store %arg11[%swap3A_301, %swap3A_302], %mul3A_297 {strides = array<i32>} : memref<8x128xf32, #tpu.memory_space<vmem>>, vector<16xf32>,
        %mul3A_304 = arith.constant 512 : i32
        %mul3A_305 = vector.broadcast %mul3A_304 : i32 to vector<16xi32>
        %mul3A_306 = arith.muli %convert_element_type3A_260, %mul3A_305 : vector<16xi32>
        %add3A_307 = arith.addi %mul3A_306, %convert_element_type3A_287 : vector<16xi32>
        %mul3A_308 = arith.constant 16 : i32
        %mul3A_309 = arith.muli %scan3A_119, %mul3A_308 : i32
        %swap3A_310 = arith.constant 2 : i32
        %swap3A_311 = arith.index_cast %swap3A_310 : i32 to index
        %swap3A_312 = arith.index_cast %mul3A_309 : i32 to index
        %swap3A_313 = tpu.vector_load %arg10[%swap3A_311, %swap3A_312] {strides = array<i32>} : memref<4x128xi32, #tpu.memory_space<vmem>>, vector<16xi32>,
        tpu.vector_store %arg10[%swap3A_311, %swap3A_312], %add3A_307 {strides = array<i32>} : memref<4x128xi32, #tpu.memory_space<vmem>>, vector<16xi32>,
        %mul3A_314 = arith.constant 1.024000e+03 : f32
        %mul3A_315 = vector.broadcast %mul3A_314 : f32 to vector<16xf32>
        %mul3A_316 = arith.mulf %get3A_122, %mul3A_315 : vector<16xf32>
        %ge3A_317 = arith.constant 1.024000e+03 : f32
        %ge3A_318 = vector.broadcast %ge3A_317 : f32 to vector<16xf32>
        %ge3A_319 = arith.cmpf oge, %mul3A_316, %ge3A_318 : vector<16xf32>
        %sub3A_320 = arith.constant 1.024000e+03 : f32
        %sub3A_321 = vector.broadcast %sub3A_320 : f32 to vector<16xf32>
        %sub3A_322 = arith.subf %mul3A_316, %sub3A_321 : vector<16xf32>
        %select_n3A_323 = arith.select %ge3A_319, %sub3A_322, %mul3A_316 : vector<16xi1>, vector<16xf32>
        %convert_element_type3A_324 = arith.fptosi %select_n3A_323 : vector<16xf32> to vector<16xi32>
        %convert_element_type3A_325 = arith.sitofp %convert_element_type3A_324 : vector<16xi32> to vector<16xf32>
        %sub3A_326 = arith.subf %select_n3A_323, %convert_element_type3A_325 : vector<16xf32>
        %mul3A_327 = arith.constant 2.000000e+00 : f32
        %mul3A_328 = vector.broadcast %mul3A_327 : f32 to vector<16xf32>
        %mul3A_329 = arith.mulf %mul3A_328, %sub3A_326 : vector<16xf32>
        %sub3A_330 = arith.constant 3.000000e+00 : f32
        %sub3A_331 = vector.broadcast %sub3A_330 : f32 to vector<16xf32>
        %sub3A_332 = arith.subf %sub3A_331, %mul3A_329 : vector<16xf32>
        %mul3A_333 = arith.mulf %sub3A_332, %sub3A_326 : vector<16xf32>
        %mul3A_334 = arith.mulf %mul3A_333, %sub3A_326 : vector<16xf32>
        %mul3A_335 = arith.constant 16 : i32
        %mul3A_336 = arith.muli %scan3A_119, %mul3A_335 : i32
        %swap3A_337 = arith.constant 6 : i32
        %swap3A_338 = arith.index_cast %swap3A_337 : i32 to index
        %swap3A_339 = arith.index_cast %mul3A_336 : i32 to index
        %swap3A_340 = tpu.vector_load %arg11[%swap3A_338, %swap3A_339] {strides = array<i32>} : memref<8x128xf32, #tpu.memory_space<vmem>>, vector<16xf32>,
        tpu.vector_store %arg11[%swap3A_338, %swap3A_339], %mul3A_334 {strides = array<i32>} : memref<8x128xf32, #tpu.memory_space<vmem>>, vector<16xf32>,
        %mul3A_341 = arith.constant 1.024000e+03 : f32
        %mul3A_342 = vector.broadcast %mul3A_341 : f32 to vector<16xf32>
        %mul3A_343 = arith.mulf %get3A_126, %mul3A_342 : vector<16xf32>
        %ge3A_344 = arith.constant 1.024000e+03 : f32
        %ge3A_345 = vector.broadcast %ge3A_344 : f32 to vector<16xf32>
        %ge3A_346 = arith.cmpf oge, %mul3A_343, %ge3A_345 : vector<16xf32>
        %sub3A_347 = arith.constant 1.024000e+03 : f32
        %sub3A_348 = vector.broadcast %sub3A_347 : f32 to vector<16xf32>
        %sub3A_349 = arith.subf %mul3A_343, %sub3A_348 : vector<16xf32>
        %select_n3A_350 = arith.select %ge3A_346, %sub3A_349, %mul3A_343 : vector<16xi1>, vector<16xf32>
        %convert_element_type3A_351 = arith.fptosi %select_n3A_350 : vector<16xf32> to vector<16xi32>
        %convert_element_type3A_352 = arith.sitofp %convert_element_type3A_351 : vector<16xi32> to vector<16xf32>
        %sub3A_353 = arith.subf %select_n3A_350, %convert_element_type3A_352 : vector<16xf32>
        %mul3A_354 = arith.constant 2.000000e+00 : f32
        %mul3A_355 = vector.broadcast %mul3A_354 : f32 to vector<16xf32>
        %mul3A_356 = arith.mulf %mul3A_355, %sub3A_353 : vector<16xf32>
        %sub3A_357 = arith.constant 3.000000e+00 : f32
        %sub3A_358 = vector.broadcast %sub3A_357 : f32 to vector<16xf32>
        %sub3A_359 = arith.subf %sub3A_358, %mul3A_356 : vector<16xf32>
        %mul3A_360 = arith.mulf %sub3A_359, %sub3A_353 : vector<16xf32>
        %mul3A_361 = arith.mulf %mul3A_360, %sub3A_353 : vector<16xf32>
        %mul3A_362 = arith.constant 16 : i32
        %mul3A_363 = arith.muli %scan3A_119, %mul3A_362 : i32
        %swap3A_364 = arith.constant 7 : i32
        %swap3A_365 = arith.index_cast %swap3A_364 : i32 to index
        %swap3A_366 = arith.index_cast %mul3A_363 : i32 to index
        %swap3A_367 = tpu.vector_load %arg11[%swap3A_365, %swap3A_366] {strides = array<i32>} : memref<8x128xf32, #tpu.memory_space<vmem>>, vector<16xf32>,
        tpu.vector_store %arg11[%swap3A_365, %swap3A_366], %mul3A_361 {strides = array<i32>} : memref<8x128xf32, #tpu.memory_space<vmem>>, vector<16xf32>,
        %mul3A_368 = arith.constant 1024 : i32
        %mul3A_369 = vector.broadcast %mul3A_368 : i32 to vector<16xi32>
        %mul3A_370 = arith.muli %convert_element_type3A_324, %mul3A_369 : vector<16xi32>
        %add3A_371 = arith.addi %mul3A_370, %convert_element_type3A_351 : vector<16xi32>
        %mul3A_372 = arith.constant 16 : i32
        %mul3A_373 = arith.muli %scan3A_119, %mul3A_372 : i32
        %swap3A_374 = arith.constant 3 : i32
        %swap3A_375 = arith.index_cast %swap3A_374 : i32 to index
        %swap3A_376 = arith.index_cast %mul3A_373 : i32 to index
        %swap3A_377 = tpu.vector_load %arg10[%swap3A_375, %swap3A_376] {strides = array<i32>} : memref<4x128xi32, #tpu.memory_space<vmem>>, vector<16xi32>,
        tpu.vector_store %arg10[%swap3A_375, %swap3A_376], %add3A_371 {strides = array<i32>} : memref<4x128xi32, #tpu.memory_space<vmem>>, vector<16xi32>,
      }
      %scan3A_18 = arith.constant 8 : i32
      %dma_start3A = arith.constant 0 : i32
      %dma_start3A_19 = arith.constant 0 : i32
      %dma_start3A_20 = arith.constant 0 : i32
      %dma_start3A_21 = arith.constant 0 : i32
      %dma_start3A_22 = tpu.memref_slice %arg12[%dma_start3A_19, %dma_start3A_20, %dma_start3A_21] : memref<4x128x16xf32, #tpu.memory_space<vmem>> -> memref<1x128x16xf32, #tpu.memory_space<vmem>>
      %dma_start3A_23 = tpu.memref_squeeze %dma_start3A_22 : memref<1x128x16xf32, #tpu.memory_space<vmem>> -> memref<128x16xf32, #tpu.memory_space<vmem>>
      %dma_start3A_24 = arith.constant 0 : i32
      %dma_start3A_25 = tpu.memref_slice %arg10[%dma_start3A, %dma_start3A_24] : memref<4x128xi32, #tpu.memory_space<vmem>> -> memref<1x128xi32, #tpu.memory_space<vmem>>
      %dma_start3A_26 = tpu.memref_squeeze %dma_start3A_25 : memref<1x128xi32, #tpu.memory_space<vmem>> -> memref<128xi32, #tpu.memory_space<vmem>>
      %dma_start3A_27 = arith.constant 0 : i32
      %dma_start3A_28 = arith.constant 0 : i32
      %dma_start3A_29 = tpu.memref_slice %arg3[%dma_start3A_27, %dma_start3A_28] : memref<16384x16xf32, #tpu.memory_space<hbm>> -> memref<16384x16xf32, #tpu.memory_space<hbm>>
      tpu.enqueue_indirect_dma source(%dma_start3A_29 : memref<16384x16xf32, #tpu.memory_space<hbm>>) target(%dma_start3A_23 : memref<128x16xf32, #tpu.memory_space<vmem>>) offsets(%dma_start3A_26 : memref<128xi32, #tpu.memory_space<vmem>>) semaphore(%arg14 : memref<!tpu.dma_semaphore, #tpu.memory_space<semaphore_mem>>)
      %dma_start3A_30 = arith.constant 1 : i32
      %dma_start3A_31 = arith.constant 1 : i32
      %dma_start3A_32 = arith.constant 0 : i32
      %dma_start3A_33 = arith.constant 0 : i32
      %dma_start3A_34 = tpu.memref_slice %arg12[%dma_start3A_31, %dma_start3A_32, %dma_start3A_33] : memref<4x128x16xf32, #tpu.memory_space<vmem>> -> memref<1x128x16xf32, #tpu.memory_space<vmem>>
      %dma_start3A_35 = tpu.memref_squeeze %dma_start3A_34 : memref<1x128x16xf32, #tpu.memory_space<vmem>> -> memref<128x16xf32, #tpu.memory_space<vmem>>
      %dma_start3A_36 = arith.constant 0 : i32
      %dma_start3A_37 = tpu.memref_slice %arg10[%dma_start3A_30, %dma_start3A_36] : memref<4x128xi32, #tpu.memory_space<vmem>> -> memref<1x128xi32, #tpu.memory_space<vmem>>
      %dma_start3A_38 = tpu.memref_squeeze %dma_start3A_37 : memref<1x128xi32, #tpu.memory_space<vmem>> -> memref<128xi32, #tpu.memory_space<vmem>>
      %dma_start3A_39 = arith.constant 0 : i32
      %dma_start3A_40 = arith.constant 0 : i32
      %dma_start3A_41 = tpu.memref_slice %arg4[%dma_start3A_39, %dma_start3A_40] : memref<65536x16xf32, #tpu.memory_space<hbm>> -> memref<65536x16xf32, #tpu.memory_space<hbm>>
      tpu.enqueue_indirect_dma source(%dma_start3A_41 : memref<65536x16xf32, #tpu.memory_space<hbm>>) target(%dma_start3A_35 : memref<128x16xf32, #tpu.memory_space<vmem>>) offsets(%dma_start3A_38 : memref<128xi32, #tpu.memory_space<vmem>>) semaphore(%arg14 : memref<!tpu.dma_semaphore, #tpu.memory_space<semaphore_mem>>)
      %dma_start3A_42 = arith.constant 2 : i32
      %dma_start3A_43 = arith.constant 2 : i32
      %dma_start3A_44 = arith.constant 0 : i32
      %dma_start3A_45 = arith.constant 0 : i32
      %dma_start3A_46 = tpu.memref_slice %arg12[%dma_start3A_43, %dma_start3A_44, %dma_start3A_45] : memref<4x128x16xf32, #tpu.memory_space<vmem>> -> memref<1x128x16xf32, #tpu.memory_space<vmem>>
      %dma_start3A_47 = tpu.memref_squeeze %dma_start3A_46 : memref<1x128x16xf32, #tpu.memory_space<vmem>> -> memref<128x16xf32, #tpu.memory_space<vmem>>
      %dma_start3A_48 = arith.constant 0 : i32
      %dma_start3A_49 = tpu.memref_slice %arg10[%dma_start3A_42, %dma_start3A_48] : memref<4x128xi32, #tpu.memory_space<vmem>> -> memref<1x128xi32, #tpu.memory_space<vmem>>
      %dma_start3A_50 = tpu.memref_squeeze %dma_start3A_49 : memref<1x128xi32, #tpu.memory_space<vmem>> -> memref<128xi32, #tpu.memory_space<vmem>>
      %dma_start3A_51 = arith.constant 0 : i32
      %dma_start3A_52 = arith.constant 0 : i32
      %dma_start3A_53 = tpu.memref_slice %arg5[%dma_start3A_51, %dma_start3A_52] : memref<262144x16xf32, #tpu.memory_space<hbm>> -> memref<262144x16xf32, #tpu.memory_space<hbm>>
      tpu.enqueue_indirect_dma source(%dma_start3A_53 : memref<262144x16xf32, #tpu.memory_space<hbm>>) target(%dma_start3A_47 : memref<128x16xf32, #tpu.memory_space<vmem>>) offsets(%dma_start3A_50 : memref<128xi32, #tpu.memory_space<vmem>>) semaphore(%arg14 : memref<!tpu.dma_semaphore, #tpu.memory_space<semaphore_mem>>)
      %dma_start3A_54 = arith.constant 3 : i32
      %dma_start3A_55 = arith.constant 3 : i32
      %dma_start3A_56 = arith.constant 0 : i32
      %dma_start3A_57 = arith.constant 0 : i32
      %dma_start3A_58 = tpu.memref_slice %arg12[%dma_start3A_55, %dma_start3A_56, %dma_start3A_57] : memref<4x128x16xf32, #tpu.memory_space<vmem>> -> memref<1x128x16xf32, #tpu.memory_space<vmem>>
      %dma_start3A_59 = tpu.memref_squeeze %dma_start3A_58 : memref<1x128x16xf32, #tpu.memory_space<vmem>> -> memref<128x16xf32, #tpu.memory_space<vmem>>
      %dma_start3A_60 = arith.constant 0 : i32
      %dma_start3A_61 = tpu.memref_slice %arg10[%dma_start3A_54, %dma_start3A_60] : memref<4x128xi32, #tpu.memory_space<vmem>> -> memref<1x128xi32, #tpu.memory_space<vmem>>
      %dma_start3A_62 = tpu.memref_squeeze %dma_start3A_61 : memref<1x128xi32, #tpu.memory_space<vmem>> -> memref<128xi32, #tpu.memory_space<vmem>>
      %dma_start3A_63 = arith.constant 0 : i32
      %dma_start3A_64 = arith.constant 0 : i32
      %dma_start3A_65 = tpu.memref_slice %arg6[%dma_start3A_63, %dma_start3A_64] : memref<1048576x16xf32, #tpu.memory_space<hbm>> -> memref<1048576x16xf32, #tpu.memory_space<hbm>>
      tpu.enqueue_indirect_dma source(%dma_start3A_65 : memref<1048576x16xf32, #tpu.memory_space<hbm>>) target(%dma_start3A_59 : memref<128x16xf32, #tpu.memory_space<vmem>>) offsets(%dma_start3A_62 : memref<128xi32, #tpu.memory_space<vmem>>) semaphore(%arg14 : memref<!tpu.dma_semaphore, #tpu.memory_space<semaphore_mem>>)
      %dma_wait3A = arith.constant 0 : i32
      %dma_wait3A_66 = arith.constant 0 : i32
      %dma_wait3A_67 = arith.constant 0 : i32
      %dma_wait3A_68 = arith.constant 0 : i32
      %dma_wait3A_69 = tpu.memref_slice %arg12[%dma_wait3A_66, %dma_wait3A_67, %dma_wait3A_68] : memref<4x128x16xf32, #tpu.memory_space<vmem>> -> memref<1x128x16xf32, #tpu.memory_space<vmem>>
      %dma_wait3A_70 = tpu.memref_squeeze %dma_wait3A_69 : memref<1x128x16xf32, #tpu.memory_space<vmem>> -> memref<128x16xf32, #tpu.memory_space<vmem>>
      %dma_wait3A_71 = arith.constant 0 : i32
      %dma_wait3A_72 = tpu.memref_slice %arg10[%dma_wait3A, %dma_wait3A_71] : memref<4x128xi32, #tpu.memory_space<vmem>> -> memref<1x128xi32, #tpu.memory_space<vmem>>
      %dma_wait3A_73 = tpu.memref_squeeze %dma_wait3A_72 : memref<1x128xi32, #tpu.memory_space<vmem>> -> memref<128xi32, #tpu.memory_space<vmem>>
      %dma_wait3A_74 = arith.constant 0 : i32
      %dma_wait3A_75 = arith.constant 0 : i32
      %dma_wait3A_76 = tpu.memref_slice %arg3[%dma_wait3A_74, %dma_wait3A_75] : memref<16384x16xf32, #tpu.memory_space<hbm>> -> memref<16384x16xf32, #tpu.memory_space<hbm>>
      tpu.wait_indirect_dma semaphore(%arg14 : memref<!tpu.dma_semaphore, #tpu.memory_space<semaphore_mem>>) src(%dma_wait3A_76 : memref<16384x16xf32, #tpu.memory_space<hbm>>) dst(%dma_wait3A_70 : memref<128x16xf32, #tpu.memory_space<vmem>>)
      %dma_wait3A_77 = arith.constant 1 : i32
      %dma_wait3A_78 = arith.constant 1 : i32
      %dma_wait3A_79 = arith.constant 0 : i32
      %dma_wait3A_80 = arith.constant 0 : i32
      %dma_wait3A_81 = tpu.memref_slice %arg12[%dma_wait3A_78, %dma_wait3A_79, %dma_wait3A_80] : memref<4x128x16xf32, #tpu.memory_space<vmem>> -> memref<1x128x16xf32, #tpu.memory_space<vmem>>
      %dma_wait3A_82 = tpu.memref_squeeze %dma_wait3A_81 : memref<1x128x16xf32, #tpu.memory_space<vmem>> -> memref<128x16xf32, #tpu.memory_space<vmem>>
      %dma_wait3A_83 = arith.constant 0 : i32
      %dma_wait3A_84 = tpu.memref_slice %arg10[%dma_wait3A_77, %dma_wait3A_83] : memref<4x128xi32, #tpu.memory_space<vmem>> -> memref<1x128xi32, #tpu.memory_space<vmem>>
      %dma_wait3A_85 = tpu.memref_squeeze %dma_wait3A_84 : memref<1x128xi32, #tpu.memory_space<vmem>> -> memref<128xi32, #tpu.memory_space<vmem>>
      %dma_wait3A_86 = arith.constant 0 : i32
      %dma_wait3A_87 = arith.constant 0 : i32
      %dma_wait3A_88 = tpu.memref_slice %arg4[%dma_wait3A_86, %dma_wait3A_87] : memref<65536x16xf32, #tpu.memory_space<hbm>> -> memref<65536x16xf32, #tpu.memory_space<hbm>>
      tpu.wait_indirect_dma semaphore(%arg14 : memref<!tpu.dma_semaphore, #tpu.memory_space<semaphore_mem>>) src(%dma_wait3A_88 : memref<65536x16xf32, #tpu.memory_space<hbm>>) dst(%dma_wait3A_82 : memref<128x16xf32, #tpu.memory_space<vmem>>)
      %dma_wait3A_89 = arith.constant 2 : i32
      %dma_wait3A_90 = arith.constant 2 : i32
      %dma_wait3A_91 = arith.constant 0 : i32
      %dma_wait3A_92 = arith.constant 0 : i32
      %dma_wait3A_93 = tpu.memref_slice %arg12[%dma_wait3A_90, %dma_wait3A_91, %dma_wait3A_92] : memref<4x128x16xf32, #tpu.memory_space<vmem>> -> memref<1x128x16xf32, #tpu.memory_space<vmem>>
      %dma_wait3A_94 = tpu.memref_squeeze %dma_wait3A_93 : memref<1x128x16xf32, #tpu.memory_space<vmem>> -> memref<128x16xf32, #tpu.memory_space<vmem>>
      %dma_wait3A_95 = arith.constant 0 : i32
      %dma_wait3A_96 = tpu.memref_slice %arg10[%dma_wait3A_89, %dma_wait3A_95] : memref<4x128xi32, #tpu.memory_space<vmem>> -> memref<1x128xi32, #tpu.memory_space<vmem>>
      %dma_wait3A_97 = tpu.memref_squeeze %dma_wait3A_96 : memref<1x128xi32, #tpu.memory_space<vmem>> -> memref<128xi32, #tpu.memory_space<vmem>>
      %dma_wait3A_98 = arith.constant 0 : i32
      %dma_wait3A_99 = arith.constant 0 : i32
      %dma_wait3A_100 = tpu.memref_slice %arg5[%dma_wait3A_98, %dma_wait3A_99] : memref<262144x16xf32, #tpu.memory_space<hbm>> -> memref<262144x16xf32, #tpu.memory_space<hbm>>
      tpu.wait_indirect_dma semaphore(%arg14 : memref<!tpu.dma_semaphore, #tpu.memory_space<semaphore_mem>>) src(%dma_wait3A_100 : memref<262144x16xf32, #tpu.memory_space<hbm>>) dst(%dma_wait3A_94 : memref<128x16xf32, #tpu.memory_space<vmem>>)
      %dma_wait3A_101 = arith.constant 3 : i32
      %dma_wait3A_102 = arith.constant 3 : i32
      %dma_wait3A_103 = arith.constant 0 : i32
      %dma_wait3A_104 = arith.constant 0 : i32
      %dma_wait3A_105 = tpu.memref_slice %arg12[%dma_wait3A_102, %dma_wait3A_103, %dma_wait3A_104] : memref<4x128x16xf32, #tpu.memory_space<vmem>> -> memref<1x128x16xf32, #tpu.memory_space<vmem>>
      %dma_wait3A_106 = tpu.memref_squeeze %dma_wait3A_105 : memref<1x128x16xf32, #tpu.memory_space<vmem>> -> memref<128x16xf32, #tpu.memory_space<vmem>>
      %dma_wait3A_107 = arith.constant 0 : i32
      %dma_wait3A_108 = tpu.memref_slice %arg10[%dma_wait3A_101, %dma_wait3A_107] : memref<4x128xi32, #tpu.memory_space<vmem>> -> memref<1x128xi32, #tpu.memory_space<vmem>>
      %dma_wait3A_109 = tpu.memref_squeeze %dma_wait3A_108 : memref<1x128xi32, #tpu.memory_space<vmem>> -> memref<128xi32, #tpu.memory_space<vmem>>
      %dma_wait3A_110 = arith.constant 0 : i32
      %dma_wait3A_111 = arith.constant 0 : i32
      %dma_wait3A_112 = tpu.memref_slice %arg6[%dma_wait3A_110, %dma_wait3A_111] : memref<1048576x16xf32, #tpu.memory_space<hbm>> -> memref<1048576x16xf32, #tpu.memory_space<hbm>>
      tpu.wait_indirect_dma semaphore(%arg14 : memref<!tpu.dma_semaphore, #tpu.memory_space<semaphore_mem>>) src(%dma_wait3A_112 : memref<1048576x16xf32, #tpu.memory_space<hbm>>) dst(%dma_wait3A_106 : memref<128x16xf32, #tpu.memory_space<vmem>>)
      %scan3A_113 = arith.constant 0 : i32
      %scan3A_114 = arith.constant 0 : i32
      %scan3A_115 = arith.constant 8 : i32
      %scan3A_116 = arith.addi %scan3A_114, %scan3A_115 : i32
      %scan3A_117 = arith.constant 1 : i32
      scf.for %scan3A_119 = %scan3A_114 to %scan3A_116 step %scan3A_117  : i32 {
        %mul3A_120 = arith.constant 16 : i32
        %mul3A_121 = arith.muli %scan3A_119, %mul3A_120 : i32
        %add3A_122 = vector.broadcast %mul3A_121 : i32 to vector<16xi32>
        %add3A_123 = arith.addi %add3A_122, %iota3A : vector<16xi32>
        %mul3A_124 = arith.constant 16 : i32
        %mul3A_125 = arith.muli %scan3A_119, %mul3A_124 : i32
        %get3A = arith.constant 0 : i32
        %get3A_126 = arith.index_cast %get3A : i32 to index
        %get3A_127 = arith.index_cast %mul3A_125 : i32 to index
        %get3A_128 = tpu.vector_load %arg11[%get3A_126, %get3A_127] {strides = array<i32>} : memref<8x128xf32, #tpu.memory_space<vmem>>, vector<16xf32>,
        %mul3A_129 = arith.constant 16 : i32
        %mul3A_130 = arith.muli %scan3A_119, %mul3A_129 : i32
        %get3A_131 = arith.constant 1 : i32
        %get3A_132 = arith.index_cast %get3A_131 : i32 to index
        %get3A_133 = arith.index_cast %mul3A_130 : i32 to index
        %get3A_134 = tpu.vector_load %arg11[%get3A_132, %get3A_133] {strides = array<i32>} : memref<8x128xf32, #tpu.memory_space<vmem>>, vector<16xf32>,
        %broadcast_in_dim3A = arith.constant 0 : i32
        %broadcast_in_dim3A_135 = vector.broadcast %broadcast_in_dim3A : i32 to vector<16xi32>
        %gather3A = arith.constant 0 : i32
        %gather3A_136 = arith.constant 0 : i32
        %gather3A_137 = arith.constant 0 : i32
        %gather3A_138 = tpu.memref_slice %arg12[%gather3A, %gather3A_136, %gather3A_137] : memref<4x128x16xf32, #tpu.memory_space<vmem>> -> memref<1x128x16xf32, #tpu.memory_space<vmem>>
        %gather3A_139 = tpu.memref_squeeze %gather3A_138 : memref<1x128x16xf32, #tpu.memory_space<vmem>> -> memref<128x16xf32, #tpu.memory_space<vmem>>
        %gather3A_140 = tpu.vector_load_idx %gather3A_139[%add3A_123, %broadcast_in_dim3A_135] : memref<128x16xf32, #tpu.memory_space<vmem>>[vector<16xi32>, vector<16xi32>], vector<16xf32>,
        %broadcast_in_dim3A_141 = arith.constant 4 : i32
        %broadcast_in_dim3A_142 = vector.broadcast %broadcast_in_dim3A_141 : i32 to vector<16xi32>
        %gather3A_143 = arith.constant 0 : i32
        %gather3A_144 = arith.constant 0 : i32
        %gather3A_145 = arith.constant 0 : i32
        %gather3A_146 = tpu.memref_slice %arg12[%gather3A_143, %gather3A_144, %gather3A_145] : memref<4x128x16xf32, #tpu.memory_space<vmem>> -> memref<1x128x16xf32, #tpu.memory_space<vmem>>
        %gather3A_147 = tpu.memref_squeeze %gather3A_146 : memref<1x128x16xf32, #tpu.memory_space<vmem>> -> memref<128x16xf32, #tpu.memory_space<vmem>>
        %gather3A_148 = tpu.vector_load_idx %gather3A_147[%add3A_123, %broadcast_in_dim3A_142] : memref<128x16xf32, #tpu.memory_space<vmem>>[vector<16xi32>, vector<16xi32>], vector<16xf32>,
        %broadcast_in_dim3A_149 = arith.constant 8 : i32
        %broadcast_in_dim3A_150 = vector.broadcast %broadcast_in_dim3A_149 : i32 to vector<16xi32>
        %gather3A_151 = arith.constant 0 : i32
        %gather3A_152 = arith.constant 0 : i32
        %gather3A_153 = arith.constant 0 : i32
        %gather3A_154 = tpu.memref_slice %arg12[%gather3A_151, %gather3A_152, %gather3A_153] : memref<4x128x16xf32, #tpu.memory_space<vmem>> -> memref<1x128x16xf32, #tpu.memory_space<vmem>>
        %gather3A_155 = tpu.memref_squeeze %gather3A_154 : memref<1x128x16xf32, #tpu.memory_space<vmem>> -> memref<128x16xf32, #tpu.memory_space<vmem>>
        %gather3A_156 = tpu.vector_load_idx %gather3A_155[%add3A_123, %broadcast_in_dim3A_150] : memref<128x16xf32, #tpu.memory_space<vmem>>[vector<16xi32>, vector<16xi32>], vector<16xf32>,
        %broadcast_in_dim3A_157 = arith.constant 12 : i32
        %broadcast_in_dim3A_158 = vector.broadcast %broadcast_in_dim3A_157 : i32 to vector<16xi32>
        %gather3A_159 = arith.constant 0 : i32
        %gather3A_160 = arith.constant 0 : i32
        %gather3A_161 = arith.constant 0 : i32
        %gather3A_162 = tpu.memref_slice %arg12[%gather3A_159, %gather3A_160, %gather3A_161] : memref<4x128x16xf32, #tpu.memory_space<vmem>> -> memref<1x128x16xf32, #tpu.memory_space<vmem>>
        %gather3A_163 = tpu.memref_squeeze %gather3A_162 : memref<1x128x16xf32, #tpu.memory_space<vmem>> -> memref<128x16xf32, #tpu.memory_space<vmem>>
        %gather3A_164 = tpu.vector_load_idx %gather3A_163[%add3A_123, %broadcast_in_dim3A_158] : memref<128x16xf32, #tpu.memory_space<vmem>>[vector<16xi32>, vector<16xi32>], vector<16xf32>,
        %sub3A = arith.subf %gather3A_156, %gather3A_140 : vector<16xf32>
        %mul3A_165 = arith.mulf %get3A_128, %sub3A : vector<16xf32>
        %add3A_166 = arith.addf %gather3A_140, %mul3A_165 : vector<16xf32>
        %sub3A_167 = arith.subf %gather3A_164, %gather3A_148 : vector<16xf32>
        %mul3A_168 = arith.mulf %get3A_128, %sub3A_167 : vector<16xf32>
        %add3A_169 = arith.addf %gather3A_148, %mul3A_168 : vector<16xf32>
        %sub3A_170 = arith.subf %add3A_169, %add3A_166 : vector<16xf32>
        %mul3A_171 = arith.mulf %get3A_134, %sub3A_170 : vector<16xf32>
        %add3A_172 = arith.addf %add3A_166, %mul3A_171 : vector<16xf32>
        %mul3A_173 = arith.constant 1.000000e+00 : f32
        %mul3A_174 = vector.broadcast %mul3A_173 : f32 to vector<16xf32>
        %mul3A_175 = arith.mulf %add3A_172, %mul3A_174 : vector<16xf32>
        %broadcast_in_dim3A_176 = arith.constant 1 : i32
        %broadcast_in_dim3A_177 = vector.broadcast %broadcast_in_dim3A_176 : i32 to vector<16xi32>
        %gather3A_178 = arith.constant 0 : i32
        %gather3A_179 = arith.constant 0 : i32
        %gather3A_180 = arith.constant 0 : i32
        %gather3A_181 = tpu.memref_slice %arg12[%gather3A_178, %gather3A_179, %gather3A_180] : memref<4x128x16xf32, #tpu.memory_space<vmem>> -> memref<1x128x16xf32, #tpu.memory_space<vmem>>
        %gather3A_182 = tpu.memref_squeeze %gather3A_181 : memref<1x128x16xf32, #tpu.memory_space<vmem>> -> memref<128x16xf32, #tpu.memory_space<vmem>>
        %gather3A_183 = tpu.vector_load_idx %gather3A_182[%add3A_123, %broadcast_in_dim3A_177] : memref<128x16xf32, #tpu.memory_space<vmem>>[vector<16xi32>, vector<16xi32>], vector<16xf32>,
        %broadcast_in_dim3A_184 = arith.constant 5 : i32
        %broadcast_in_dim3A_185 = vector.broadcast %broadcast_in_dim3A_184 : i32 to vector<16xi32>
        %gather3A_186 = arith.constant 0 : i32
        %gather3A_187 = arith.constant 0 : i32
        %gather3A_188 = arith.constant 0 : i32
        %gather3A_189 = tpu.memref_slice %arg12[%gather3A_186, %gather3A_187, %gather3A_188] : memref<4x128x16xf32, #tpu.memory_space<vmem>> -> memref<1x128x16xf32, #tpu.memory_space<vmem>>
        %gather3A_190 = tpu.memref_squeeze %gather3A_189 : memref<1x128x16xf32, #tpu.memory_space<vmem>> -> memref<128x16xf32, #tpu.memory_space<vmem>>
        %gather3A_191 = tpu.vector_load_idx %gather3A_190[%add3A_123, %broadcast_in_dim3A_185] : memref<128x16xf32, #tpu.memory_space<vmem>>[vector<16xi32>, vector<16xi32>], vector<16xf32>,
        %broadcast_in_dim3A_192 = arith.constant 9 : i32
        %broadcast_in_dim3A_193 = vector.broadcast %broadcast_in_dim3A_192 : i32 to vector<16xi32>
        %gather3A_194 = arith.constant 0 : i32
        %gather3A_195 = arith.constant 0 : i32
        %gather3A_196 = arith.constant 0 : i32
        %gather3A_197 = tpu.memref_slice %arg12[%gather3A_194, %gather3A_195, %gather3A_196] : memref<4x128x16xf32, #tpu.memory_space<vmem>> -> memref<1x128x16xf32, #tpu.memory_space<vmem>>
        %gather3A_198 = tpu.memref_squeeze %gather3A_197 : memref<1x128x16xf32, #tpu.memory_space<vmem>> -> memref<128x16xf32, #tpu.memory_space<vmem>>
        %gather3A_199 = tpu.vector_load_idx %gather3A_198[%add3A_123, %broadcast_in_dim3A_193] : memref<128x16xf32, #tpu.memory_space<vmem>>[vector<16xi32>, vector<16xi32>], vector<16xf32>,
        %broadcast_in_dim3A_200 = arith.constant 13 : i32
        %broadcast_in_dim3A_201 = vector.broadcast %broadcast_in_dim3A_200 : i32 to vector<16xi32>
        %gather3A_202 = arith.constant 0 : i32
        %gather3A_203 = arith.constant 0 : i32
        %gather3A_204 = arith.constant 0 : i32
        %gather3A_205 = tpu.memref_slice %arg12[%gather3A_202, %gather3A_203, %gather3A_204] : memref<4x128x16xf32, #tpu.memory_space<vmem>> -> memref<1x128x16xf32, #tpu.memory_space<vmem>>
        %gather3A_206 = tpu.memref_squeeze %gather3A_205 : memref<1x128x16xf32, #tpu.memory_space<vmem>> -> memref<128x16xf32, #tpu.memory_space<vmem>>
        %gather3A_207 = tpu.vector_load_idx %gather3A_206[%add3A_123, %broadcast_in_dim3A_201] : memref<128x16xf32, #tpu.memory_space<vmem>>[vector<16xi32>, vector<16xi32>], vector<16xf32>,
        %sub3A_208 = arith.subf %gather3A_199, %gather3A_183 : vector<16xf32>
        %mul3A_209 = arith.mulf %get3A_128, %sub3A_208 : vector<16xf32>
        %add3A_210 = arith.addf %gather3A_183, %mul3A_209 : vector<16xf32>
        %sub3A_211 = arith.subf %gather3A_207, %gather3A_191 : vector<16xf32>
        %mul3A_212 = arith.mulf %get3A_128, %sub3A_211 : vector<16xf32>
        %add3A_213 = arith.addf %gather3A_191, %mul3A_212 : vector<16xf32>
        %sub3A_214 = arith.subf %add3A_213, %add3A_210 : vector<16xf32>
        %mul3A_215 = arith.mulf %get3A_134, %sub3A_214 : vector<16xf32>
        %add3A_216 = arith.addf %add3A_210, %mul3A_215 : vector<16xf32>
        %mul3A_217 = arith.constant 1.000000e+00 : f32
        %mul3A_218 = vector.broadcast %mul3A_217 : f32 to vector<16xf32>
        %mul3A_219 = arith.mulf %add3A_216, %mul3A_218 : vector<16xf32>
        %broadcast_in_dim3A_220 = arith.constant 2 : i32
        %broadcast_in_dim3A_221 = vector.broadcast %broadcast_in_dim3A_220 : i32 to vector<16xi32>
        %gather3A_222 = arith.constant 0 : i32
        %gather3A_223 = arith.constant 0 : i32
        %gather3A_224 = arith.constant 0 : i32
        %gather3A_225 = tpu.memref_slice %arg12[%gather3A_222, %gather3A_223, %gather3A_224] : memref<4x128x16xf32, #tpu.memory_space<vmem>> -> memref<1x128x16xf32, #tpu.memory_space<vmem>>
        %gather3A_226 = tpu.memref_squeeze %gather3A_225 : memref<1x128x16xf32, #tpu.memory_space<vmem>> -> memref<128x16xf32, #tpu.memory_space<vmem>>
        %gather3A_227 = tpu.vector_load_idx %gather3A_226[%add3A_123, %broadcast_in_dim3A_221] : memref<128x16xf32, #tpu.memory_space<vmem>>[vector<16xi32>, vector<16xi32>], vector<16xf32>,
        %broadcast_in_dim3A_228 = arith.constant 6 : i32
        %broadcast_in_dim3A_229 = vector.broadcast %broadcast_in_dim3A_228 : i32 to vector<16xi32>
        %gather3A_230 = arith.constant 0 : i32
        %gather3A_231 = arith.constant 0 : i32
        %gather3A_232 = arith.constant 0 : i32
        %gather3A_233 = tpu.memref_slice %arg12[%gather3A_230, %gather3A_231, %gather3A_232] : memref<4x128x16xf32, #tpu.memory_space<vmem>> -> memref<1x128x16xf32, #tpu.memory_space<vmem>>
        %gather3A_234 = tpu.memref_squeeze %gather3A_233 : memref<1x128x16xf32, #tpu.memory_space<vmem>> -> memref<128x16xf32, #tpu.memory_space<vmem>>
        %gather3A_235 = tpu.vector_load_idx %gather3A_234[%add3A_123, %broadcast_in_dim3A_229] : memref<128x16xf32, #tpu.memory_space<vmem>>[vector<16xi32>, vector<16xi32>], vector<16xf32>,
        %broadcast_in_dim3A_236 = arith.constant 10 : i32
        %broadcast_in_dim3A_237 = vector.broadcast %broadcast_in_dim3A_236 : i32 to vector<16xi32>
        %gather3A_238 = arith.constant 0 : i32
        %gather3A_239 = arith.constant 0 : i32
        %gather3A_240 = arith.constant 0 : i32
        %gather3A_241 = tpu.memref_slice %arg12[%gather3A_238, %gather3A_239, %gather3A_240] : memref<4x128x16xf32, #tpu.memory_space<vmem>> -> memref<1x128x16xf32, #tpu.memory_space<vmem>>
        %gather3A_242 = tpu.memref_squeeze %gather3A_241 : memref<1x128x16xf32, #tpu.memory_space<vmem>> -> memref<128x16xf32, #tpu.memory_space<vmem>>
        %gather3A_243 = tpu.vector_load_idx %gather3A_242[%add3A_123, %broadcast_in_dim3A_237] : memref<128x16xf32, #tpu.memory_space<vmem>>[vector<16xi32>, vector<16xi32>], vector<16xf32>,
        %broadcast_in_dim3A_244 = arith.constant 14 : i32
        %broadcast_in_dim3A_245 = vector.broadcast %broadcast_in_dim3A_244 : i32 to vector<16xi32>
        %gather3A_246 = arith.constant 0 : i32
        %gather3A_247 = arith.constant 0 : i32
        %gather3A_248 = arith.constant 0 : i32
        %gather3A_249 = tpu.memref_slice %arg12[%gather3A_246, %gather3A_247, %gather3A_248] : memref<4x128x16xf32, #tpu.memory_space<vmem>> -> memref<1x128x16xf32, #tpu.memory_space<vmem>>
        %gather3A_250 = tpu.memref_squeeze %gather3A_249 : memref<1x128x16xf32, #tpu.memory_space<vmem>> -> memref<128x16xf32, #tpu.memory_space<vmem>>
        %gather3A_251 = tpu.vector_load_idx %gather3A_250[%add3A_123, %broadcast_in_dim3A_245] : memref<128x16xf32, #tpu.memory_space<vmem>>[vector<16xi32>, vector<16xi32>], vector<16xf32>,
        %sub3A_252 = arith.subf %gather3A_243, %gather3A_227 : vector<16xf32>
        %mul3A_253 = arith.mulf %get3A_128, %sub3A_252 : vector<16xf32>
        %add3A_254 = arith.addf %gather3A_227, %mul3A_253 : vector<16xf32>
        %sub3A_255 = arith.subf %gather3A_251, %gather3A_235 : vector<16xf32>
        %mul3A_256 = arith.mulf %get3A_128, %sub3A_255 : vector<16xf32>
        %add3A_257 = arith.addf %gather3A_235, %mul3A_256 : vector<16xf32>
        %sub3A_258 = arith.subf %add3A_257, %add3A_254 : vector<16xf32>
        %mul3A_259 = arith.mulf %get3A_134, %sub3A_258 : vector<16xf32>
        %add3A_260 = arith.addf %add3A_254, %mul3A_259 : vector<16xf32>
        %mul3A_261 = arith.constant 1.000000e+00 : f32
        %mul3A_262 = vector.broadcast %mul3A_261 : f32 to vector<16xf32>
        %mul3A_263 = arith.mulf %add3A_260, %mul3A_262 : vector<16xf32>
        %broadcast_in_dim3A_264 = arith.constant 3 : i32
        %broadcast_in_dim3A_265 = vector.broadcast %broadcast_in_dim3A_264 : i32 to vector<16xi32>
        %gather3A_266 = arith.constant 0 : i32
        %gather3A_267 = arith.constant 0 : i32
        %gather3A_268 = arith.constant 0 : i32
        %gather3A_269 = tpu.memref_slice %arg12[%gather3A_266, %gather3A_267, %gather3A_268] : memref<4x128x16xf32, #tpu.memory_space<vmem>> -> memref<1x128x16xf32, #tpu.memory_space<vmem>>
        %gather3A_270 = tpu.memref_squeeze %gather3A_269 : memref<1x128x16xf32, #tpu.memory_space<vmem>> -> memref<128x16xf32, #tpu.memory_space<vmem>>
        %gather3A_271 = tpu.vector_load_idx %gather3A_270[%add3A_123, %broadcast_in_dim3A_265] : memref<128x16xf32, #tpu.memory_space<vmem>>[vector<16xi32>, vector<16xi32>], vector<16xf32>,
        %broadcast_in_dim3A_272 = arith.constant 7 : i32
        %broadcast_in_dim3A_273 = vector.broadcast %broadcast_in_dim3A_272 : i32 to vector<16xi32>
        %gather3A_274 = arith.constant 0 : i32
        %gather3A_275 = arith.constant 0 : i32
        %gather3A_276 = arith.constant 0 : i32
        %gather3A_277 = tpu.memref_slice %arg12[%gather3A_274, %gather3A_275, %gather3A_276] : memref<4x128x16xf32, #tpu.memory_space<vmem>> -> memref<1x128x16xf32, #tpu.memory_space<vmem>>
        %gather3A_278 = tpu.memref_squeeze %gather3A_277 : memref<1x128x16xf32, #tpu.memory_space<vmem>> -> memref<128x16xf32, #tpu.memory_space<vmem>>
        %gather3A_279 = tpu.vector_load_idx %gather3A_278[%add3A_123, %broadcast_in_dim3A_273] : memref<128x16xf32, #tpu.memory_space<vmem>>[vector<16xi32>, vector<16xi32>], vector<16xf32>,
        %broadcast_in_dim3A_280 = arith.constant 11 : i32
        %broadcast_in_dim3A_281 = vector.broadcast %broadcast_in_dim3A_280 : i32 to vector<16xi32>
        %gather3A_282 = arith.constant 0 : i32
        %gather3A_283 = arith.constant 0 : i32
        %gather3A_284 = arith.constant 0 : i32
        %gather3A_285 = tpu.memref_slice %arg12[%gather3A_282, %gather3A_283, %gather3A_284] : memref<4x128x16xf32, #tpu.memory_space<vmem>> -> memref<1x128x16xf32, #tpu.memory_space<vmem>>
        %gather3A_286 = tpu.memref_squeeze %gather3A_285 : memref<1x128x16xf32, #tpu.memory_space<vmem>> -> memref<128x16xf32, #tpu.memory_space<vmem>>
        %gather3A_287 = tpu.vector_load_idx %gather3A_286[%add3A_123, %broadcast_in_dim3A_281] : memref<128x16xf32, #tpu.memory_space<vmem>>[vector<16xi32>, vector<16xi32>], vector<16xf32>,
        %broadcast_in_dim3A_288 = arith.constant 15 : i32
        %broadcast_in_dim3A_289 = vector.broadcast %broadcast_in_dim3A_288 : i32 to vector<16xi32>
        %gather3A_290 = arith.constant 0 : i32
        %gather3A_291 = arith.constant 0 : i32
        %gather3A_292 = arith.constant 0 : i32
        %gather3A_293 = tpu.memref_slice %arg12[%gather3A_290, %gather3A_291, %gather3A_292] : memref<4x128x16xf32, #tpu.memory_space<vmem>> -> memref<1x128x16xf32, #tpu.memory_space<vmem>>
        %gather3A_294 = tpu.memref_squeeze %gather3A_293 : memref<1x128x16xf32, #tpu.memory_space<vmem>> -> memref<128x16xf32, #tpu.memory_space<vmem>>
        %gather3A_295 = tpu.vector_load_idx %gather3A_294[%add3A_123, %broadcast_in_dim3A_289] : memref<128x16xf32, #tpu.memory_space<vmem>>[vector<16xi32>, vector<16xi32>], vector<16xf32>,
        %sub3A_296 = arith.subf %gather3A_287, %gather3A_271 : vector<16xf32>
        %mul3A_297 = arith.mulf %get3A_128, %sub3A_296 : vector<16xf32>
        %add3A_298 = arith.addf %gather3A_271, %mul3A_297 : vector<16xf32>
        %sub3A_299 = arith.subf %gather3A_295, %gather3A_279 : vector<16xf32>
        %mul3A_300 = arith.mulf %get3A_128, %sub3A_299 : vector<16xf32>
        %add3A_301 = arith.addf %gather3A_279, %mul3A_300 : vector<16xf32>
        %sub3A_302 = arith.subf %add3A_301, %add3A_298 : vector<16xf32>
        %mul3A_303 = arith.mulf %get3A_134, %sub3A_302 : vector<16xf32>
        %add3A_304 = arith.addf %add3A_298, %mul3A_303 : vector<16xf32>
        %mul3A_305 = arith.constant 1.000000e+00 : f32
        %mul3A_306 = vector.broadcast %mul3A_305 : f32 to vector<16xf32>
        %mul3A_307 = arith.mulf %add3A_304, %mul3A_306 : vector<16xf32>
        %mul3A_308 = arith.constant 16 : i32
        %mul3A_309 = arith.muli %scan3A_119, %mul3A_308 : i32
        %get3A_310 = arith.constant 2 : i32
        %get3A_311 = arith.index_cast %get3A_310 : i32 to index
        %get3A_312 = arith.index_cast %mul3A_309 : i32 to index
        %get3A_313 = tpu.vector_load %arg11[%get3A_311, %get3A_312] {strides = array<i32>} : memref<8x128xf32, #tpu.memory_space<vmem>>, vector<16xf32>,
        %mul3A_314 = arith.constant 16 : i32
        %mul3A_315 = arith.muli %scan3A_119, %mul3A_314 : i32
        %get3A_316 = arith.constant 3 : i32
        %get3A_317 = arith.index_cast %get3A_316 : i32 to index
        %get3A_318 = arith.index_cast %mul3A_315 : i32 to index
        %get3A_319 = tpu.vector_load %arg11[%get3A_317, %get3A_318] {strides = array<i32>} : memref<8x128xf32, #tpu.memory_space<vmem>>, vector<16xf32>,
        %broadcast_in_dim3A_320 = arith.constant 0 : i32
        %broadcast_in_dim3A_321 = vector.broadcast %broadcast_in_dim3A_320 : i32 to vector<16xi32>
        %gather3A_322 = arith.constant 1 : i32
        %gather3A_323 = arith.constant 0 : i32
        %gather3A_324 = arith.constant 0 : i32
        %gather3A_325 = tpu.memref_slice %arg12[%gather3A_322, %gather3A_323, %gather3A_324] : memref<4x128x16xf32, #tpu.memory_space<vmem>> -> memref<1x128x16xf32, #tpu.memory_space<vmem>>
        %gather3A_326 = tpu.memref_squeeze %gather3A_325 : memref<1x128x16xf32, #tpu.memory_space<vmem>> -> memref<128x16xf32, #tpu.memory_space<vmem>>
        %gather3A_327 = tpu.vector_load_idx %gather3A_326[%add3A_123, %broadcast_in_dim3A_321] : memref<128x16xf32, #tpu.memory_space<vmem>>[vector<16xi32>, vector<16xi32>], vector<16xf32>,
        %broadcast_in_dim3A_328 = arith.constant 4 : i32
        %broadcast_in_dim3A_329 = vector.broadcast %broadcast_in_dim3A_328 : i32 to vector<16xi32>
        %gather3A_330 = arith.constant 1 : i32
        %gather3A_331 = arith.constant 0 : i32
        %gather3A_332 = arith.constant 0 : i32
        %gather3A_333 = tpu.memref_slice %arg12[%gather3A_330, %gather3A_331, %gather3A_332] : memref<4x128x16xf32, #tpu.memory_space<vmem>> -> memref<1x128x16xf32, #tpu.memory_space<vmem>>
        %gather3A_334 = tpu.memref_squeeze %gather3A_333 : memref<1x128x16xf32, #tpu.memory_space<vmem>> -> memref<128x16xf32, #tpu.memory_space<vmem>>
        %gather3A_335 = tpu.vector_load_idx %gather3A_334[%add3A_123, %broadcast_in_dim3A_329] : memref<128x16xf32, #tpu.memory_space<vmem>>[vector<16xi32>, vector<16xi32>], vector<16xf32>,
        %broadcast_in_dim3A_336 = arith.constant 8 : i32
        %broadcast_in_dim3A_337 = vector.broadcast %broadcast_in_dim3A_336 : i32 to vector<16xi32>
        %gather3A_338 = arith.constant 1 : i32
        %gather3A_339 = arith.constant 0 : i32
        %gather3A_340 = arith.constant 0 : i32
        %gather3A_341 = tpu.memref_slice %arg12[%gather3A_338, %gather3A_339, %gather3A_340] : memref<4x128x16xf32, #tpu.memory_space<vmem>> -> memref<1x128x16xf32, #tpu.memory_space<vmem>>
        %gather3A_342 = tpu.memref_squeeze %gather3A_341 : memref<1x128x16xf32, #tpu.memory_space<vmem>> -> memref<128x16xf32, #tpu.memory_space<vmem>>
        %gather3A_343 = tpu.vector_load_idx %gather3A_342[%add3A_123, %broadcast_in_dim3A_337] : memref<128x16xf32, #tpu.memory_space<vmem>>[vector<16xi32>, vector<16xi32>], vector<16xf32>,
        %broadcast_in_dim3A_344 = arith.constant 12 : i32
        %broadcast_in_dim3A_345 = vector.broadcast %broadcast_in_dim3A_344 : i32 to vector<16xi32>
        %gather3A_346 = arith.constant 1 : i32
        %gather3A_347 = arith.constant 0 : i32
        %gather3A_348 = arith.constant 0 : i32
        %gather3A_349 = tpu.memref_slice %arg12[%gather3A_346, %gather3A_347, %gather3A_348] : memref<4x128x16xf32, #tpu.memory_space<vmem>> -> memref<1x128x16xf32, #tpu.memory_space<vmem>>
        %gather3A_350 = tpu.memref_squeeze %gather3A_349 : memref<1x128x16xf32, #tpu.memory_space<vmem>> -> memref<128x16xf32, #tpu.memory_space<vmem>>
        %gather3A_351 = tpu.vector_load_idx %gather3A_350[%add3A_123, %broadcast_in_dim3A_345] : memref<128x16xf32, #tpu.memory_space<vmem>>[vector<16xi32>, vector<16xi32>], vector<16xf32>,
        %sub3A_352 = arith.subf %gather3A_343, %gather3A_327 : vector<16xf32>
        %mul3A_353 = arith.mulf %get3A_313, %sub3A_352 : vector<16xf32>
        %add3A_354 = arith.addf %gather3A_327, %mul3A_353 : vector<16xf32>
        %sub3A_355 = arith.subf %gather3A_351, %gather3A_335 : vector<16xf32>
        %mul3A_356 = arith.mulf %get3A_313, %sub3A_355 : vector<16xf32>
        %add3A_357 = arith.addf %gather3A_335, %mul3A_356 : vector<16xf32>
        %sub3A_358 = arith.subf %add3A_357, %add3A_354 : vector<16xf32>
        %mul3A_359 = arith.mulf %get3A_319, %sub3A_358 : vector<16xf32>
        %add3A_360 = arith.addf %add3A_354, %mul3A_359 : vector<16xf32>
        %mul3A_361 = arith.constant 5.000000e-01 : f32
        %mul3A_362 = vector.broadcast %mul3A_361 : f32 to vector<16xf32>
        %mul3A_363 = arith.mulf %add3A_360, %mul3A_362 : vector<16xf32>
        %add3A_364 = arith.addf %mul3A_175, %mul3A_363 : vector<16xf32>
        %broadcast_in_dim3A_365 = arith.constant 1 : i32
        %broadcast_in_dim3A_366 = vector.broadcast %broadcast_in_dim3A_365 : i32 to vector<16xi32>
        %gather3A_367 = arith.constant 1 : i32
        %gather3A_368 = arith.constant 0 : i32
        %gather3A_369 = arith.constant 0 : i32
        %gather3A_370 = tpu.memref_slice %arg12[%gather3A_367, %gather3A_368, %gather3A_369] : memref<4x128x16xf32, #tpu.memory_space<vmem>> -> memref<1x128x16xf32, #tpu.memory_space<vmem>>
        %gather3A_371 = tpu.memref_squeeze %gather3A_370 : memref<1x128x16xf32, #tpu.memory_space<vmem>> -> memref<128x16xf32, #tpu.memory_space<vmem>>
        %gather3A_372 = tpu.vector_load_idx %gather3A_371[%add3A_123, %broadcast_in_dim3A_366] : memref<128x16xf32, #tpu.memory_space<vmem>>[vector<16xi32>, vector<16xi32>], vector<16xf32>,
        %broadcast_in_dim3A_373 = arith.constant 5 : i32
        %broadcast_in_dim3A_374 = vector.broadcast %broadcast_in_dim3A_373 : i32 to vector<16xi32>
        %gather3A_375 = arith.constant 1 : i32
        %gather3A_376 = arith.constant 0 : i32
        %gather3A_377 = arith.constant 0 : i32
        %gather3A_378 = tpu.memref_slice %arg12[%gather3A_375, %gather3A_376, %gather3A_377] : memref<4x128x16xf32, #tpu.memory_space<vmem>> -> memref<1x128x16xf32, #tpu.memory_space<vmem>>
        %gather3A_379 = tpu.memref_squeeze %gather3A_378 : memref<1x128x16xf32, #tpu.memory_space<vmem>> -> memref<128x16xf32, #tpu.memory_space<vmem>>
        %gather3A_380 = tpu.vector_load_idx %gather3A_379[%add3A_123, %broadcast_in_dim3A_374] : memref<128x16xf32, #tpu.memory_space<vmem>>[vector<16xi32>, vector<16xi32>], vector<16xf32>,
        %broadcast_in_dim3A_381 = arith.constant 9 : i32
        %broadcast_in_dim3A_382 = vector.broadcast %broadcast_in_dim3A_381 : i32 to vector<16xi32>
        %gather3A_383 = arith.constant 1 : i32
        %gather3A_384 = arith.constant 0 : i32
        %gather3A_385 = arith.constant 0 : i32
        %gather3A_386 = tpu.memref_slice %arg12[%gather3A_383, %gather3A_384, %gather3A_385] : memref<4x128x16xf32, #tpu.memory_space<vmem>> -> memref<1x128x16xf32, #tpu.memory_space<vmem>>
        %gather3A_387 = tpu.memref_squeeze %gather3A_386 : memref<1x128x16xf32, #tpu.memory_space<vmem>> -> memref<128x16xf32, #tpu.memory_space<vmem>>
        %gather3A_388 = tpu.vector_load_idx %gather3A_387[%add3A_123, %broadcast_in_dim3A_382] : memref<128x16xf32, #tpu.memory_space<vmem>>[vector<16xi32>, vector<16xi32>], vector<16xf32>,
        %broadcast_in_dim3A_389 = arith.constant 13 : i32
        %broadcast_in_dim3A_390 = vector.broadcast %broadcast_in_dim3A_389 : i32 to vector<16xi32>
        %gather3A_391 = arith.constant 1 : i32
        %gather3A_392 = arith.constant 0 : i32
        %gather3A_393 = arith.constant 0 : i32
        %gather3A_394 = tpu.memref_slice %arg12[%gather3A_391, %gather3A_392, %gather3A_393] : memref<4x128x16xf32, #tpu.memory_space<vmem>> -> memref<1x128x16xf32, #tpu.memory_space<vmem>>
        %gather3A_395 = tpu.memref_squeeze %gather3A_394 : memref<1x128x16xf32, #tpu.memory_space<vmem>> -> memref<128x16xf32, #tpu.memory_space<vmem>>
        %gather3A_396 = tpu.vector_load_idx %gather3A_395[%add3A_123, %broadcast_in_dim3A_390] : memref<128x16xf32, #tpu.memory_space<vmem>>[vector<16xi32>, vector<16xi32>], vector<16xf32>,
        %sub3A_397 = arith.subf %gather3A_388, %gather3A_372 : vector<16xf32>
        %mul3A_398 = arith.mulf %get3A_313, %sub3A_397 : vector<16xf32>
        %add3A_399 = arith.addf %gather3A_372, %mul3A_398 : vector<16xf32>
        %sub3A_400 = arith.subf %gather3A_396, %gather3A_380 : vector<16xf32>
        %mul3A_401 = arith.mulf %get3A_313, %sub3A_400 : vector<16xf32>
        %add3A_402 = arith.addf %gather3A_380, %mul3A_401 : vector<16xf32>
        %sub3A_403 = arith.subf %add3A_402, %add3A_399 : vector<16xf32>
        %mul3A_404 = arith.mulf %get3A_319, %sub3A_403 : vector<16xf32>
        %add3A_405 = arith.addf %add3A_399, %mul3A_404 : vector<16xf32>
        %mul3A_406 = arith.constant 5.000000e-01 : f32
        %mul3A_407 = vector.broadcast %mul3A_406 : f32 to vector<16xf32>
        %mul3A_408 = arith.mulf %add3A_405, %mul3A_407 : vector<16xf32>
        %add3A_409 = arith.addf %mul3A_219, %mul3A_408 : vector<16xf32>
        %broadcast_in_dim3A_410 = arith.constant 2 : i32
        %broadcast_in_dim3A_411 = vector.broadcast %broadcast_in_dim3A_410 : i32 to vector<16xi32>
        %gather3A_412 = arith.constant 1 : i32
        %gather3A_413 = arith.constant 0 : i32
        %gather3A_414 = arith.constant 0 : i32
        %gather3A_415 = tpu.memref_slice %arg12[%gather3A_412, %gather3A_413, %gather3A_414] : memref<4x128x16xf32, #tpu.memory_space<vmem>> -> memref<1x128x16xf32, #tpu.memory_space<vmem>>
        %gather3A_416 = tpu.memref_squeeze %gather3A_415 : memref<1x128x16xf32, #tpu.memory_space<vmem>> -> memref<128x16xf32, #tpu.memory_space<vmem>>
        %gather3A_417 = tpu.vector_load_idx %gather3A_416[%add3A_123, %broadcast_in_dim3A_411] : memref<128x16xf32, #tpu.memory_space<vmem>>[vector<16xi32>, vector<16xi32>], vector<16xf32>,
        %broadcast_in_dim3A_418 = arith.constant 6 : i32
        %broadcast_in_dim3A_419 = vector.broadcast %broadcast_in_dim3A_418 : i32 to vector<16xi32>
        %gather3A_420 = arith.constant 1 : i32
        %gather3A_421 = arith.constant 0 : i32
        %gather3A_422 = arith.constant 0 : i32
        %gather3A_423 = tpu.memref_slice %arg12[%gather3A_420, %gather3A_421, %gather3A_422] : memref<4x128x16xf32, #tpu.memory_space<vmem>> -> memref<1x128x16xf32, #tpu.memory_space<vmem>>
        %gather3A_424 = tpu.memref_squeeze %gather3A_423 : memref<1x128x16xf32, #tpu.memory_space<vmem>> -> memref<128x16xf32, #tpu.memory_space<vmem>>
        %gather3A_425 = tpu.vector_load_idx %gather3A_424[%add3A_123, %broadcast_in_dim3A_419] : memref<128x16xf32, #tpu.memory_space<vmem>>[vector<16xi32>, vector<16xi32>], vector<16xf32>,
        %broadcast_in_dim3A_426 = arith.constant 10 : i32
        %broadcast_in_dim3A_427 = vector.broadcast %broadcast_in_dim3A_426 : i32 to vector<16xi32>
        %gather3A_428 = arith.constant 1 : i32
        %gather3A_429 = arith.constant 0 : i32
        %gather3A_430 = arith.constant 0 : i32
        %gather3A_431 = tpu.memref_slice %arg12[%gather3A_428, %gather3A_429, %gather3A_430] : memref<4x128x16xf32, #tpu.memory_space<vmem>> -> memref<1x128x16xf32, #tpu.memory_space<vmem>>
        %gather3A_432 = tpu.memref_squeeze %gather3A_431 : memref<1x128x16xf32, #tpu.memory_space<vmem>> -> memref<128x16xf32, #tpu.memory_space<vmem>>
        %gather3A_433 = tpu.vector_load_idx %gather3A_432[%add3A_123, %broadcast_in_dim3A_427] : memref<128x16xf32, #tpu.memory_space<vmem>>[vector<16xi32>, vector<16xi32>], vector<16xf32>,
        %broadcast_in_dim3A_434 = arith.constant 14 : i32
        %broadcast_in_dim3A_435 = vector.broadcast %broadcast_in_dim3A_434 : i32 to vector<16xi32>
        %gather3A_436 = arith.constant 1 : i32
        %gather3A_437 = arith.constant 0 : i32
        %gather3A_438 = arith.constant 0 : i32
        %gather3A_439 = tpu.memref_slice %arg12[%gather3A_436, %gather3A_437, %gather3A_438] : memref<4x128x16xf32, #tpu.memory_space<vmem>> -> memref<1x128x16xf32, #tpu.memory_space<vmem>>
        %gather3A_440 = tpu.memref_squeeze %gather3A_439 : memref<1x128x16xf32, #tpu.memory_space<vmem>> -> memref<128x16xf32, #tpu.memory_space<vmem>>
        %gather3A_441 = tpu.vector_load_idx %gather3A_440[%add3A_123, %broadcast_in_dim3A_435] : memref<128x16xf32, #tpu.memory_space<vmem>>[vector<16xi32>, vector<16xi32>], vector<16xf32>,
        %sub3A_442 = arith.subf %gather3A_433, %gather3A_417 : vector<16xf32>
        %mul3A_443 = arith.mulf %get3A_313, %sub3A_442 : vector<16xf32>
        %add3A_444 = arith.addf %gather3A_417, %mul3A_443 : vector<16xf32>
        %sub3A_445 = arith.subf %gather3A_441, %gather3A_425 : vector<16xf32>
        %mul3A_446 = arith.mulf %get3A_313, %sub3A_445 : vector<16xf32>
        %add3A_447 = arith.addf %gather3A_425, %mul3A_446 : vector<16xf32>
        %sub3A_448 = arith.subf %add3A_447, %add3A_444 : vector<16xf32>
        %mul3A_449 = arith.mulf %get3A_319, %sub3A_448 : vector<16xf32>
        %add3A_450 = arith.addf %add3A_444, %mul3A_449 : vector<16xf32>
        %mul3A_451 = arith.constant 5.000000e-01 : f32
        %mul3A_452 = vector.broadcast %mul3A_451 : f32 to vector<16xf32>
        %mul3A_453 = arith.mulf %add3A_450, %mul3A_452 : vector<16xf32>
        %add3A_454 = arith.addf %mul3A_263, %mul3A_453 : vector<16xf32>
        %broadcast_in_dim3A_455 = arith.constant 3 : i32
        %broadcast_in_dim3A_456 = vector.broadcast %broadcast_in_dim3A_455 : i32 to vector<16xi32>
        %gather3A_457 = arith.constant 1 : i32
        %gather3A_458 = arith.constant 0 : i32
        %gather3A_459 = arith.constant 0 : i32
        %gather3A_460 = tpu.memref_slice %arg12[%gather3A_457, %gather3A_458, %gather3A_459] : memref<4x128x16xf32, #tpu.memory_space<vmem>> -> memref<1x128x16xf32, #tpu.memory_space<vmem>>
        %gather3A_461 = tpu.memref_squeeze %gather3A_460 : memref<1x128x16xf32, #tpu.memory_space<vmem>> -> memref<128x16xf32, #tpu.memory_space<vmem>>
        %gather3A_462 = tpu.vector_load_idx %gather3A_461[%add3A_123, %broadcast_in_dim3A_456] : memref<128x16xf32, #tpu.memory_space<vmem>>[vector<16xi32>, vector<16xi32>], vector<16xf32>,
        %broadcast_in_dim3A_463 = arith.constant 7 : i32
        %broadcast_in_dim3A_464 = vector.broadcast %broadcast_in_dim3A_463 : i32 to vector<16xi32>
        %gather3A_465 = arith.constant 1 : i32
        %gather3A_466 = arith.constant 0 : i32
        %gather3A_467 = arith.constant 0 : i32
        %gather3A_468 = tpu.memref_slice %arg12[%gather3A_465, %gather3A_466, %gather3A_467] : memref<4x128x16xf32, #tpu.memory_space<vmem>> -> memref<1x128x16xf32, #tpu.memory_space<vmem>>
        %gather3A_469 = tpu.memref_squeeze %gather3A_468 : memref<1x128x16xf32, #tpu.memory_space<vmem>> -> memref<128x16xf32, #tpu.memory_space<vmem>>
        %gather3A_470 = tpu.vector_load_idx %gather3A_469[%add3A_123, %broadcast_in_dim3A_464] : memref<128x16xf32, #tpu.memory_space<vmem>>[vector<16xi32>, vector<16xi32>], vector<16xf32>,
        %broadcast_in_dim3A_471 = arith.constant 11 : i32
        %broadcast_in_dim3A_472 = vector.broadcast %broadcast_in_dim3A_471 : i32 to vector<16xi32>
        %gather3A_473 = arith.constant 1 : i32
        %gather3A_474 = arith.constant 0 : i32
        %gather3A_475 = arith.constant 0 : i32
        %gather3A_476 = tpu.memref_slice %arg12[%gather3A_473, %gather3A_474, %gather3A_475] : memref<4x128x16xf32, #tpu.memory_space<vmem>> -> memref<1x128x16xf32, #tpu.memory_space<vmem>>
        %gather3A_477 = tpu.memref_squeeze %gather3A_476 : memref<1x128x16xf32, #tpu.memory_space<vmem>> -> memref<128x16xf32, #tpu.memory_space<vmem>>
        %gather3A_478 = tpu.vector_load_idx %gather3A_477[%add3A_123, %broadcast_in_dim3A_472] : memref<128x16xf32, #tpu.memory_space<vmem>>[vector<16xi32>, vector<16xi32>], vector<16xf32>,
        %broadcast_in_dim3A_479 = arith.constant 15 : i32
        %broadcast_in_dim3A_480 = vector.broadcast %broadcast_in_dim3A_479 : i32 to vector<16xi32>
        %gather3A_481 = arith.constant 1 : i32
        %gather3A_482 = arith.constant 0 : i32
        %gather3A_483 = arith.constant 0 : i32
        %gather3A_484 = tpu.memref_slice %arg12[%gather3A_481, %gather3A_482, %gather3A_483] : memref<4x128x16xf32, #tpu.memory_space<vmem>> -> memref<1x128x16xf32, #tpu.memory_space<vmem>>
        %gather3A_485 = tpu.memref_squeeze %gather3A_484 : memref<1x128x16xf32, #tpu.memory_space<vmem>> -> memref<128x16xf32, #tpu.memory_space<vmem>>
        %gather3A_486 = tpu.vector_load_idx %gather3A_485[%add3A_123, %broadcast_in_dim3A_480] : memref<128x16xf32, #tpu.memory_space<vmem>>[vector<16xi32>, vector<16xi32>], vector<16xf32>,
        %sub3A_487 = arith.subf %gather3A_478, %gather3A_462 : vector<16xf32>
        %mul3A_488 = arith.mulf %get3A_313, %sub3A_487 : vector<16xf32>
        %add3A_489 = arith.addf %gather3A_462, %mul3A_488 : vector<16xf32>
        %sub3A_490 = arith.subf %gather3A_486, %gather3A_470 : vector<16xf32>
        %mul3A_491 = arith.mulf %get3A_313, %sub3A_490 : vector<16xf32>
        %add3A_492 = arith.addf %gather3A_470, %mul3A_491 : vector<16xf32>
        %sub3A_493 = arith.subf %add3A_492, %add3A_489 : vector<16xf32>
        %mul3A_494 = arith.mulf %get3A_319, %sub3A_493 : vector<16xf32>
        %add3A_495 = arith.addf %add3A_489, %mul3A_494 : vector<16xf32>
        %mul3A_496 = arith.constant 5.000000e-01 : f32
        %mul3A_497 = vector.broadcast %mul3A_496 : f32 to vector<16xf32>
        %mul3A_498 = arith.mulf %add3A_495, %mul3A_497 : vector<16xf32>
        %add3A_499 = arith.addf %mul3A_307, %mul3A_498 : vector<16xf32>
        %mul3A_500 = arith.constant 16 : i32
        %mul3A_501 = arith.muli %scan3A_119, %mul3A_500 : i32
        %get3A_502 = arith.constant 4 : i32
        %get3A_503 = arith.index_cast %get3A_502 : i32 to index
        %get3A_504 = arith.index_cast %mul3A_501 : i32 to index
        %get3A_505 = tpu.vector_load %arg11[%get3A_503, %get3A_504] {strides = array<i32>} : memref<8x128xf32, #tpu.memory_space<vmem>>, vector<16xf32>,
        %mul3A_506 = arith.constant 16 : i32
        %mul3A_507 = arith.muli %scan3A_119, %mul3A_506 : i32
        %get3A_508 = arith.constant 5 : i32
        %get3A_509 = arith.index_cast %get3A_508 : i32 to index
        %get3A_510 = arith.index_cast %mul3A_507 : i32 to index
        %get3A_511 = tpu.vector_load %arg11[%get3A_509, %get3A_510] {strides = array<i32>} : memref<8x128xf32, #tpu.memory_space<vmem>>, vector<16xf32>,
        %broadcast_in_dim3A_512 = arith.constant 0 : i32
        %broadcast_in_dim3A_513 = vector.broadcast %broadcast_in_dim3A_512 : i32 to vector<16xi32>
        %gather3A_514 = arith.constant 2 : i32
        %gather3A_515 = arith.constant 0 : i32
        %gather3A_516 = arith.constant 0 : i32
        %gather3A_517 = tpu.memref_slice %arg12[%gather3A_514, %gather3A_515, %gather3A_516] : memref<4x128x16xf32, #tpu.memory_space<vmem>> -> memref<1x128x16xf32, #tpu.memory_space<vmem>>
        %gather3A_518 = tpu.memref_squeeze %gather3A_517 : memref<1x128x16xf32, #tpu.memory_space<vmem>> -> memref<128x16xf32, #tpu.memory_space<vmem>>
        %gather3A_519 = tpu.vector_load_idx %gather3A_518[%add3A_123, %broadcast_in_dim3A_513] : memref<128x16xf32, #tpu.memory_space<vmem>>[vector<16xi32>, vector<16xi32>], vector<16xf32>,
        %broadcast_in_dim3A_520 = arith.constant 4 : i32
        %broadcast_in_dim3A_521 = vector.broadcast %broadcast_in_dim3A_520 : i32 to vector<16xi32>
        %gather3A_522 = arith.constant 2 : i32
        %gather3A_523 = arith.constant 0 : i32
        %gather3A_524 = arith.constant 0 : i32
        %gather3A_525 = tpu.memref_slice %arg12[%gather3A_522, %gather3A_523, %gather3A_524] : memref<4x128x16xf32, #tpu.memory_space<vmem>> -> memref<1x128x16xf32, #tpu.memory_space<vmem>>
        %gather3A_526 = tpu.memref_squeeze %gather3A_525 : memref<1x128x16xf32, #tpu.memory_space<vmem>> -> memref<128x16xf32, #tpu.memory_space<vmem>>
        %gather3A_527 = tpu.vector_load_idx %gather3A_526[%add3A_123, %broadcast_in_dim3A_521] : memref<128x16xf32, #tpu.memory_space<vmem>>[vector<16xi32>, vector<16xi32>], vector<16xf32>,
        %broadcast_in_dim3A_528 = arith.constant 8 : i32
        %broadcast_in_dim3A_529 = vector.broadcast %broadcast_in_dim3A_528 : i32 to vector<16xi32>
        %gather3A_530 = arith.constant 2 : i32
        %gather3A_531 = arith.constant 0 : i32
        %gather3A_532 = arith.constant 0 : i32
        %gather3A_533 = tpu.memref_slice %arg12[%gather3A_530, %gather3A_531, %gather3A_532] : memref<4x128x16xf32, #tpu.memory_space<vmem>> -> memref<1x128x16xf32, #tpu.memory_space<vmem>>
        %gather3A_534 = tpu.memref_squeeze %gather3A_533 : memref<1x128x16xf32, #tpu.memory_space<vmem>> -> memref<128x16xf32, #tpu.memory_space<vmem>>
        %gather3A_535 = tpu.vector_load_idx %gather3A_534[%add3A_123, %broadcast_in_dim3A_529] : memref<128x16xf32, #tpu.memory_space<vmem>>[vector<16xi32>, vector<16xi32>], vector<16xf32>,
        %broadcast_in_dim3A_536 = arith.constant 12 : i32
        %broadcast_in_dim3A_537 = vector.broadcast %broadcast_in_dim3A_536 : i32 to vector<16xi32>
        %gather3A_538 = arith.constant 2 : i32
        %gather3A_539 = arith.constant 0 : i32
        %gather3A_540 = arith.constant 0 : i32
        %gather3A_541 = tpu.memref_slice %arg12[%gather3A_538, %gather3A_539, %gather3A_540] : memref<4x128x16xf32, #tpu.memory_space<vmem>> -> memref<1x128x16xf32, #tpu.memory_space<vmem>>
        %gather3A_542 = tpu.memref_squeeze %gather3A_541 : memref<1x128x16xf32, #tpu.memory_space<vmem>> -> memref<128x16xf32, #tpu.memory_space<vmem>>
        %gather3A_543 = tpu.vector_load_idx %gather3A_542[%add3A_123, %broadcast_in_dim3A_537] : memref<128x16xf32, #tpu.memory_space<vmem>>[vector<16xi32>, vector<16xi32>], vector<16xf32>,
        %sub3A_544 = arith.subf %gather3A_535, %gather3A_519 : vector<16xf32>
        %mul3A_545 = arith.mulf %get3A_505, %sub3A_544 : vector<16xf32>
        %add3A_546 = arith.addf %gather3A_519, %mul3A_545 : vector<16xf32>
        %sub3A_547 = arith.subf %gather3A_543, %gather3A_527 : vector<16xf32>
        %mul3A_548 = arith.mulf %get3A_505, %sub3A_547 : vector<16xf32>
        %add3A_549 = arith.addf %gather3A_527, %mul3A_548 : vector<16xf32>
        %sub3A_550 = arith.subf %add3A_549, %add3A_546 : vector<16xf32>
        %mul3A_551 = arith.mulf %get3A_511, %sub3A_550 : vector<16xf32>
        %add3A_552 = arith.addf %add3A_546, %mul3A_551 : vector<16xf32>
        %mul3A_553 = arith.constant 2.500000e-01 : f32
        %mul3A_554 = vector.broadcast %mul3A_553 : f32 to vector<16xf32>
        %mul3A_555 = arith.mulf %add3A_552, %mul3A_554 : vector<16xf32>
        %add3A_556 = arith.addf %add3A_364, %mul3A_555 : vector<16xf32>
        %broadcast_in_dim3A_557 = arith.constant 1 : i32
        %broadcast_in_dim3A_558 = vector.broadcast %broadcast_in_dim3A_557 : i32 to vector<16xi32>
        %gather3A_559 = arith.constant 2 : i32
        %gather3A_560 = arith.constant 0 : i32
        %gather3A_561 = arith.constant 0 : i32
        %gather3A_562 = tpu.memref_slice %arg12[%gather3A_559, %gather3A_560, %gather3A_561] : memref<4x128x16xf32, #tpu.memory_space<vmem>> -> memref<1x128x16xf32, #tpu.memory_space<vmem>>
        %gather3A_563 = tpu.memref_squeeze %gather3A_562 : memref<1x128x16xf32, #tpu.memory_space<vmem>> -> memref<128x16xf32, #tpu.memory_space<vmem>>
        %gather3A_564 = tpu.vector_load_idx %gather3A_563[%add3A_123, %broadcast_in_dim3A_558] : memref<128x16xf32, #tpu.memory_space<vmem>>[vector<16xi32>, vector<16xi32>], vector<16xf32>,
        %broadcast_in_dim3A_565 = arith.constant 5 : i32
        %broadcast_in_dim3A_566 = vector.broadcast %broadcast_in_dim3A_565 : i32 to vector<16xi32>
        %gather3A_567 = arith.constant 2 : i32
        %gather3A_568 = arith.constant 0 : i32
        %gather3A_569 = arith.constant 0 : i32
        %gather3A_570 = tpu.memref_slice %arg12[%gather3A_567, %gather3A_568, %gather3A_569] : memref<4x128x16xf32, #tpu.memory_space<vmem>> -> memref<1x128x16xf32, #tpu.memory_space<vmem>>
        %gather3A_571 = tpu.memref_squeeze %gather3A_570 : memref<1x128x16xf32, #tpu.memory_space<vmem>> -> memref<128x16xf32, #tpu.memory_space<vmem>>
        %gather3A_572 = tpu.vector_load_idx %gather3A_571[%add3A_123, %broadcast_in_dim3A_566] : memref<128x16xf32, #tpu.memory_space<vmem>>[vector<16xi32>, vector<16xi32>], vector<16xf32>,
        %broadcast_in_dim3A_573 = arith.constant 9 : i32
        %broadcast_in_dim3A_574 = vector.broadcast %broadcast_in_dim3A_573 : i32 to vector<16xi32>
        %gather3A_575 = arith.constant 2 : i32
        %gather3A_576 = arith.constant 0 : i32
        %gather3A_577 = arith.constant 0 : i32
        %gather3A_578 = tpu.memref_slice %arg12[%gather3A_575, %gather3A_576, %gather3A_577] : memref<4x128x16xf32, #tpu.memory_space<vmem>> -> memref<1x128x16xf32, #tpu.memory_space<vmem>>
        %gather3A_579 = tpu.memref_squeeze %gather3A_578 : memref<1x128x16xf32, #tpu.memory_space<vmem>> -> memref<128x16xf32, #tpu.memory_space<vmem>>
        %gather3A_580 = tpu.vector_load_idx %gather3A_579[%add3A_123, %broadcast_in_dim3A_574] : memref<128x16xf32, #tpu.memory_space<vmem>>[vector<16xi32>, vector<16xi32>], vector<16xf32>,
        %broadcast_in_dim3A_581 = arith.constant 13 : i32
        %broadcast_in_dim3A_582 = vector.broadcast %broadcast_in_dim3A_581 : i32 to vector<16xi32>
        %gather3A_583 = arith.constant 2 : i32
        %gather3A_584 = arith.constant 0 : i32
        %gather3A_585 = arith.constant 0 : i32
        %gather3A_586 = tpu.memref_slice %arg12[%gather3A_583, %gather3A_584, %gather3A_585] : memref<4x128x16xf32, #tpu.memory_space<vmem>> -> memref<1x128x16xf32, #tpu.memory_space<vmem>>
        %gather3A_587 = tpu.memref_squeeze %gather3A_586 : memref<1x128x16xf32, #tpu.memory_space<vmem>> -> memref<128x16xf32, #tpu.memory_space<vmem>>
        %gather3A_588 = tpu.vector_load_idx %gather3A_587[%add3A_123, %broadcast_in_dim3A_582] : memref<128x16xf32, #tpu.memory_space<vmem>>[vector<16xi32>, vector<16xi32>], vector<16xf32>,
        %sub3A_589 = arith.subf %gather3A_580, %gather3A_564 : vector<16xf32>
        %mul3A_590 = arith.mulf %get3A_505, %sub3A_589 : vector<16xf32>
        %add3A_591 = arith.addf %gather3A_564, %mul3A_590 : vector<16xf32>
        %sub3A_592 = arith.subf %gather3A_588, %gather3A_572 : vector<16xf32>
        %mul3A_593 = arith.mulf %get3A_505, %sub3A_592 : vector<16xf32>
        %add3A_594 = arith.addf %gather3A_572, %mul3A_593 : vector<16xf32>
        %sub3A_595 = arith.subf %add3A_594, %add3A_591 : vector<16xf32>
        %mul3A_596 = arith.mulf %get3A_511, %sub3A_595 : vector<16xf32>
        %add3A_597 = arith.addf %add3A_591, %mul3A_596 : vector<16xf32>
        %mul3A_598 = arith.constant 2.500000e-01 : f32
        %mul3A_599 = vector.broadcast %mul3A_598 : f32 to vector<16xf32>
        %mul3A_600 = arith.mulf %add3A_597, %mul3A_599 : vector<16xf32>
        %add3A_601 = arith.addf %add3A_409, %mul3A_600 : vector<16xf32>
        %broadcast_in_dim3A_602 = arith.constant 2 : i32
        %broadcast_in_dim3A_603 = vector.broadcast %broadcast_in_dim3A_602 : i32 to vector<16xi32>
        %gather3A_604 = arith.constant 2 : i32
        %gather3A_605 = arith.constant 0 : i32
        %gather3A_606 = arith.constant 0 : i32
        %gather3A_607 = tpu.memref_slice %arg12[%gather3A_604, %gather3A_605, %gather3A_606] : memref<4x128x16xf32, #tpu.memory_space<vmem>> -> memref<1x128x16xf32, #tpu.memory_space<vmem>>
        %gather3A_608 = tpu.memref_squeeze %gather3A_607 : memref<1x128x16xf32, #tpu.memory_space<vmem>> -> memref<128x16xf32, #tpu.memory_space<vmem>>
        %gather3A_609 = tpu.vector_load_idx %gather3A_608[%add3A_123, %broadcast_in_dim3A_603] : memref<128x16xf32, #tpu.memory_space<vmem>>[vector<16xi32>, vector<16xi32>], vector<16xf32>,
        %broadcast_in_dim3A_610 = arith.constant 6 : i32
        %broadcast_in_dim3A_611 = vector.broadcast %broadcast_in_dim3A_610 : i32 to vector<16xi32>
        %gather3A_612 = arith.constant 2 : i32
        %gather3A_613 = arith.constant 0 : i32
        %gather3A_614 = arith.constant 0 : i32
        %gather3A_615 = tpu.memref_slice %arg12[%gather3A_612, %gather3A_613, %gather3A_614] : memref<4x128x16xf32, #tpu.memory_space<vmem>> -> memref<1x128x16xf32, #tpu.memory_space<vmem>>
        %gather3A_616 = tpu.memref_squeeze %gather3A_615 : memref<1x128x16xf32, #tpu.memory_space<vmem>> -> memref<128x16xf32, #tpu.memory_space<vmem>>
        %gather3A_617 = tpu.vector_load_idx %gather3A_616[%add3A_123, %broadcast_in_dim3A_611] : memref<128x16xf32, #tpu.memory_space<vmem>>[vector<16xi32>, vector<16xi32>], vector<16xf32>,
        %broadcast_in_dim3A_618 = arith.constant 10 : i32
        %broadcast_in_dim3A_619 = vector.broadcast %broadcast_in_dim3A_618 : i32 to vector<16xi32>
        %gather3A_620 = arith.constant 2 : i32
        %gather3A_621 = arith.constant 0 : i32
        %gather3A_622 = arith.constant 0 : i32
        %gather3A_623 = tpu.memref_slice %arg12[%gather3A_620, %gather3A_621, %gather3A_622] : memref<4x128x16xf32, #tpu.memory_space<vmem>> -> memref<1x128x16xf32, #tpu.memory_space<vmem>>
        %gather3A_624 = tpu.memref_squeeze %gather3A_623 : memref<1x128x16xf32, #tpu.memory_space<vmem>> -> memref<128x16xf32, #tpu.memory_space<vmem>>
        %gather3A_625 = tpu.vector_load_idx %gather3A_624[%add3A_123, %broadcast_in_dim3A_619] : memref<128x16xf32, #tpu.memory_space<vmem>>[vector<16xi32>, vector<16xi32>], vector<16xf32>,
        %broadcast_in_dim3A_626 = arith.constant 14 : i32
        %broadcast_in_dim3A_627 = vector.broadcast %broadcast_in_dim3A_626 : i32 to vector<16xi32>
        %gather3A_628 = arith.constant 2 : i32
        %gather3A_629 = arith.constant 0 : i32
        %gather3A_630 = arith.constant 0 : i32
        %gather3A_631 = tpu.memref_slice %arg12[%gather3A_628, %gather3A_629, %gather3A_630] : memref<4x128x16xf32, #tpu.memory_space<vmem>> -> memref<1x128x16xf32, #tpu.memory_space<vmem>>
        %gather3A_632 = tpu.memref_squeeze %gather3A_631 : memref<1x128x16xf32, #tpu.memory_space<vmem>> -> memref<128x16xf32, #tpu.memory_space<vmem>>
        %gather3A_633 = tpu.vector_load_idx %gather3A_632[%add3A_123, %broadcast_in_dim3A_627] : memref<128x16xf32, #tpu.memory_space<vmem>>[vector<16xi32>, vector<16xi32>], vector<16xf32>,
        %sub3A_634 = arith.subf %gather3A_625, %gather3A_609 : vector<16xf32>
        %mul3A_635 = arith.mulf %get3A_505, %sub3A_634 : vector<16xf32>
        %add3A_636 = arith.addf %gather3A_609, %mul3A_635 : vector<16xf32>
        %sub3A_637 = arith.subf %gather3A_633, %gather3A_617 : vector<16xf32>
        %mul3A_638 = arith.mulf %get3A_505, %sub3A_637 : vector<16xf32>
        %add3A_639 = arith.addf %gather3A_617, %mul3A_638 : vector<16xf32>
        %sub3A_640 = arith.subf %add3A_639, %add3A_636 : vector<16xf32>
        %mul3A_641 = arith.mulf %get3A_511, %sub3A_640 : vector<16xf32>
        %add3A_642 = arith.addf %add3A_636, %mul3A_641 : vector<16xf32>
        %mul3A_643 = arith.constant 2.500000e-01 : f32
        %mul3A_644 = vector.broadcast %mul3A_643 : f32 to vector<16xf32>
        %mul3A_645 = arith.mulf %add3A_642, %mul3A_644 : vector<16xf32>
        %add3A_646 = arith.addf %add3A_454, %mul3A_645 : vector<16xf32>
        %broadcast_in_dim3A_647 = arith.constant 3 : i32
        %broadcast_in_dim3A_648 = vector.broadcast %broadcast_in_dim3A_647 : i32 to vector<16xi32>
        %gather3A_649 = arith.constant 2 : i32
        %gather3A_650 = arith.constant 0 : i32
        %gather3A_651 = arith.constant 0 : i32
        %gather3A_652 = tpu.memref_slice %arg12[%gather3A_649, %gather3A_650, %gather3A_651] : memref<4x128x16xf32, #tpu.memory_space<vmem>> -> memref<1x128x16xf32, #tpu.memory_space<vmem>>
        %gather3A_653 = tpu.memref_squeeze %gather3A_652 : memref<1x128x16xf32, #tpu.memory_space<vmem>> -> memref<128x16xf32, #tpu.memory_space<vmem>>
        %gather3A_654 = tpu.vector_load_idx %gather3A_653[%add3A_123, %broadcast_in_dim3A_648] : memref<128x16xf32, #tpu.memory_space<vmem>>[vector<16xi32>, vector<16xi32>], vector<16xf32>,
        %broadcast_in_dim3A_655 = arith.constant 7 : i32
        %broadcast_in_dim3A_656 = vector.broadcast %broadcast_in_dim3A_655 : i32 to vector<16xi32>
        %gather3A_657 = arith.constant 2 : i32
        %gather3A_658 = arith.constant 0 : i32
        %gather3A_659 = arith.constant 0 : i32
        %gather3A_660 = tpu.memref_slice %arg12[%gather3A_657, %gather3A_658, %gather3A_659] : memref<4x128x16xf32, #tpu.memory_space<vmem>> -> memref<1x128x16xf32, #tpu.memory_space<vmem>>
        %gather3A_661 = tpu.memref_squeeze %gather3A_660 : memref<1x128x16xf32, #tpu.memory_space<vmem>> -> memref<128x16xf32, #tpu.memory_space<vmem>>
        %gather3A_662 = tpu.vector_load_idx %gather3A_661[%add3A_123, %broadcast_in_dim3A_656] : memref<128x16xf32, #tpu.memory_space<vmem>>[vector<16xi32>, vector<16xi32>], vector<16xf32>,
        %broadcast_in_dim3A_663 = arith.constant 11 : i32
        %broadcast_in_dim3A_664 = vector.broadcast %broadcast_in_dim3A_663 : i32 to vector<16xi32>
        %gather3A_665 = arith.constant 2 : i32
        %gather3A_666 = arith.constant 0 : i32
        %gather3A_667 = arith.constant 0 : i32
        %gather3A_668 = tpu.memref_slice %arg12[%gather3A_665, %gather3A_666, %gather3A_667] : memref<4x128x16xf32, #tpu.memory_space<vmem>> -> memref<1x128x16xf32, #tpu.memory_space<vmem>>
        %gather3A_669 = tpu.memref_squeeze %gather3A_668 : memref<1x128x16xf32, #tpu.memory_space<vmem>> -> memref<128x16xf32, #tpu.memory_space<vmem>>
        %gather3A_670 = tpu.vector_load_idx %gather3A_669[%add3A_123, %broadcast_in_dim3A_664] : memref<128x16xf32, #tpu.memory_space<vmem>>[vector<16xi32>, vector<16xi32>], vector<16xf32>,
        %broadcast_in_dim3A_671 = arith.constant 15 : i32
        %broadcast_in_dim3A_672 = vector.broadcast %broadcast_in_dim3A_671 : i32 to vector<16xi32>
        %gather3A_673 = arith.constant 2 : i32
        %gather3A_674 = arith.constant 0 : i32
        %gather3A_675 = arith.constant 0 : i32
        %gather3A_676 = tpu.memref_slice %arg12[%gather3A_673, %gather3A_674, %gather3A_675] : memref<4x128x16xf32, #tpu.memory_space<vmem>> -> memref<1x128x16xf32, #tpu.memory_space<vmem>>
        %gather3A_677 = tpu.memref_squeeze %gather3A_676 : memref<1x128x16xf32, #tpu.memory_space<vmem>> -> memref<128x16xf32, #tpu.memory_space<vmem>>
        %gather3A_678 = tpu.vector_load_idx %gather3A_677[%add3A_123, %broadcast_in_dim3A_672] : memref<128x16xf32, #tpu.memory_space<vmem>>[vector<16xi32>, vector<16xi32>], vector<16xf32>,
        %sub3A_679 = arith.subf %gather3A_670, %gather3A_654 : vector<16xf32>
        %mul3A_680 = arith.mulf %get3A_505, %sub3A_679 : vector<16xf32>
        %add3A_681 = arith.addf %gather3A_654, %mul3A_680 : vector<16xf32>
        %sub3A_682 = arith.subf %gather3A_678, %gather3A_662 : vector<16xf32>
        %mul3A_683 = arith.mulf %get3A_505, %sub3A_682 : vector<16xf32>
        %add3A_684 = arith.addf %gather3A_662, %mul3A_683 : vector<16xf32>
        %sub3A_685 = arith.subf %add3A_684, %add3A_681 : vector<16xf32>
        %mul3A_686 = arith.mulf %get3A_511, %sub3A_685 : vector<16xf32>
        %add3A_687 = arith.addf %add3A_681, %mul3A_686 : vector<16xf32>
        %mul3A_688 = arith.constant 2.500000e-01 : f32
        %mul3A_689 = vector.broadcast %mul3A_688 : f32 to vector<16xf32>
        %mul3A_690 = arith.mulf %add3A_687, %mul3A_689 : vector<16xf32>
        %add3A_691 = arith.addf %add3A_499, %mul3A_690 : vector<16xf32>
        %mul3A_692 = arith.constant 16 : i32
        %mul3A_693 = arith.muli %scan3A_119, %mul3A_692 : i32
        %get3A_694 = arith.constant 6 : i32
        %get3A_695 = arith.index_cast %get3A_694 : i32 to index
        %get3A_696 = arith.index_cast %mul3A_693 : i32 to index
        %get3A_697 = tpu.vector_load %arg11[%get3A_695, %get3A_696] {strides = array<i32>} : memref<8x128xf32, #tpu.memory_space<vmem>>, vector<16xf32>,
        %mul3A_698 = arith.constant 16 : i32
        %mul3A_699 = arith.muli %scan3A_119, %mul3A_698 : i32
        %get3A_700 = arith.constant 7 : i32
        %get3A_701 = arith.index_cast %get3A_700 : i32 to index
        %get3A_702 = arith.index_cast %mul3A_699 : i32 to index
        %get3A_703 = tpu.vector_load %arg11[%get3A_701, %get3A_702] {strides = array<i32>} : memref<8x128xf32, #tpu.memory_space<vmem>>, vector<16xf32>,
        %broadcast_in_dim3A_704 = arith.constant 0 : i32
        %broadcast_in_dim3A_705 = vector.broadcast %broadcast_in_dim3A_704 : i32 to vector<16xi32>
        %gather3A_706 = arith.constant 3 : i32
        %gather3A_707 = arith.constant 0 : i32
        %gather3A_708 = arith.constant 0 : i32
        %gather3A_709 = tpu.memref_slice %arg12[%gather3A_706, %gather3A_707, %gather3A_708] : memref<4x128x16xf32, #tpu.memory_space<vmem>> -> memref<1x128x16xf32, #tpu.memory_space<vmem>>
        %gather3A_710 = tpu.memref_squeeze %gather3A_709 : memref<1x128x16xf32, #tpu.memory_space<vmem>> -> memref<128x16xf32, #tpu.memory_space<vmem>>
        %gather3A_711 = tpu.vector_load_idx %gather3A_710[%add3A_123, %broadcast_in_dim3A_705] : memref<128x16xf32, #tpu.memory_space<vmem>>[vector<16xi32>, vector<16xi32>], vector<16xf32>,
        %broadcast_in_dim3A_712 = arith.constant 4 : i32
        %broadcast_in_dim3A_713 = vector.broadcast %broadcast_in_dim3A_712 : i32 to vector<16xi32>
        %gather3A_714 = arith.constant 3 : i32
        %gather3A_715 = arith.constant 0 : i32
        %gather3A_716 = arith.constant 0 : i32
        %gather3A_717 = tpu.memref_slice %arg12[%gather3A_714, %gather3A_715, %gather3A_716] : memref<4x128x16xf32, #tpu.memory_space<vmem>> -> memref<1x128x16xf32, #tpu.memory_space<vmem>>
        %gather3A_718 = tpu.memref_squeeze %gather3A_717 : memref<1x128x16xf32, #tpu.memory_space<vmem>> -> memref<128x16xf32, #tpu.memory_space<vmem>>
        %gather3A_719 = tpu.vector_load_idx %gather3A_718[%add3A_123, %broadcast_in_dim3A_713] : memref<128x16xf32, #tpu.memory_space<vmem>>[vector<16xi32>, vector<16xi32>], vector<16xf32>,
        %broadcast_in_dim3A_720 = arith.constant 8 : i32
        %broadcast_in_dim3A_721 = vector.broadcast %broadcast_in_dim3A_720 : i32 to vector<16xi32>
        %gather3A_722 = arith.constant 3 : i32
        %gather3A_723 = arith.constant 0 : i32
        %gather3A_724 = arith.constant 0 : i32
        %gather3A_725 = tpu.memref_slice %arg12[%gather3A_722, %gather3A_723, %gather3A_724] : memref<4x128x16xf32, #tpu.memory_space<vmem>> -> memref<1x128x16xf32, #tpu.memory_space<vmem>>
        %gather3A_726 = tpu.memref_squeeze %gather3A_725 : memref<1x128x16xf32, #tpu.memory_space<vmem>> -> memref<128x16xf32, #tpu.memory_space<vmem>>
        %gather3A_727 = tpu.vector_load_idx %gather3A_726[%add3A_123, %broadcast_in_dim3A_721] : memref<128x16xf32, #tpu.memory_space<vmem>>[vector<16xi32>, vector<16xi32>], vector<16xf32>,
        %broadcast_in_dim3A_728 = arith.constant 12 : i32
        %broadcast_in_dim3A_729 = vector.broadcast %broadcast_in_dim3A_728 : i32 to vector<16xi32>
        %gather3A_730 = arith.constant 3 : i32
        %gather3A_731 = arith.constant 0 : i32
        %gather3A_732 = arith.constant 0 : i32
        %gather3A_733 = tpu.memref_slice %arg12[%gather3A_730, %gather3A_731, %gather3A_732] : memref<4x128x16xf32, #tpu.memory_space<vmem>> -> memref<1x128x16xf32, #tpu.memory_space<vmem>>
        %gather3A_734 = tpu.memref_squeeze %gather3A_733 : memref<1x128x16xf32, #tpu.memory_space<vmem>> -> memref<128x16xf32, #tpu.memory_space<vmem>>
        %gather3A_735 = tpu.vector_load_idx %gather3A_734[%add3A_123, %broadcast_in_dim3A_729] : memref<128x16xf32, #tpu.memory_space<vmem>>[vector<16xi32>, vector<16xi32>], vector<16xf32>,
        %sub3A_736 = arith.subf %gather3A_727, %gather3A_711 : vector<16xf32>
        %mul3A_737 = arith.mulf %get3A_697, %sub3A_736 : vector<16xf32>
        %add3A_738 = arith.addf %gather3A_711, %mul3A_737 : vector<16xf32>
        %sub3A_739 = arith.subf %gather3A_735, %gather3A_719 : vector<16xf32>
        %mul3A_740 = arith.mulf %get3A_697, %sub3A_739 : vector<16xf32>
        %add3A_741 = arith.addf %gather3A_719, %mul3A_740 : vector<16xf32>
        %sub3A_742 = arith.subf %add3A_741, %add3A_738 : vector<16xf32>
        %mul3A_743 = arith.mulf %get3A_703, %sub3A_742 : vector<16xf32>
        %add3A_744 = arith.addf %add3A_738, %mul3A_743 : vector<16xf32>
        %mul3A_745 = arith.constant 1.250000e-01 : f32
        %mul3A_746 = vector.broadcast %mul3A_745 : f32 to vector<16xf32>
        %mul3A_747 = arith.mulf %add3A_744, %mul3A_746 : vector<16xf32>
        %add3A_748 = arith.addf %add3A_556, %mul3A_747 : vector<16xf32>
        %broadcast_in_dim3A_749 = arith.constant 1 : i32
        %broadcast_in_dim3A_750 = vector.broadcast %broadcast_in_dim3A_749 : i32 to vector<16xi32>
        %gather3A_751 = arith.constant 3 : i32
        %gather3A_752 = arith.constant 0 : i32
        %gather3A_753 = arith.constant 0 : i32
        %gather3A_754 = tpu.memref_slice %arg12[%gather3A_751, %gather3A_752, %gather3A_753] : memref<4x128x16xf32, #tpu.memory_space<vmem>> -> memref<1x128x16xf32, #tpu.memory_space<vmem>>
        %gather3A_755 = tpu.memref_squeeze %gather3A_754 : memref<1x128x16xf32, #tpu.memory_space<vmem>> -> memref<128x16xf32, #tpu.memory_space<vmem>>
        %gather3A_756 = tpu.vector_load_idx %gather3A_755[%add3A_123, %broadcast_in_dim3A_750] : memref<128x16xf32, #tpu.memory_space<vmem>>[vector<16xi32>, vector<16xi32>], vector<16xf32>,
        %broadcast_in_dim3A_757 = arith.constant 5 : i32
        %broadcast_in_dim3A_758 = vector.broadcast %broadcast_in_dim3A_757 : i32 to vector<16xi32>
        %gather3A_759 = arith.constant 3 : i32
        %gather3A_760 = arith.constant 0 : i32
        %gather3A_761 = arith.constant 0 : i32
        %gather3A_762 = tpu.memref_slice %arg12[%gather3A_759, %gather3A_760, %gather3A_761] : memref<4x128x16xf32, #tpu.memory_space<vmem>> -> memref<1x128x16xf32, #tpu.memory_space<vmem>>
        %gather3A_763 = tpu.memref_squeeze %gather3A_762 : memref<1x128x16xf32, #tpu.memory_space<vmem>> -> memref<128x16xf32, #tpu.memory_space<vmem>>
        %gather3A_764 = tpu.vector_load_idx %gather3A_763[%add3A_123, %broadcast_in_dim3A_758] : memref<128x16xf32, #tpu.memory_space<vmem>>[vector<16xi32>, vector<16xi32>], vector<16xf32>,
        %broadcast_in_dim3A_765 = arith.constant 9 : i32
        %broadcast_in_dim3A_766 = vector.broadcast %broadcast_in_dim3A_765 : i32 to vector<16xi32>
        %gather3A_767 = arith.constant 3 : i32
        %gather3A_768 = arith.constant 0 : i32
        %gather3A_769 = arith.constant 0 : i32
        %gather3A_770 = tpu.memref_slice %arg12[%gather3A_767, %gather3A_768, %gather3A_769] : memref<4x128x16xf32, #tpu.memory_space<vmem>> -> memref<1x128x16xf32, #tpu.memory_space<vmem>>
        %gather3A_771 = tpu.memref_squeeze %gather3A_770 : memref<1x128x16xf32, #tpu.memory_space<vmem>> -> memref<128x16xf32, #tpu.memory_space<vmem>>
        %gather3A_772 = tpu.vector_load_idx %gather3A_771[%add3A_123, %broadcast_in_dim3A_766] : memref<128x16xf32, #tpu.memory_space<vmem>>[vector<16xi32>, vector<16xi32>], vector<16xf32>,
        %broadcast_in_dim3A_773 = arith.constant 13 : i32
        %broadcast_in_dim3A_774 = vector.broadcast %broadcast_in_dim3A_773 : i32 to vector<16xi32>
        %gather3A_775 = arith.constant 3 : i32
        %gather3A_776 = arith.constant 0 : i32
        %gather3A_777 = arith.constant 0 : i32
        %gather3A_778 = tpu.memref_slice %arg12[%gather3A_775, %gather3A_776, %gather3A_777] : memref<4x128x16xf32, #tpu.memory_space<vmem>> -> memref<1x128x16xf32, #tpu.memory_space<vmem>>
        %gather3A_779 = tpu.memref_squeeze %gather3A_778 : memref<1x128x16xf32, #tpu.memory_space<vmem>> -> memref<128x16xf32, #tpu.memory_space<vmem>>
        %gather3A_780 = tpu.vector_load_idx %gather3A_779[%add3A_123, %broadcast_in_dim3A_774] : memref<128x16xf32, #tpu.memory_space<vmem>>[vector<16xi32>, vector<16xi32>], vector<16xf32>,
        %sub3A_781 = arith.subf %gather3A_772, %gather3A_756 : vector<16xf32>
        %mul3A_782 = arith.mulf %get3A_697, %sub3A_781 : vector<16xf32>
        %add3A_783 = arith.addf %gather3A_756, %mul3A_782 : vector<16xf32>
        %sub3A_784 = arith.subf %gather3A_780, %gather3A_764 : vector<16xf32>
        %mul3A_785 = arith.mulf %get3A_697, %sub3A_784 : vector<16xf32>
        %add3A_786 = arith.addf %gather3A_764, %mul3A_785 : vector<16xf32>
        %sub3A_787 = arith.subf %add3A_786, %add3A_783 : vector<16xf32>
        %mul3A_788 = arith.mulf %get3A_703, %sub3A_787 : vector<16xf32>
        %add3A_789 = arith.addf %add3A_783, %mul3A_788 : vector<16xf32>
        %mul3A_790 = arith.constant 1.250000e-01 : f32
        %mul3A_791 = vector.broadcast %mul3A_790 : f32 to vector<16xf32>
        %mul3A_792 = arith.mulf %add3A_789, %mul3A_791 : vector<16xf32>
        %add3A_793 = arith.addf %add3A_601, %mul3A_792 : vector<16xf32>
        %broadcast_in_dim3A_794 = arith.constant 2 : i32
        %broadcast_in_dim3A_795 = vector.broadcast %broadcast_in_dim3A_794 : i32 to vector<16xi32>
        %gather3A_796 = arith.constant 3 : i32
        %gather3A_797 = arith.constant 0 : i32
        %gather3A_798 = arith.constant 0 : i32
        %gather3A_799 = tpu.memref_slice %arg12[%gather3A_796, %gather3A_797, %gather3A_798] : memref<4x128x16xf32, #tpu.memory_space<vmem>> -> memref<1x128x16xf32, #tpu.memory_space<vmem>>
        %gather3A_800 = tpu.memref_squeeze %gather3A_799 : memref<1x128x16xf32, #tpu.memory_space<vmem>> -> memref<128x16xf32, #tpu.memory_space<vmem>>
        %gather3A_801 = tpu.vector_load_idx %gather3A_800[%add3A_123, %broadcast_in_dim3A_795] : memref<128x16xf32, #tpu.memory_space<vmem>>[vector<16xi32>, vector<16xi32>], vector<16xf32>,
        %broadcast_in_dim3A_802 = arith.constant 6 : i32
        %broadcast_in_dim3A_803 = vector.broadcast %broadcast_in_dim3A_802 : i32 to vector<16xi32>
        %gather3A_804 = arith.constant 3 : i32
        %gather3A_805 = arith.constant 0 : i32
        %gather3A_806 = arith.constant 0 : i32
        %gather3A_807 = tpu.memref_slice %arg12[%gather3A_804, %gather3A_805, %gather3A_806] : memref<4x128x16xf32, #tpu.memory_space<vmem>> -> memref<1x128x16xf32, #tpu.memory_space<vmem>>
        %gather3A_808 = tpu.memref_squeeze %gather3A_807 : memref<1x128x16xf32, #tpu.memory_space<vmem>> -> memref<128x16xf32, #tpu.memory_space<vmem>>
        %gather3A_809 = tpu.vector_load_idx %gather3A_808[%add3A_123, %broadcast_in_dim3A_803] : memref<128x16xf32, #tpu.memory_space<vmem>>[vector<16xi32>, vector<16xi32>], vector<16xf32>,
        %broadcast_in_dim3A_810 = arith.constant 10 : i32
        %broadcast_in_dim3A_811 = vector.broadcast %broadcast_in_dim3A_810 : i32 to vector<16xi32>
        %gather3A_812 = arith.constant 3 : i32
        %gather3A_813 = arith.constant 0 : i32
        %gather3A_814 = arith.constant 0 : i32
        %gather3A_815 = tpu.memref_slice %arg12[%gather3A_812, %gather3A_813, %gather3A_814] : memref<4x128x16xf32, #tpu.memory_space<vmem>> -> memref<1x128x16xf32, #tpu.memory_space<vmem>>
        %gather3A_816 = tpu.memref_squeeze %gather3A_815 : memref<1x128x16xf32, #tpu.memory_space<vmem>> -> memref<128x16xf32, #tpu.memory_space<vmem>>
        %gather3A_817 = tpu.vector_load_idx %gather3A_816[%add3A_123, %broadcast_in_dim3A_811] : memref<128x16xf32, #tpu.memory_space<vmem>>[vector<16xi32>, vector<16xi32>], vector<16xf32>,
        %broadcast_in_dim3A_818 = arith.constant 14 : i32
        %broadcast_in_dim3A_819 = vector.broadcast %broadcast_in_dim3A_818 : i32 to vector<16xi32>
        %gather3A_820 = arith.constant 3 : i32
        %gather3A_821 = arith.constant 0 : i32
        %gather3A_822 = arith.constant 0 : i32
        %gather3A_823 = tpu.memref_slice %arg12[%gather3A_820, %gather3A_821, %gather3A_822] : memref<4x128x16xf32, #tpu.memory_space<vmem>> -> memref<1x128x16xf32, #tpu.memory_space<vmem>>
        %gather3A_824 = tpu.memref_squeeze %gather3A_823 : memref<1x128x16xf32, #tpu.memory_space<vmem>> -> memref<128x16xf32, #tpu.memory_space<vmem>>
        %gather3A_825 = tpu.vector_load_idx %gather3A_824[%add3A_123, %broadcast_in_dim3A_819] : memref<128x16xf32, #tpu.memory_space<vmem>>[vector<16xi32>, vector<16xi32>], vector<16xf32>,
        %sub3A_826 = arith.subf %gather3A_817, %gather3A_801 : vector<16xf32>
        %mul3A_827 = arith.mulf %get3A_697, %sub3A_826 : vector<16xf32>
        %add3A_828 = arith.addf %gather3A_801, %mul3A_827 : vector<16xf32>
        %sub3A_829 = arith.subf %gather3A_825, %gather3A_809 : vector<16xf32>
        %mul3A_830 = arith.mulf %get3A_697, %sub3A_829 : vector<16xf32>
        %add3A_831 = arith.addf %gather3A_809, %mul3A_830 : vector<16xf32>
        %sub3A_832 = arith.subf %add3A_831, %add3A_828 : vector<16xf32>
        %mul3A_833 = arith.mulf %get3A_703, %sub3A_832 : vector<16xf32>
        %add3A_834 = arith.addf %add3A_828, %mul3A_833 : vector<16xf32>
        %mul3A_835 = arith.constant 1.250000e-01 : f32
        %mul3A_836 = vector.broadcast %mul3A_835 : f32 to vector<16xf32>
        %mul3A_837 = arith.mulf %add3A_834, %mul3A_836 : vector<16xf32>
        %add3A_838 = arith.addf %add3A_646, %mul3A_837 : vector<16xf32>
        %broadcast_in_dim3A_839 = arith.constant 3 : i32
        %broadcast_in_dim3A_840 = vector.broadcast %broadcast_in_dim3A_839 : i32 to vector<16xi32>
        %gather3A_841 = arith.constant 3 : i32
        %gather3A_842 = arith.constant 0 : i32
        %gather3A_843 = arith.constant 0 : i32
        %gather3A_844 = tpu.memref_slice %arg12[%gather3A_841, %gather3A_842, %gather3A_843] : memref<4x128x16xf32, #tpu.memory_space<vmem>> -> memref<1x128x16xf32, #tpu.memory_space<vmem>>
        %gather3A_845 = tpu.memref_squeeze %gather3A_844 : memref<1x128x16xf32, #tpu.memory_space<vmem>> -> memref<128x16xf32, #tpu.memory_space<vmem>>
        %gather3A_846 = tpu.vector_load_idx %gather3A_845[%add3A_123, %broadcast_in_dim3A_840] : memref<128x16xf32, #tpu.memory_space<vmem>>[vector<16xi32>, vector<16xi32>], vector<16xf32>,
        %broadcast_in_dim3A_847 = arith.constant 7 : i32
        %broadcast_in_dim3A_848 = vector.broadcast %broadcast_in_dim3A_847 : i32 to vector<16xi32>
        %gather3A_849 = arith.constant 3 : i32
        %gather3A_850 = arith.constant 0 : i32
        %gather3A_851 = arith.constant 0 : i32
        %gather3A_852 = tpu.memref_slice %arg12[%gather3A_849, %gather3A_850, %gather3A_851] : memref<4x128x16xf32, #tpu.memory_space<vmem>> -> memref<1x128x16xf32, #tpu.memory_space<vmem>>
        %gather3A_853 = tpu.memref_squeeze %gather3A_852 : memref<1x128x16xf32, #tpu.memory_space<vmem>> -> memref<128x16xf32, #tpu.memory_space<vmem>>
        %gather3A_854 = tpu.vector_load_idx %gather3A_853[%add3A_123, %broadcast_in_dim3A_848] : memref<128x16xf32, #tpu.memory_space<vmem>>[vector<16xi32>, vector<16xi32>], vector<16xf32>,
        %broadcast_in_dim3A_855 = arith.constant 11 : i32
        %broadcast_in_dim3A_856 = vector.broadcast %broadcast_in_dim3A_855 : i32 to vector<16xi32>
        %gather3A_857 = arith.constant 3 : i32
        %gather3A_858 = arith.constant 0 : i32
        %gather3A_859 = arith.constant 0 : i32
        %gather3A_860 = tpu.memref_slice %arg12[%gather3A_857, %gather3A_858, %gather3A_859] : memref<4x128x16xf32, #tpu.memory_space<vmem>> -> memref<1x128x16xf32, #tpu.memory_space<vmem>>
        %gather3A_861 = tpu.memref_squeeze %gather3A_860 : memref<1x128x16xf32, #tpu.memory_space<vmem>> -> memref<128x16xf32, #tpu.memory_space<vmem>>
        %gather3A_862 = tpu.vector_load_idx %gather3A_861[%add3A_123, %broadcast_in_dim3A_856] : memref<128x16xf32, #tpu.memory_space<vmem>>[vector<16xi32>, vector<16xi32>], vector<16xf32>,
        %broadcast_in_dim3A_863 = arith.constant 15 : i32
        %broadcast_in_dim3A_864 = vector.broadcast %broadcast_in_dim3A_863 : i32 to vector<16xi32>
        %gather3A_865 = arith.constant 3 : i32
        %gather3A_866 = arith.constant 0 : i32
        %gather3A_867 = arith.constant 0 : i32
        %gather3A_868 = tpu.memref_slice %arg12[%gather3A_865, %gather3A_866, %gather3A_867] : memref<4x128x16xf32, #tpu.memory_space<vmem>> -> memref<1x128x16xf32, #tpu.memory_space<vmem>>
        %gather3A_869 = tpu.memref_squeeze %gather3A_868 : memref<1x128x16xf32, #tpu.memory_space<vmem>> -> memref<128x16xf32, #tpu.memory_space<vmem>>
        %gather3A_870 = tpu.vector_load_idx %gather3A_869[%add3A_123, %broadcast_in_dim3A_864] : memref<128x16xf32, #tpu.memory_space<vmem>>[vector<16xi32>, vector<16xi32>], vector<16xf32>,
        %sub3A_871 = arith.subf %gather3A_862, %gather3A_846 : vector<16xf32>
        %mul3A_872 = arith.mulf %get3A_697, %sub3A_871 : vector<16xf32>
        %add3A_873 = arith.addf %gather3A_846, %mul3A_872 : vector<16xf32>
        %sub3A_874 = arith.subf %gather3A_870, %gather3A_854 : vector<16xf32>
        %mul3A_875 = arith.mulf %get3A_697, %sub3A_874 : vector<16xf32>
        %add3A_876 = arith.addf %gather3A_854, %mul3A_875 : vector<16xf32>
        %sub3A_877 = arith.subf %add3A_876, %add3A_873 : vector<16xf32>
        %mul3A_878 = arith.mulf %get3A_703, %sub3A_877 : vector<16xf32>
        %add3A_879 = arith.addf %add3A_873, %mul3A_878 : vector<16xf32>
        %mul3A_880 = arith.constant 1.250000e-01 : f32
        %mul3A_881 = vector.broadcast %mul3A_880 : f32 to vector<16xf32>
        %mul3A_882 = arith.mulf %add3A_879, %mul3A_881 : vector<16xf32>
        %add3A_883 = arith.addf %add3A_691, %mul3A_882 : vector<16xf32>
        %broadcast_in_dim3A_884 = arith.constant 0 : i32
        %broadcast_in_dim3A_885 = vector.broadcast %broadcast_in_dim3A_884 : i32 to vector<16xi32>
        tpu.vector_store_idx %arg13[%add3A_123, %broadcast_in_dim3A_885], %add3A_748 : memref<128x4xf32, #tpu.memory_space<vmem>>[vector<16xi32>, vector<16xi32>], vector<16xf32>,
        %broadcast_in_dim3A_886 = arith.constant 1 : i32
        %broadcast_in_dim3A_887 = vector.broadcast %broadcast_in_dim3A_886 : i32 to vector<16xi32>
        tpu.vector_store_idx %arg13[%add3A_123, %broadcast_in_dim3A_887], %add3A_793 : memref<128x4xf32, #tpu.memory_space<vmem>>[vector<16xi32>, vector<16xi32>], vector<16xf32>,
        %broadcast_in_dim3A_888 = arith.constant 2 : i32
        %broadcast_in_dim3A_889 = vector.broadcast %broadcast_in_dim3A_888 : i32 to vector<16xi32>
        tpu.vector_store_idx %arg13[%add3A_123, %broadcast_in_dim3A_889], %add3A_838 : memref<128x4xf32, #tpu.memory_space<vmem>>[vector<16xi32>, vector<16xi32>], vector<16xf32>,
        %broadcast_in_dim3A_890 = arith.constant 3 : i32
        %broadcast_in_dim3A_891 = vector.broadcast %broadcast_in_dim3A_890 : i32 to vector<16xi32>
        tpu.vector_store_idx %arg13[%add3A_123, %broadcast_in_dim3A_891], %add3A_883 : memref<128x4xf32, #tpu.memory_space<vmem>>[vector<16xi32>, vector<16xi32>], vector<16xf32>,
      }
      %scan3A_118 = arith.constant 8 : i32
      "tpu.region"() ({
        %run_scoped3A_119 = tpu.sem_alloc : memref<!tpu.dma_semaphore, #tpu.memory_space<semaphore_mem>>
        %dma_start3A_120 = arith.constant 0 : i32
        %dma_start3A_121 = tpu.memref_slice %arg7[%mul3A_11, %dma_start3A_120] : memref<1048576x4xf32, #tpu.memory_space<hbm>> -> memref<128x4xf32, #tpu.memory_space<hbm>>
        %dma_start3A_122 = arith.constant 0 : i32
        %dma_start3A_123 = tpu.memref_slice %arg7[%mul3A_11, %dma_start3A_122] : memref<1048576x4xf32, #tpu.memory_space<hbm>> -> memref<128x4xf32, #tpu.memory_space<hbm>>
        tpu.enqueue_dma source(%arg13 : memref<128x4xf32, #tpu.memory_space<vmem>>) target(%dma_start3A_123 : memref<128x4xf32, #tpu.memory_space<hbm>>) target_semaphore(%run_scoped3A_119 : memref<!tpu.dma_semaphore, #tpu.memory_space<semaphore_mem>>)
        %dma_wait3A_124 = arith.constant 0 : i32
        %dma_wait3A_125 = tpu.memref_slice %arg7[%mul3A_11, %dma_wait3A_124] : memref<1048576x4xf32, #tpu.memory_space<hbm>> -> memref<128x4xf32, #tpu.memory_space<hbm>>
        %dma_wait3A_126 = arith.constant 0 : i32
        %dma_wait3A_127 = tpu.memref_slice %arg7[%mul3A_11, %dma_wait3A_126] : memref<1048576x4xf32, #tpu.memory_space<hbm>> -> memref<128x4xf32, #tpu.memory_space<hbm>>
        tpu.wait_dma2 semaphore(%run_scoped3A_119 : memref<!tpu.dma_semaphore, #tpu.memory_space<semaphore_mem>>) src(%arg13 : memref<128x4xf32, #tpu.memory_space<vmem>>) dst(%dma_wait3A_127 : memref<128x4xf32, #tpu.memory_space<hbm>>)
        tpu.yield
      }) : () -> ()
    }
    %scan3A_5 = arith.constant 256 : i32
    return
  }
}

#map = affine_map<(d0, d1) -> (0, 0, 0)>
module attributes {stable_mosaic.version = 14 : i64} {
  func.func @_repack_body(%arg0: i32, %arg1: i32, %arg2: memref<129x129x4xf32, #tpu.memory_space<hbm>>, %arg3: memref<257x257x4xf32, #tpu.memory_space<hbm>>, %arg4: memref<513x513x4xf32, #tpu.memory_space<hbm>>, %arg5: memref<1025x1025x4xf32, #tpu.memory_space<hbm>>, %arg6: memref<128x128x16xf32, #tpu.memory_space<hbm>>, %arg7: memref<256x256x16xf32, #tpu.memory_space<hbm>>, %arg8: memref<512x512x16xf32, #tpu.memory_space<hbm>>, %arg9: memref<1024x1024x16xf32, #tpu.memory_space<hbm>>, %arg10: memref<!tpu.dma_semaphore, #tpu.memory_space<semaphore_mem>>) attributes {dimension_semantics = [#tpu.dimension_semantics<core_parallel>, #tpu.dimension_semantics<subcore_parallel>], iteration_bounds = array<i64: 2, 16>, scalar_prefetch = 0 : i64, scratch_operands = 1 : i64, tpu.core_type = #tpu.core_type<sc_vector_subcore>, window_params = [{transform_indices = #map}, {transform_indices = #map}, {transform_indices = #map}, {transform_indices = #map}, {transform_indices = #map}, {transform_indices = #map}, {transform_indices = #map}, {transform_indices = #map}]} {
    %mul3A = arith.constant 2 : i32
    %mul3A_0 = arith.muli %arg1, %mul3A : i32
    %add3A = arith.addi %mul3A_0, %arg0 : i32
    "tpu.region"() ({
      %run_scoped3A = memref.alloca() : memref<4x128x16xf32, #tpu.memory_space<vmem>>
      %scan3A = arith.constant 0 : i32
      %scan3A_1 = arith.constant 0 : i32
      %mul3A_2 = arith.constant 4 : i32
      %mul3A_3 = arith.muli %add3A, %mul3A_2 : i32
      %mul3A_4 = arith.constant 4 : i32
      %mul3A_5 = arith.muli %scan3A_1, %mul3A_4 : i32
      %add3A_6 = arith.addi %mul3A_3, %mul3A_5 : i32
      %add3A_7 = arith.constant 0 : i32
      %add3A_8 = arith.addi %add3A_6, %add3A_7 : i32
      "tpu.region"() ({
        %run_scoped3A_16 = tpu.sem_alloc : memref<!tpu.dma_semaphore, #tpu.memory_space<semaphore_mem>>
        %dma_start3A = arith.constant 0 : i32
        %dma_start3A_17 = arith.constant 0 : i32
        %dma_start3A_18 = arith.constant 0 : i32
        %dma_start3A_19 = tpu.memref_slice %run_scoped3A[%dma_start3A, %dma_start3A_17, %dma_start3A_18] : memref<4x128x16xf32, #tpu.memory_space<vmem>> -> memref<4x128x4xf32, #tpu.memory_space<vmem>>
        %dma_start3A_20 = arith.constant 0 : i32
        %dma_start3A_21 = arith.constant 0 : i32
        %dma_start3A_22 = tpu.memref_slice %arg2[%add3A_8, %dma_start3A_20, %dma_start3A_21] : memref<129x129x4xf32, #tpu.memory_space<hbm>> -> memref<4x128x4xf32, #tpu.memory_space<hbm>>
        %dma_start3A_23 = arith.constant 0 : i32
        %dma_start3A_24 = arith.constant 0 : i32
        %dma_start3A_25 = arith.constant 0 : i32
        %dma_start3A_26 = tpu.memref_slice %run_scoped3A[%dma_start3A_23, %dma_start3A_24, %dma_start3A_25] : memref<4x128x16xf32, #tpu.memory_space<vmem>> -> memref<4x128x4xf32, #tpu.memory_space<vmem>>
        %dma_start3A_27 = arith.constant 0 : i32
        %dma_start3A_28 = arith.constant 0 : i32
        %dma_start3A_29 = tpu.memref_slice %arg2[%add3A_8, %dma_start3A_27, %dma_start3A_28] : memref<129x129x4xf32, #tpu.memory_space<hbm>> -> memref<4x128x4xf32, #tpu.memory_space<hbm>>
        tpu.enqueue_dma source(%dma_start3A_29 : memref<4x128x4xf32, #tpu.memory_space<hbm>>) target(%dma_start3A_26 : memref<4x128x4xf32, #tpu.memory_space<vmem>>) target_semaphore(%run_scoped3A_16 : memref<!tpu.dma_semaphore, #tpu.memory_space<semaphore_mem>>)
        %dma_wait3A = arith.constant 0 : i32
        %dma_wait3A_30 = arith.constant 0 : i32
        %dma_wait3A_31 = arith.constant 0 : i32
        %dma_wait3A_32 = tpu.memref_slice %run_scoped3A[%dma_wait3A, %dma_wait3A_30, %dma_wait3A_31] : memref<4x128x16xf32, #tpu.memory_space<vmem>> -> memref<4x128x4xf32, #tpu.memory_space<vmem>>
        %dma_wait3A_33 = arith.constant 0 : i32
        %dma_wait3A_34 = arith.constant 0 : i32
        %dma_wait3A_35 = tpu.memref_slice %arg2[%add3A_8, %dma_wait3A_33, %dma_wait3A_34] : memref<129x129x4xf32, #tpu.memory_space<hbm>> -> memref<4x128x4xf32, #tpu.memory_space<hbm>>
        %dma_wait3A_36 = arith.constant 0 : i32
        %dma_wait3A_37 = arith.constant 0 : i32
        %dma_wait3A_38 = arith.constant 0 : i32
        %dma_wait3A_39 = tpu.memref_slice %run_scoped3A[%dma_wait3A_36, %dma_wait3A_37, %dma_wait3A_38] : memref<4x128x16xf32, #tpu.memory_space<vmem>> -> memref<4x128x4xf32, #tpu.memory_space<vmem>>
        %dma_wait3A_40 = arith.constant 0 : i32
        %dma_wait3A_41 = arith.constant 0 : i32
        %dma_wait3A_42 = tpu.memref_slice %arg2[%add3A_8, %dma_wait3A_40, %dma_wait3A_41] : memref<129x129x4xf32, #tpu.memory_space<hbm>> -> memref<4x128x4xf32, #tpu.memory_space<hbm>>
        tpu.wait_dma2 semaphore(%run_scoped3A_16 : memref<!tpu.dma_semaphore, #tpu.memory_space<semaphore_mem>>) src(%dma_wait3A_42 : memref<4x128x4xf32, #tpu.memory_space<hbm>>) dst(%dma_wait3A_39 : memref<4x128x4xf32, #tpu.memory_space<vmem>>)
        tpu.yield
      }) : () -> ()
      %add3A_9 = arith.constant 0 : i32
      %add3A_10 = arith.addi %add3A_6, %add3A_9 : i32
      "tpu.region"() ({
        %run_scoped3A_16 = tpu.sem_alloc : memref<!tpu.dma_semaphore, #tpu.memory_space<semaphore_mem>>
        %dma_start3A = arith.constant 0 : i32
        %dma_start3A_17 = arith.constant 0 : i32
        %dma_start3A_18 = arith.constant 4 : i32
        %dma_start3A_19 = tpu.memref_slice %run_scoped3A[%dma_start3A, %dma_start3A_17, %dma_start3A_18] : memref<4x128x16xf32, #tpu.memory_space<vmem>> -> memref<4x128x4xf32, #tpu.memory_space<vmem>>
        %dma_start3A_20 = arith.constant 1 : i32
        %dma_start3A_21 = arith.constant 0 : i32
        %dma_start3A_22 = tpu.memref_slice %arg2[%add3A_10, %dma_start3A_20, %dma_start3A_21] : memref<129x129x4xf32, #tpu.memory_space<hbm>> -> memref<4x128x4xf32, #tpu.memory_space<hbm>>
        %dma_start3A_23 = arith.constant 0 : i32
        %dma_start3A_24 = arith.constant 0 : i32
        %dma_start3A_25 = arith.constant 4 : i32
        %dma_start3A_26 = tpu.memref_slice %run_scoped3A[%dma_start3A_23, %dma_start3A_24, %dma_start3A_25] : memref<4x128x16xf32, #tpu.memory_space<vmem>> -> memref<4x128x4xf32, #tpu.memory_space<vmem>>
        %dma_start3A_27 = arith.constant 1 : i32
        %dma_start3A_28 = arith.constant 0 : i32
        %dma_start3A_29 = tpu.memref_slice %arg2[%add3A_10, %dma_start3A_27, %dma_start3A_28] : memref<129x129x4xf32, #tpu.memory_space<hbm>> -> memref<4x128x4xf32, #tpu.memory_space<hbm>>
        tpu.enqueue_dma source(%dma_start3A_29 : memref<4x128x4xf32, #tpu.memory_space<hbm>>) target(%dma_start3A_26 : memref<4x128x4xf32, #tpu.memory_space<vmem>>) target_semaphore(%run_scoped3A_16 : memref<!tpu.dma_semaphore, #tpu.memory_space<semaphore_mem>>)
        %dma_wait3A = arith.constant 0 : i32
        %dma_wait3A_30 = arith.constant 0 : i32
        %dma_wait3A_31 = arith.constant 4 : i32
        %dma_wait3A_32 = tpu.memref_slice %run_scoped3A[%dma_wait3A, %dma_wait3A_30, %dma_wait3A_31] : memref<4x128x16xf32, #tpu.memory_space<vmem>> -> memref<4x128x4xf32, #tpu.memory_space<vmem>>
        %dma_wait3A_33 = arith.constant 1 : i32
        %dma_wait3A_34 = arith.constant 0 : i32
        %dma_wait3A_35 = tpu.memref_slice %arg2[%add3A_10, %dma_wait3A_33, %dma_wait3A_34] : memref<129x129x4xf32, #tpu.memory_space<hbm>> -> memref<4x128x4xf32, #tpu.memory_space<hbm>>
        %dma_wait3A_36 = arith.constant 0 : i32
        %dma_wait3A_37 = arith.constant 0 : i32
        %dma_wait3A_38 = arith.constant 4 : i32
        %dma_wait3A_39 = tpu.memref_slice %run_scoped3A[%dma_wait3A_36, %dma_wait3A_37, %dma_wait3A_38] : memref<4x128x16xf32, #tpu.memory_space<vmem>> -> memref<4x128x4xf32, #tpu.memory_space<vmem>>
        %dma_wait3A_40 = arith.constant 1 : i32
        %dma_wait3A_41 = arith.constant 0 : i32
        %dma_wait3A_42 = tpu.memref_slice %arg2[%add3A_10, %dma_wait3A_40, %dma_wait3A_41] : memref<129x129x4xf32, #tpu.memory_space<hbm>> -> memref<4x128x4xf32, #tpu.memory_space<hbm>>
        tpu.wait_dma2 semaphore(%run_scoped3A_16 : memref<!tpu.dma_semaphore, #tpu.memory_space<semaphore_mem>>) src(%dma_wait3A_42 : memref<4x128x4xf32, #tpu.memory_space<hbm>>) dst(%dma_wait3A_39 : memref<4x128x4xf32, #tpu.memory_space<vmem>>)
        tpu.yield
      }) : () -> ()
      %add3A_11 = arith.constant 1 : i32
      %add3A_12 = arith.addi %add3A_6, %add3A_11 : i32
      "tpu.region"() ({
        %run_scoped3A_16 = tpu.sem_alloc : memref<!tpu.dma_semaphore, #tpu.memory_space<semaphore_mem>>
        %dma_start3A = arith.constant 0 : i32
        %dma_start3A_17 = arith.constant 0 : i32
        %dma_start3A_18 = arith.constant 8 : i32
        %dma_start3A_19 = tpu.memref_slice %run_scoped3A[%dma_start3A, %dma_start3A_17, %dma_start3A_18] : memref<4x128x16xf32, #tpu.memory_space<vmem>> -> memref<4x128x4xf32, #tpu.memory_space<vmem>>
        %dma_start3A_20 = arith.constant 0 : i32
        %dma_start3A_21 = arith.constant 0 : i32
        %dma_start3A_22 = tpu.memref_slice %arg2[%add3A_12, %dma_start3A_20, %dma_start3A_21] : memref<129x129x4xf32, #tpu.memory_space<hbm>> -> memref<4x128x4xf32, #tpu.memory_space<hbm>>
        %dma_start3A_23 = arith.constant 0 : i32
        %dma_start3A_24 = arith.constant 0 : i32
        %dma_start3A_25 = arith.constant 8 : i32
        %dma_start3A_26 = tpu.memref_slice %run_scoped3A[%dma_start3A_23, %dma_start3A_24, %dma_start3A_25] : memref<4x128x16xf32, #tpu.memory_space<vmem>> -> memref<4x128x4xf32, #tpu.memory_space<vmem>>
        %dma_start3A_27 = arith.constant 0 : i32
        %dma_start3A_28 = arith.constant 0 : i32
        %dma_start3A_29 = tpu.memref_slice %arg2[%add3A_12, %dma_start3A_27, %dma_start3A_28] : memref<129x129x4xf32, #tpu.memory_space<hbm>> -> memref<4x128x4xf32, #tpu.memory_space<hbm>>
        tpu.enqueue_dma source(%dma_start3A_29 : memref<4x128x4xf32, #tpu.memory_space<hbm>>) target(%dma_start3A_26 : memref<4x128x4xf32, #tpu.memory_space<vmem>>) target_semaphore(%run_scoped3A_16 : memref<!tpu.dma_semaphore, #tpu.memory_space<semaphore_mem>>)
        %dma_wait3A = arith.constant 0 : i32
        %dma_wait3A_30 = arith.constant 0 : i32
        %dma_wait3A_31 = arith.constant 8 : i32
        %dma_wait3A_32 = tpu.memref_slice %run_scoped3A[%dma_wait3A, %dma_wait3A_30, %dma_wait3A_31] : memref<4x128x16xf32, #tpu.memory_space<vmem>> -> memref<4x128x4xf32, #tpu.memory_space<vmem>>
        %dma_wait3A_33 = arith.constant 0 : i32
        %dma_wait3A_34 = arith.constant 0 : i32
        %dma_wait3A_35 = tpu.memref_slice %arg2[%add3A_12, %dma_wait3A_33, %dma_wait3A_34] : memref<129x129x4xf32, #tpu.memory_space<hbm>> -> memref<4x128x4xf32, #tpu.memory_space<hbm>>
        %dma_wait3A_36 = arith.constant 0 : i32
        %dma_wait3A_37 = arith.constant 0 : i32
        %dma_wait3A_38 = arith.constant 8 : i32
        %dma_wait3A_39 = tpu.memref_slice %run_scoped3A[%dma_wait3A_36, %dma_wait3A_37, %dma_wait3A_38] : memref<4x128x16xf32, #tpu.memory_space<vmem>> -> memref<4x128x4xf32, #tpu.memory_space<vmem>>
        %dma_wait3A_40 = arith.constant 0 : i32
        %dma_wait3A_41 = arith.constant 0 : i32
        %dma_wait3A_42 = tpu.memref_slice %arg2[%add3A_12, %dma_wait3A_40, %dma_wait3A_41] : memref<129x129x4xf32, #tpu.memory_space<hbm>> -> memref<4x128x4xf32, #tpu.memory_space<hbm>>
        tpu.wait_dma2 semaphore(%run_scoped3A_16 : memref<!tpu.dma_semaphore, #tpu.memory_space<semaphore_mem>>) src(%dma_wait3A_42 : memref<4x128x4xf32, #tpu.memory_space<hbm>>) dst(%dma_wait3A_39 : memref<4x128x4xf32, #tpu.memory_space<vmem>>)
        tpu.yield
      }) : () -> ()
      %add3A_13 = arith.constant 1 : i32
      %add3A_14 = arith.addi %add3A_6, %add3A_13 : i32
      "tpu.region"() ({
        %run_scoped3A_16 = tpu.sem_alloc : memref<!tpu.dma_semaphore, #tpu.memory_space<semaphore_mem>>
        %dma_start3A = arith.constant 0 : i32
        %dma_start3A_17 = arith.constant 0 : i32
        %dma_start3A_18 = arith.constant 12 : i32
        %dma_start3A_19 = tpu.memref_slice %run_scoped3A[%dma_start3A, %dma_start3A_17, %dma_start3A_18] : memref<4x128x16xf32, #tpu.memory_space<vmem>> -> memref<4x128x4xf32, #tpu.memory_space<vmem>>
        %dma_start3A_20 = arith.constant 1 : i32
        %dma_start3A_21 = arith.constant 0 : i32
        %dma_start3A_22 = tpu.memref_slice %arg2[%add3A_14, %dma_start3A_20, %dma_start3A_21] : memref<129x129x4xf32, #tpu.memory_space<hbm>> -> memref<4x128x4xf32, #tpu.memory_space<hbm>>
        %dma_start3A_23 = arith.constant 0 : i32
        %dma_start3A_24 = arith.constant 0 : i32
        %dma_start3A_25 = arith.constant 12 : i32
        %dma_start3A_26 = tpu.memref_slice %run_scoped3A[%dma_start3A_23, %dma_start3A_24, %dma_start3A_25] : memref<4x128x16xf32, #tpu.memory_space<vmem>> -> memref<4x128x4xf32, #tpu.memory_space<vmem>>
        %dma_start3A_27 = arith.constant 1 : i32
        %dma_start3A_28 = arith.constant 0 : i32
        %dma_start3A_29 = tpu.memref_slice %arg2[%add3A_14, %dma_start3A_27, %dma_start3A_28] : memref<129x129x4xf32, #tpu.memory_space<hbm>> -> memref<4x128x4xf32, #tpu.memory_space<hbm>>
        tpu.enqueue_dma source(%dma_start3A_29 : memref<4x128x4xf32, #tpu.memory_space<hbm>>) target(%dma_start3A_26 : memref<4x128x4xf32, #tpu.memory_space<vmem>>) target_semaphore(%run_scoped3A_16 : memref<!tpu.dma_semaphore, #tpu.memory_space<semaphore_mem>>)
        %dma_wait3A = arith.constant 0 : i32
        %dma_wait3A_30 = arith.constant 0 : i32
        %dma_wait3A_31 = arith.constant 12 : i32
        %dma_wait3A_32 = tpu.memref_slice %run_scoped3A[%dma_wait3A, %dma_wait3A_30, %dma_wait3A_31] : memref<4x128x16xf32, #tpu.memory_space<vmem>> -> memref<4x128x4xf32, #tpu.memory_space<vmem>>
        %dma_wait3A_33 = arith.constant 1 : i32
        %dma_wait3A_34 = arith.constant 0 : i32
        %dma_wait3A_35 = tpu.memref_slice %arg2[%add3A_14, %dma_wait3A_33, %dma_wait3A_34] : memref<129x129x4xf32, #tpu.memory_space<hbm>> -> memref<4x128x4xf32, #tpu.memory_space<hbm>>
        %dma_wait3A_36 = arith.constant 0 : i32
        %dma_wait3A_37 = arith.constant 0 : i32
        %dma_wait3A_38 = arith.constant 12 : i32
        %dma_wait3A_39 = tpu.memref_slice %run_scoped3A[%dma_wait3A_36, %dma_wait3A_37, %dma_wait3A_38] : memref<4x128x16xf32, #tpu.memory_space<vmem>> -> memref<4x128x4xf32, #tpu.memory_space<vmem>>
        %dma_wait3A_40 = arith.constant 1 : i32
        %dma_wait3A_41 = arith.constant 0 : i32
        %dma_wait3A_42 = tpu.memref_slice %arg2[%add3A_14, %dma_wait3A_40, %dma_wait3A_41] : memref<129x129x4xf32, #tpu.memory_space<hbm>> -> memref<4x128x4xf32, #tpu.memory_space<hbm>>
        tpu.wait_dma2 semaphore(%run_scoped3A_16 : memref<!tpu.dma_semaphore, #tpu.memory_space<semaphore_mem>>) src(%dma_wait3A_42 : memref<4x128x4xf32, #tpu.memory_space<hbm>>) dst(%dma_wait3A_39 : memref<4x128x4xf32, #tpu.memory_space<vmem>>)
        tpu.yield
      }) : () -> ()
      "tpu.region"() ({
        %run_scoped3A_16 = tpu.sem_alloc : memref<!tpu.dma_semaphore, #tpu.memory_space<semaphore_mem>>
        %dma_start3A = arith.constant 0 : i32
        %dma_start3A_17 = arith.constant 0 : i32
        %dma_start3A_18 = tpu.memref_slice %arg6[%add3A_6, %dma_start3A, %dma_start3A_17] : memref<128x128x16xf32, #tpu.memory_space<hbm>> -> memref<4x128x16xf32, #tpu.memory_space<hbm>>
        %dma_start3A_19 = arith.constant 0 : i32
        %dma_start3A_20 = arith.constant 0 : i32
        %dma_start3A_21 = tpu.memref_slice %arg6[%add3A_6, %dma_start3A_19, %dma_start3A_20] : memref<128x128x16xf32, #tpu.memory_space<hbm>> -> memref<4x128x16xf32, #tpu.memory_space<hbm>>
        tpu.enqueue_dma source(%run_scoped3A : memref<4x128x16xf32, #tpu.memory_space<vmem>>) target(%dma_start3A_21 : memref<4x128x16xf32, #tpu.memory_space<hbm>>) target_semaphore(%run_scoped3A_16 : memref<!tpu.dma_semaphore, #tpu.memory_space<semaphore_mem>>)
        %dma_wait3A = arith.constant 0 : i32
        %dma_wait3A_22 = arith.constant 0 : i32
        %dma_wait3A_23 = tpu.memref_slice %arg6[%add3A_6, %dma_wait3A, %dma_wait3A_22] : memref<128x128x16xf32, #tpu.memory_space<hbm>> -> memref<4x128x16xf32, #tpu.memory_space<hbm>>
        %dma_wait3A_24 = arith.constant 0 : i32
        %dma_wait3A_25 = arith.constant 0 : i32
        %dma_wait3A_26 = tpu.memref_slice %arg6[%add3A_6, %dma_wait3A_24, %dma_wait3A_25] : memref<128x128x16xf32, #tpu.memory_space<hbm>> -> memref<4x128x16xf32, #tpu.memory_space<hbm>>
        tpu.wait_dma2 semaphore(%run_scoped3A_16 : memref<!tpu.dma_semaphore, #tpu.memory_space<semaphore_mem>>) src(%run_scoped3A : memref<4x128x16xf32, #tpu.memory_space<vmem>>) dst(%dma_wait3A_26 : memref<4x128x16xf32, #tpu.memory_space<hbm>>)
        tpu.yield
      }) : () -> ()
      %scan3A_15 = arith.constant 1 : i32
      tpu.yield
    }) : () -> ()
    "tpu.region"() ({
      %run_scoped3A = memref.alloca() : memref<8x256x16xf32, #tpu.memory_space<vmem>>
      %scan3A = arith.constant 0 : i32
      %scan3A_1 = arith.constant 0 : i32
      %mul3A_2 = arith.constant 8 : i32
      %mul3A_3 = arith.muli %add3A, %mul3A_2 : i32
      %mul3A_4 = arith.constant 8 : i32
      %mul3A_5 = arith.muli %scan3A_1, %mul3A_4 : i32
      %add3A_6 = arith.addi %mul3A_3, %mul3A_5 : i32
      %add3A_7 = arith.constant 0 : i32
      %add3A_8 = arith.addi %add3A_6, %add3A_7 : i32
      "tpu.region"() ({
        %run_scoped3A_16 = tpu.sem_alloc : memref<!tpu.dma_semaphore, #tpu.memory_space<semaphore_mem>>
        %dma_start3A = arith.constant 0 : i32
        %dma_start3A_17 = arith.constant 0 : i32
        %dma_start3A_18 = arith.constant 0 : i32
        %dma_start3A_19 = tpu.memref_slice %run_scoped3A[%dma_start3A, %dma_start3A_17, %dma_start3A_18] : memref<8x256x16xf32, #tpu.memory_space<vmem>> -> memref<8x256x4xf32, #tpu.memory_space<vmem>>
        %dma_start3A_20 = arith.constant 0 : i32
        %dma_start3A_21 = arith.constant 0 : i32
        %dma_start3A_22 = tpu.memref_slice %arg3[%add3A_8, %dma_start3A_20, %dma_start3A_21] : memref<257x257x4xf32, #tpu.memory_space<hbm>> -> memref<8x256x4xf32, #tpu.memory_space<hbm>>
        %dma_start3A_23 = arith.constant 0 : i32
        %dma_start3A_24 = arith.constant 0 : i32
        %dma_start3A_25 = arith.constant 0 : i32
        %dma_start3A_26 = tpu.memref_slice %run_scoped3A[%dma_start3A_23, %dma_start3A_24, %dma_start3A_25] : memref<8x256x16xf32, #tpu.memory_space<vmem>> -> memref<8x256x4xf32, #tpu.memory_space<vmem>>
        %dma_start3A_27 = arith.constant 0 : i32
        %dma_start3A_28 = arith.constant 0 : i32
        %dma_start3A_29 = tpu.memref_slice %arg3[%add3A_8, %dma_start3A_27, %dma_start3A_28] : memref<257x257x4xf32, #tpu.memory_space<hbm>> -> memref<8x256x4xf32, #tpu.memory_space<hbm>>
        tpu.enqueue_dma source(%dma_start3A_29 : memref<8x256x4xf32, #tpu.memory_space<hbm>>) target(%dma_start3A_26 : memref<8x256x4xf32, #tpu.memory_space<vmem>>) target_semaphore(%run_scoped3A_16 : memref<!tpu.dma_semaphore, #tpu.memory_space<semaphore_mem>>)
        %dma_wait3A = arith.constant 0 : i32
        %dma_wait3A_30 = arith.constant 0 : i32
        %dma_wait3A_31 = arith.constant 0 : i32
        %dma_wait3A_32 = tpu.memref_slice %run_scoped3A[%dma_wait3A, %dma_wait3A_30, %dma_wait3A_31] : memref<8x256x16xf32, #tpu.memory_space<vmem>> -> memref<8x256x4xf32, #tpu.memory_space<vmem>>
        %dma_wait3A_33 = arith.constant 0 : i32
        %dma_wait3A_34 = arith.constant 0 : i32
        %dma_wait3A_35 = tpu.memref_slice %arg3[%add3A_8, %dma_wait3A_33, %dma_wait3A_34] : memref<257x257x4xf32, #tpu.memory_space<hbm>> -> memref<8x256x4xf32, #tpu.memory_space<hbm>>
        %dma_wait3A_36 = arith.constant 0 : i32
        %dma_wait3A_37 = arith.constant 0 : i32
        %dma_wait3A_38 = arith.constant 0 : i32
        %dma_wait3A_39 = tpu.memref_slice %run_scoped3A[%dma_wait3A_36, %dma_wait3A_37, %dma_wait3A_38] : memref<8x256x16xf32, #tpu.memory_space<vmem>> -> memref<8x256x4xf32, #tpu.memory_space<vmem>>
        %dma_wait3A_40 = arith.constant 0 : i32
        %dma_wait3A_41 = arith.constant 0 : i32
        %dma_wait3A_42 = tpu.memref_slice %arg3[%add3A_8, %dma_wait3A_40, %dma_wait3A_41] : memref<257x257x4xf32, #tpu.memory_space<hbm>> -> memref<8x256x4xf32, #tpu.memory_space<hbm>>
        tpu.wait_dma2 semaphore(%run_scoped3A_16 : memref<!tpu.dma_semaphore, #tpu.memory_space<semaphore_mem>>) src(%dma_wait3A_42 : memref<8x256x4xf32, #tpu.memory_space<hbm>>) dst(%dma_wait3A_39 : memref<8x256x4xf32, #tpu.memory_space<vmem>>)
        tpu.yield
      }) : () -> ()
      %add3A_9 = arith.constant 0 : i32
      %add3A_10 = arith.addi %add3A_6, %add3A_9 : i32
      "tpu.region"() ({
        %run_scoped3A_16 = tpu.sem_alloc : memref<!tpu.dma_semaphore, #tpu.memory_space<semaphore_mem>>
        %dma_start3A = arith.constant 0 : i32
        %dma_start3A_17 = arith.constant 0 : i32
        %dma_start3A_18 = arith.constant 4 : i32
        %dma_start3A_19 = tpu.memref_slice %run_scoped3A[%dma_start3A, %dma_start3A_17, %dma_start3A_18] : memref<8x256x16xf32, #tpu.memory_space<vmem>> -> memref<8x256x4xf32, #tpu.memory_space<vmem>>
        %dma_start3A_20 = arith.constant 1 : i32
        %dma_start3A_21 = arith.constant 0 : i32
        %dma_start3A_22 = tpu.memref_slice %arg3[%add3A_10, %dma_start3A_20, %dma_start3A_21] : memref<257x257x4xf32, #tpu.memory_space<hbm>> -> memref<8x256x4xf32, #tpu.memory_space<hbm>>
        %dma_start3A_23 = arith.constant 0 : i32
        %dma_start3A_24 = arith.constant 0 : i32
        %dma_start3A_25 = arith.constant 4 : i32
        %dma_start3A_26 = tpu.memref_slice %run_scoped3A[%dma_start3A_23, %dma_start3A_24, %dma_start3A_25] : memref<8x256x16xf32, #tpu.memory_space<vmem>> -> memref<8x256x4xf32, #tpu.memory_space<vmem>>
        %dma_start3A_27 = arith.constant 1 : i32
        %dma_start3A_28 = arith.constant 0 : i32
        %dma_start3A_29 = tpu.memref_slice %arg3[%add3A_10, %dma_start3A_27, %dma_start3A_28] : memref<257x257x4xf32, #tpu.memory_space<hbm>> -> memref<8x256x4xf32, #tpu.memory_space<hbm>>
        tpu.enqueue_dma source(%dma_start3A_29 : memref<8x256x4xf32, #tpu.memory_space<hbm>>) target(%dma_start3A_26 : memref<8x256x4xf32, #tpu.memory_space<vmem>>) target_semaphore(%run_scoped3A_16 : memref<!tpu.dma_semaphore, #tpu.memory_space<semaphore_mem>>)
        %dma_wait3A = arith.constant 0 : i32
        %dma_wait3A_30 = arith.constant 0 : i32
        %dma_wait3A_31 = arith.constant 4 : i32
        %dma_wait3A_32 = tpu.memref_slice %run_scoped3A[%dma_wait3A, %dma_wait3A_30, %dma_wait3A_31] : memref<8x256x16xf32, #tpu.memory_space<vmem>> -> memref<8x256x4xf32, #tpu.memory_space<vmem>>
        %dma_wait3A_33 = arith.constant 1 : i32
        %dma_wait3A_34 = arith.constant 0 : i32
        %dma_wait3A_35 = tpu.memref_slice %arg3[%add3A_10, %dma_wait3A_33, %dma_wait3A_34] : memref<257x257x4xf32, #tpu.memory_space<hbm>> -> memref<8x256x4xf32, #tpu.memory_space<hbm>>
        %dma_wait3A_36 = arith.constant 0 : i32
        %dma_wait3A_37 = arith.constant 0 : i32
        %dma_wait3A_38 = arith.constant 4 : i32
        %dma_wait3A_39 = tpu.memref_slice %run_scoped3A[%dma_wait3A_36, %dma_wait3A_37, %dma_wait3A_38] : memref<8x256x16xf32, #tpu.memory_space<vmem>> -> memref<8x256x4xf32, #tpu.memory_space<vmem>>
        %dma_wait3A_40 = arith.constant 1 : i32
        %dma_wait3A_41 = arith.constant 0 : i32
        %dma_wait3A_42 = tpu.memref_slice %arg3[%add3A_10, %dma_wait3A_40, %dma_wait3A_41] : memref<257x257x4xf32, #tpu.memory_space<hbm>> -> memref<8x256x4xf32, #tpu.memory_space<hbm>>
        tpu.wait_dma2 semaphore(%run_scoped3A_16 : memref<!tpu.dma_semaphore, #tpu.memory_space<semaphore_mem>>) src(%dma_wait3A_42 : memref<8x256x4xf32, #tpu.memory_space<hbm>>) dst(%dma_wait3A_39 : memref<8x256x4xf32, #tpu.memory_space<vmem>>)
        tpu.yield
      }) : () -> ()
      %add3A_11 = arith.constant 1 : i32
      %add3A_12 = arith.addi %add3A_6, %add3A_11 : i32
      "tpu.region"() ({
        %run_scoped3A_16 = tpu.sem_alloc : memref<!tpu.dma_semaphore, #tpu.memory_space<semaphore_mem>>
        %dma_start3A = arith.constant 0 : i32
        %dma_start3A_17 = arith.constant 0 : i32
        %dma_start3A_18 = arith.constant 8 : i32
        %dma_start3A_19 = tpu.memref_slice %run_scoped3A[%dma_start3A, %dma_start3A_17, %dma_start3A_18] : memref<8x256x16xf32, #tpu.memory_space<vmem>> -> memref<8x256x4xf32, #tpu.memory_space<vmem>>
        %dma_start3A_20 = arith.constant 0 : i32
        %dma_start3A_21 = arith.constant 0 : i32
        %dma_start3A_22 = tpu.memref_slice %arg3[%add3A_12, %dma_start3A_20, %dma_start3A_21] : memref<257x257x4xf32, #tpu.memory_space<hbm>> -> memref<8x256x4xf32, #tpu.memory_space<hbm>>
        %dma_start3A_23 = arith.constant 0 : i32
        %dma_start3A_24 = arith.constant 0 : i32
        %dma_start3A_25 = arith.constant 8 : i32
        %dma_start3A_26 = tpu.memref_slice %run_scoped3A[%dma_start3A_23, %dma_start3A_24, %dma_start3A_25] : memref<8x256x16xf32, #tpu.memory_space<vmem>> -> memref<8x256x4xf32, #tpu.memory_space<vmem>>
        %dma_start3A_27 = arith.constant 0 : i32
        %dma_start3A_28 = arith.constant 0 : i32
        %dma_start3A_29 = tpu.memref_slice %arg3[%add3A_12, %dma_start3A_27, %dma_start3A_28] : memref<257x257x4xf32, #tpu.memory_space<hbm>> -> memref<8x256x4xf32, #tpu.memory_space<hbm>>
        tpu.enqueue_dma source(%dma_start3A_29 : memref<8x256x4xf32, #tpu.memory_space<hbm>>) target(%dma_start3A_26 : memref<8x256x4xf32, #tpu.memory_space<vmem>>) target_semaphore(%run_scoped3A_16 : memref<!tpu.dma_semaphore, #tpu.memory_space<semaphore_mem>>)
        %dma_wait3A = arith.constant 0 : i32
        %dma_wait3A_30 = arith.constant 0 : i32
        %dma_wait3A_31 = arith.constant 8 : i32
        %dma_wait3A_32 = tpu.memref_slice %run_scoped3A[%dma_wait3A, %dma_wait3A_30, %dma_wait3A_31] : memref<8x256x16xf32, #tpu.memory_space<vmem>> -> memref<8x256x4xf32, #tpu.memory_space<vmem>>
        %dma_wait3A_33 = arith.constant 0 : i32
        %dma_wait3A_34 = arith.constant 0 : i32
        %dma_wait3A_35 = tpu.memref_slice %arg3[%add3A_12, %dma_wait3A_33, %dma_wait3A_34] : memref<257x257x4xf32, #tpu.memory_space<hbm>> -> memref<8x256x4xf32, #tpu.memory_space<hbm>>
        %dma_wait3A_36 = arith.constant 0 : i32
        %dma_wait3A_37 = arith.constant 0 : i32
        %dma_wait3A_38 = arith.constant 8 : i32
        %dma_wait3A_39 = tpu.memref_slice %run_scoped3A[%dma_wait3A_36, %dma_wait3A_37, %dma_wait3A_38] : memref<8x256x16xf32, #tpu.memory_space<vmem>> -> memref<8x256x4xf32, #tpu.memory_space<vmem>>
        %dma_wait3A_40 = arith.constant 0 : i32
        %dma_wait3A_41 = arith.constant 0 : i32
        %dma_wait3A_42 = tpu.memref_slice %arg3[%add3A_12, %dma_wait3A_40, %dma_wait3A_41] : memref<257x257x4xf32, #tpu.memory_space<hbm>> -> memref<8x256x4xf32, #tpu.memory_space<hbm>>
        tpu.wait_dma2 semaphore(%run_scoped3A_16 : memref<!tpu.dma_semaphore, #tpu.memory_space<semaphore_mem>>) src(%dma_wait3A_42 : memref<8x256x4xf32, #tpu.memory_space<hbm>>) dst(%dma_wait3A_39 : memref<8x256x4xf32, #tpu.memory_space<vmem>>)
        tpu.yield
      }) : () -> ()
      %add3A_13 = arith.constant 1 : i32
      %add3A_14 = arith.addi %add3A_6, %add3A_13 : i32
      "tpu.region"() ({
        %run_scoped3A_16 = tpu.sem_alloc : memref<!tpu.dma_semaphore, #tpu.memory_space<semaphore_mem>>
        %dma_start3A = arith.constant 0 : i32
        %dma_start3A_17 = arith.constant 0 : i32
        %dma_start3A_18 = arith.constant 12 : i32
        %dma_start3A_19 = tpu.memref_slice %run_scoped3A[%dma_start3A, %dma_start3A_17, %dma_start3A_18] : memref<8x256x16xf32, #tpu.memory_space<vmem>> -> memref<8x256x4xf32, #tpu.memory_space<vmem>>
        %dma_start3A_20 = arith.constant 1 : i32
        %dma_start3A_21 = arith.constant 0 : i32
        %dma_start3A_22 = tpu.memref_slice %arg3[%add3A_14, %dma_start3A_20, %dma_start3A_21] : memref<257x257x4xf32, #tpu.memory_space<hbm>> -> memref<8x256x4xf32, #tpu.memory_space<hbm>>
        %dma_start3A_23 = arith.constant 0 : i32
        %dma_start3A_24 = arith.constant 0 : i32
        %dma_start3A_25 = arith.constant 12 : i32
        %dma_start3A_26 = tpu.memref_slice %run_scoped3A[%dma_start3A_23, %dma_start3A_24, %dma_start3A_25] : memref<8x256x16xf32, #tpu.memory_space<vmem>> -> memref<8x256x4xf32, #tpu.memory_space<vmem>>
        %dma_start3A_27 = arith.constant 1 : i32
        %dma_start3A_28 = arith.constant 0 : i32
        %dma_start3A_29 = tpu.memref_slice %arg3[%add3A_14, %dma_start3A_27, %dma_start3A_28] : memref<257x257x4xf32, #tpu.memory_space<hbm>> -> memref<8x256x4xf32, #tpu.memory_space<hbm>>
        tpu.enqueue_dma source(%dma_start3A_29 : memref<8x256x4xf32, #tpu.memory_space<hbm>>) target(%dma_start3A_26 : memref<8x256x4xf32, #tpu.memory_space<vmem>>) target_semaphore(%run_scoped3A_16 : memref<!tpu.dma_semaphore, #tpu.memory_space<semaphore_mem>>)
        %dma_wait3A = arith.constant 0 : i32
        %dma_wait3A_30 = arith.constant 0 : i32
        %dma_wait3A_31 = arith.constant 12 : i32
        %dma_wait3A_32 = tpu.memref_slice %run_scoped3A[%dma_wait3A, %dma_wait3A_30, %dma_wait3A_31] : memref<8x256x16xf32, #tpu.memory_space<vmem>> -> memref<8x256x4xf32, #tpu.memory_space<vmem>>
        %dma_wait3A_33 = arith.constant 1 : i32
        %dma_wait3A_34 = arith.constant 0 : i32
        %dma_wait3A_35 = tpu.memref_slice %arg3[%add3A_14, %dma_wait3A_33, %dma_wait3A_34] : memref<257x257x4xf32, #tpu.memory_space<hbm>> -> memref<8x256x4xf32, #tpu.memory_space<hbm>>
        %dma_wait3A_36 = arith.constant 0 : i32
        %dma_wait3A_37 = arith.constant 0 : i32
        %dma_wait3A_38 = arith.constant 12 : i32
        %dma_wait3A_39 = tpu.memref_slice %run_scoped3A[%dma_wait3A_36, %dma_wait3A_37, %dma_wait3A_38] : memref<8x256x16xf32, #tpu.memory_space<vmem>> -> memref<8x256x4xf32, #tpu.memory_space<vmem>>
        %dma_wait3A_40 = arith.constant 1 : i32
        %dma_wait3A_41 = arith.constant 0 : i32
        %dma_wait3A_42 = tpu.memref_slice %arg3[%add3A_14, %dma_wait3A_40, %dma_wait3A_41] : memref<257x257x4xf32, #tpu.memory_space<hbm>> -> memref<8x256x4xf32, #tpu.memory_space<hbm>>
        tpu.wait_dma2 semaphore(%run_scoped3A_16 : memref<!tpu.dma_semaphore, #tpu.memory_space<semaphore_mem>>) src(%dma_wait3A_42 : memref<8x256x4xf32, #tpu.memory_space<hbm>>) dst(%dma_wait3A_39 : memref<8x256x4xf32, #tpu.memory_space<vmem>>)
        tpu.yield
      }) : () -> ()
      "tpu.region"() ({
        %run_scoped3A_16 = tpu.sem_alloc : memref<!tpu.dma_semaphore, #tpu.memory_space<semaphore_mem>>
        %dma_start3A = arith.constant 0 : i32
        %dma_start3A_17 = arith.constant 0 : i32
        %dma_start3A_18 = tpu.memref_slice %arg7[%add3A_6, %dma_start3A, %dma_start3A_17] : memref<256x256x16xf32, #tpu.memory_space<hbm>> -> memref<8x256x16xf32, #tpu.memory_space<hbm>>
        %dma_start3A_19 = arith.constant 0 : i32
        %dma_start3A_20 = arith.constant 0 : i32
        %dma_start3A_21 = tpu.memref_slice %arg7[%add3A_6, %dma_start3A_19, %dma_start3A_20] : memref<256x256x16xf32, #tpu.memory_space<hbm>> -> memref<8x256x16xf32, #tpu.memory_space<hbm>>
        tpu.enqueue_dma source(%run_scoped3A : memref<8x256x16xf32, #tpu.memory_space<vmem>>) target(%dma_start3A_21 : memref<8x256x16xf32, #tpu.memory_space<hbm>>) target_semaphore(%run_scoped3A_16 : memref<!tpu.dma_semaphore, #tpu.memory_space<semaphore_mem>>)
        %dma_wait3A = arith.constant 0 : i32
        %dma_wait3A_22 = arith.constant 0 : i32
        %dma_wait3A_23 = tpu.memref_slice %arg7[%add3A_6, %dma_wait3A, %dma_wait3A_22] : memref<256x256x16xf32, #tpu.memory_space<hbm>> -> memref<8x256x16xf32, #tpu.memory_space<hbm>>
        %dma_wait3A_24 = arith.constant 0 : i32
        %dma_wait3A_25 = arith.constant 0 : i32
        %dma_wait3A_26 = tpu.memref_slice %arg7[%add3A_6, %dma_wait3A_24, %dma_wait3A_25] : memref<256x256x16xf32, #tpu.memory_space<hbm>> -> memref<8x256x16xf32, #tpu.memory_space<hbm>>
        tpu.wait_dma2 semaphore(%run_scoped3A_16 : memref<!tpu.dma_semaphore, #tpu.memory_space<semaphore_mem>>) src(%run_scoped3A : memref<8x256x16xf32, #tpu.memory_space<vmem>>) dst(%dma_wait3A_26 : memref<8x256x16xf32, #tpu.memory_space<hbm>>)
        tpu.yield
      }) : () -> ()
      %scan3A_15 = arith.constant 1 : i32
      tpu.yield
    }) : () -> ()
    "tpu.region"() ({
      %run_scoped3A = memref.alloca() : memref<8x512x16xf32, #tpu.memory_space<vmem>>
      %scan3A = arith.constant 0 : i32
      %scan3A_1 = arith.constant 0 : i32
      %scan3A_2 = arith.constant 2 : i32
      %scan3A_3 = arith.addi %scan3A_1, %scan3A_2 : i32
      %scan3A_4 = arith.constant 1 : i32
      scf.for %scan3A_6 = %scan3A_1 to %scan3A_3 step %scan3A_4  : i32 {
        %mul3A_7 = arith.constant 16 : i32
        %mul3A_8 = arith.muli %add3A, %mul3A_7 : i32
        %mul3A_9 = arith.constant 8 : i32
        %mul3A_10 = arith.muli %scan3A_6, %mul3A_9 : i32
        %add3A_11 = arith.addi %mul3A_8, %mul3A_10 : i32
        %add3A_12 = arith.constant 0 : i32
        %add3A_13 = arith.addi %add3A_11, %add3A_12 : i32
        "tpu.region"() ({
          %run_scoped3A_20 = tpu.sem_alloc : memref<!tpu.dma_semaphore, #tpu.memory_space<semaphore_mem>>
          %dma_start3A = arith.constant 0 : i32
          %dma_start3A_21 = arith.constant 0 : i32
          %dma_start3A_22 = arith.constant 0 : i32
          %dma_start3A_23 = tpu.memref_slice %run_scoped3A[%dma_start3A, %dma_start3A_21, %dma_start3A_22] : memref<8x512x16xf32, #tpu.memory_space<vmem>> -> memref<8x512x4xf32, #tpu.memory_space<vmem>>
          %dma_start3A_24 = arith.constant 0 : i32
          %dma_start3A_25 = arith.constant 0 : i32
          %dma_start3A_26 = tpu.memref_slice %arg4[%add3A_13, %dma_start3A_24, %dma_start3A_25] : memref<513x513x4xf32, #tpu.memory_space<hbm>> -> memref<8x512x4xf32, #tpu.memory_space<hbm>>
          %dma_start3A_27 = arith.constant 0 : i32
          %dma_start3A_28 = arith.constant 0 : i32
          %dma_start3A_29 = arith.constant 0 : i32
          %dma_start3A_30 = tpu.memref_slice %run_scoped3A[%dma_start3A_27, %dma_start3A_28, %dma_start3A_29] : memref<8x512x16xf32, #tpu.memory_space<vmem>> -> memref<8x512x4xf32, #tpu.memory_space<vmem>>
          %dma_start3A_31 = arith.constant 0 : i32
          %dma_start3A_32 = arith.constant 0 : i32
          %dma_start3A_33 = tpu.memref_slice %arg4[%add3A_13, %dma_start3A_31, %dma_start3A_32] : memref<513x513x4xf32, #tpu.memory_space<hbm>> -> memref<8x512x4xf32, #tpu.memory_space<hbm>>
          tpu.enqueue_dma source(%dma_start3A_33 : memref<8x512x4xf32, #tpu.memory_space<hbm>>) target(%dma_start3A_30 : memref<8x512x4xf32, #tpu.memory_space<vmem>>) target_semaphore(%run_scoped3A_20 : memref<!tpu.dma_semaphore, #tpu.memory_space<semaphore_mem>>)
          %dma_wait3A = arith.constant 0 : i32
          %dma_wait3A_34 = arith.constant 0 : i32
          %dma_wait3A_35 = arith.constant 0 : i32
          %dma_wait3A_36 = tpu.memref_slice %run_scoped3A[%dma_wait3A, %dma_wait3A_34, %dma_wait3A_35] : memref<8x512x16xf32, #tpu.memory_space<vmem>> -> memref<8x512x4xf32, #tpu.memory_space<vmem>>
          %dma_wait3A_37 = arith.constant 0 : i32
          %dma_wait3A_38 = arith.constant 0 : i32
          %dma_wait3A_39 = tpu.memref_slice %arg4[%add3A_13, %dma_wait3A_37, %dma_wait3A_38] : memref<513x513x4xf32, #tpu.memory_space<hbm>> -> memref<8x512x4xf32, #tpu.memory_space<hbm>>
          %dma_wait3A_40 = arith.constant 0 : i32
          %dma_wait3A_41 = arith.constant 0 : i32
          %dma_wait3A_42 = arith.constant 0 : i32
          %dma_wait3A_43 = tpu.memref_slice %run_scoped3A[%dma_wait3A_40, %dma_wait3A_41, %dma_wait3A_42] : memref<8x512x16xf32, #tpu.memory_space<vmem>> -> memref<8x512x4xf32, #tpu.memory_space<vmem>>
          %dma_wait3A_44 = arith.constant 0 : i32
          %dma_wait3A_45 = arith.constant 0 : i32
          %dma_wait3A_46 = tpu.memref_slice %arg4[%add3A_13, %dma_wait3A_44, %dma_wait3A_45] : memref<513x513x4xf32, #tpu.memory_space<hbm>> -> memref<8x512x4xf32, #tpu.memory_space<hbm>>
          tpu.wait_dma2 semaphore(%run_scoped3A_20 : memref<!tpu.dma_semaphore, #tpu.memory_space<semaphore_mem>>) src(%dma_wait3A_46 : memref<8x512x4xf32, #tpu.memory_space<hbm>>) dst(%dma_wait3A_43 : memref<8x512x4xf32, #tpu.memory_space<vmem>>)
          tpu.yield
        }) : () -> ()
        %add3A_14 = arith.constant 0 : i32
        %add3A_15 = arith.addi %add3A_11, %add3A_14 : i32
        "tpu.region"() ({
          %run_scoped3A_20 = tpu.sem_alloc : memref<!tpu.dma_semaphore, #tpu.memory_space<semaphore_mem>>
          %dma_start3A = arith.constant 0 : i32
          %dma_start3A_21 = arith.constant 0 : i32
          %dma_start3A_22 = arith.constant 4 : i32
          %dma_start3A_23 = tpu.memref_slice %run_scoped3A[%dma_start3A, %dma_start3A_21, %dma_start3A_22] : memref<8x512x16xf32, #tpu.memory_space<vmem>> -> memref<8x512x4xf32, #tpu.memory_space<vmem>>
          %dma_start3A_24 = arith.constant 1 : i32
          %dma_start3A_25 = arith.constant 0 : i32
          %dma_start3A_26 = tpu.memref_slice %arg4[%add3A_15, %dma_start3A_24, %dma_start3A_25] : memref<513x513x4xf32, #tpu.memory_space<hbm>> -> memref<8x512x4xf32, #tpu.memory_space<hbm>>
          %dma_start3A_27 = arith.constant 0 : i32
          %dma_start3A_28 = arith.constant 0 : i32
          %dma_start3A_29 = arith.constant 4 : i32
          %dma_start3A_30 = tpu.memref_slice %run_scoped3A[%dma_start3A_27, %dma_start3A_28, %dma_start3A_29] : memref<8x512x16xf32, #tpu.memory_space<vmem>> -> memref<8x512x4xf32, #tpu.memory_space<vmem>>
          %dma_start3A_31 = arith.constant 1 : i32
          %dma_start3A_32 = arith.constant 0 : i32
          %dma_start3A_33 = tpu.memref_slice %arg4[%add3A_15, %dma_start3A_31, %dma_start3A_32] : memref<513x513x4xf32, #tpu.memory_space<hbm>> -> memref<8x512x4xf32, #tpu.memory_space<hbm>>
          tpu.enqueue_dma source(%dma_start3A_33 : memref<8x512x4xf32, #tpu.memory_space<hbm>>) target(%dma_start3A_30 : memref<8x512x4xf32, #tpu.memory_space<vmem>>) target_semaphore(%run_scoped3A_20 : memref<!tpu.dma_semaphore, #tpu.memory_space<semaphore_mem>>)
          %dma_wait3A = arith.constant 0 : i32
          %dma_wait3A_34 = arith.constant 0 : i32
          %dma_wait3A_35 = arith.constant 4 : i32
          %dma_wait3A_36 = tpu.memref_slice %run_scoped3A[%dma_wait3A, %dma_wait3A_34, %dma_wait3A_35] : memref<8x512x16xf32, #tpu.memory_space<vmem>> -> memref<8x512x4xf32, #tpu.memory_space<vmem>>
          %dma_wait3A_37 = arith.constant 1 : i32
          %dma_wait3A_38 = arith.constant 0 : i32
          %dma_wait3A_39 = tpu.memref_slice %arg4[%add3A_15, %dma_wait3A_37, %dma_wait3A_38] : memref<513x513x4xf32, #tpu.memory_space<hbm>> -> memref<8x512x4xf32, #tpu.memory_space<hbm>>
          %dma_wait3A_40 = arith.constant 0 : i32
          %dma_wait3A_41 = arith.constant 0 : i32
          %dma_wait3A_42 = arith.constant 4 : i32
          %dma_wait3A_43 = tpu.memref_slice %run_scoped3A[%dma_wait3A_40, %dma_wait3A_41, %dma_wait3A_42] : memref<8x512x16xf32, #tpu.memory_space<vmem>> -> memref<8x512x4xf32, #tpu.memory_space<vmem>>
          %dma_wait3A_44 = arith.constant 1 : i32
          %dma_wait3A_45 = arith.constant 0 : i32
          %dma_wait3A_46 = tpu.memref_slice %arg4[%add3A_15, %dma_wait3A_44, %dma_wait3A_45] : memref<513x513x4xf32, #tpu.memory_space<hbm>> -> memref<8x512x4xf32, #tpu.memory_space<hbm>>
          tpu.wait_dma2 semaphore(%run_scoped3A_20 : memref<!tpu.dma_semaphore, #tpu.memory_space<semaphore_mem>>) src(%dma_wait3A_46 : memref<8x512x4xf32, #tpu.memory_space<hbm>>) dst(%dma_wait3A_43 : memref<8x512x4xf32, #tpu.memory_space<vmem>>)
          tpu.yield
        }) : () -> ()
        %add3A_16 = arith.constant 1 : i32
        %add3A_17 = arith.addi %add3A_11, %add3A_16 : i32
        "tpu.region"() ({
          %run_scoped3A_20 = tpu.sem_alloc : memref<!tpu.dma_semaphore, #tpu.memory_space<semaphore_mem>>
          %dma_start3A = arith.constant 0 : i32
          %dma_start3A_21 = arith.constant 0 : i32
          %dma_start3A_22 = arith.constant 8 : i32
          %dma_start3A_23 = tpu.memref_slice %run_scoped3A[%dma_start3A, %dma_start3A_21, %dma_start3A_22] : memref<8x512x16xf32, #tpu.memory_space<vmem>> -> memref<8x512x4xf32, #tpu.memory_space<vmem>>
          %dma_start3A_24 = arith.constant 0 : i32
          %dma_start3A_25 = arith.constant 0 : i32
          %dma_start3A_26 = tpu.memref_slice %arg4[%add3A_17, %dma_start3A_24, %dma_start3A_25] : memref<513x513x4xf32, #tpu.memory_space<hbm>> -> memref<8x512x4xf32, #tpu.memory_space<hbm>>
          %dma_start3A_27 = arith.constant 0 : i32
          %dma_start3A_28 = arith.constant 0 : i32
          %dma_start3A_29 = arith.constant 8 : i32
          %dma_start3A_30 = tpu.memref_slice %run_scoped3A[%dma_start3A_27, %dma_start3A_28, %dma_start3A_29] : memref<8x512x16xf32, #tpu.memory_space<vmem>> -> memref<8x512x4xf32, #tpu.memory_space<vmem>>
          %dma_start3A_31 = arith.constant 0 : i32
          %dma_start3A_32 = arith.constant 0 : i32
          %dma_start3A_33 = tpu.memref_slice %arg4[%add3A_17, %dma_start3A_31, %dma_start3A_32] : memref<513x513x4xf32, #tpu.memory_space<hbm>> -> memref<8x512x4xf32, #tpu.memory_space<hbm>>
          tpu.enqueue_dma source(%dma_start3A_33 : memref<8x512x4xf32, #tpu.memory_space<hbm>>) target(%dma_start3A_30 : memref<8x512x4xf32, #tpu.memory_space<vmem>>) target_semaphore(%run_scoped3A_20 : memref<!tpu.dma_semaphore, #tpu.memory_space<semaphore_mem>>)
          %dma_wait3A = arith.constant 0 : i32
          %dma_wait3A_34 = arith.constant 0 : i32
          %dma_wait3A_35 = arith.constant 8 : i32
          %dma_wait3A_36 = tpu.memref_slice %run_scoped3A[%dma_wait3A, %dma_wait3A_34, %dma_wait3A_35] : memref<8x512x16xf32, #tpu.memory_space<vmem>> -> memref<8x512x4xf32, #tpu.memory_space<vmem>>
          %dma_wait3A_37 = arith.constant 0 : i32
          %dma_wait3A_38 = arith.constant 0 : i32
          %dma_wait3A_39 = tpu.memref_slice %arg4[%add3A_17, %dma_wait3A_37, %dma_wait3A_38] : memref<513x513x4xf32, #tpu.memory_space<hbm>> -> memref<8x512x4xf32, #tpu.memory_space<hbm>>
          %dma_wait3A_40 = arith.constant 0 : i32
          %dma_wait3A_41 = arith.constant 0 : i32
          %dma_wait3A_42 = arith.constant 8 : i32
          %dma_wait3A_43 = tpu.memref_slice %run_scoped3A[%dma_wait3A_40, %dma_wait3A_41, %dma_wait3A_42] : memref<8x512x16xf32, #tpu.memory_space<vmem>> -> memref<8x512x4xf32, #tpu.memory_space<vmem>>
          %dma_wait3A_44 = arith.constant 0 : i32
          %dma_wait3A_45 = arith.constant 0 : i32
          %dma_wait3A_46 = tpu.memref_slice %arg4[%add3A_17, %dma_wait3A_44, %dma_wait3A_45] : memref<513x513x4xf32, #tpu.memory_space<hbm>> -> memref<8x512x4xf32, #tpu.memory_space<hbm>>
          tpu.wait_dma2 semaphore(%run_scoped3A_20 : memref<!tpu.dma_semaphore, #tpu.memory_space<semaphore_mem>>) src(%dma_wait3A_46 : memref<8x512x4xf32, #tpu.memory_space<hbm>>) dst(%dma_wait3A_43 : memref<8x512x4xf32, #tpu.memory_space<vmem>>)
          tpu.yield
        }) : () -> ()
        %add3A_18 = arith.constant 1 : i32
        %add3A_19 = arith.addi %add3A_11, %add3A_18 : i32
        "tpu.region"() ({
          %run_scoped3A_20 = tpu.sem_alloc : memref<!tpu.dma_semaphore, #tpu.memory_space<semaphore_mem>>
          %dma_start3A = arith.constant 0 : i32
          %dma_start3A_21 = arith.constant 0 : i32
          %dma_start3A_22 = arith.constant 12 : i32
          %dma_start3A_23 = tpu.memref_slice %run_scoped3A[%dma_start3A, %dma_start3A_21, %dma_start3A_22] : memref<8x512x16xf32, #tpu.memory_space<vmem>> -> memref<8x512x4xf32, #tpu.memory_space<vmem>>
          %dma_start3A_24 = arith.constant 1 : i32
          %dma_start3A_25 = arith.constant 0 : i32
          %dma_start3A_26 = tpu.memref_slice %arg4[%add3A_19, %dma_start3A_24, %dma_start3A_25] : memref<513x513x4xf32, #tpu.memory_space<hbm>> -> memref<8x512x4xf32, #tpu.memory_space<hbm>>
          %dma_start3A_27 = arith.constant 0 : i32
          %dma_start3A_28 = arith.constant 0 : i32
          %dma_start3A_29 = arith.constant 12 : i32
          %dma_start3A_30 = tpu.memref_slice %run_scoped3A[%dma_start3A_27, %dma_start3A_28, %dma_start3A_29] : memref<8x512x16xf32, #tpu.memory_space<vmem>> -> memref<8x512x4xf32, #tpu.memory_space<vmem>>
          %dma_start3A_31 = arith.constant 1 : i32
          %dma_start3A_32 = arith.constant 0 : i32
          %dma_start3A_33 = tpu.memref_slice %arg4[%add3A_19, %dma_start3A_31, %dma_start3A_32] : memref<513x513x4xf32, #tpu.memory_space<hbm>> -> memref<8x512x4xf32, #tpu.memory_space<hbm>>
          tpu.enqueue_dma source(%dma_start3A_33 : memref<8x512x4xf32, #tpu.memory_space<hbm>>) target(%dma_start3A_30 : memref<8x512x4xf32, #tpu.memory_space<vmem>>) target_semaphore(%run_scoped3A_20 : memref<!tpu.dma_semaphore, #tpu.memory_space<semaphore_mem>>)
          %dma_wait3A = arith.constant 0 : i32
          %dma_wait3A_34 = arith.constant 0 : i32
          %dma_wait3A_35 = arith.constant 12 : i32
          %dma_wait3A_36 = tpu.memref_slice %run_scoped3A[%dma_wait3A, %dma_wait3A_34, %dma_wait3A_35] : memref<8x512x16xf32, #tpu.memory_space<vmem>> -> memref<8x512x4xf32, #tpu.memory_space<vmem>>
          %dma_wait3A_37 = arith.constant 1 : i32
          %dma_wait3A_38 = arith.constant 0 : i32
          %dma_wait3A_39 = tpu.memref_slice %arg4[%add3A_19, %dma_wait3A_37, %dma_wait3A_38] : memref<513x513x4xf32, #tpu.memory_space<hbm>> -> memref<8x512x4xf32, #tpu.memory_space<hbm>>
          %dma_wait3A_40 = arith.constant 0 : i32
          %dma_wait3A_41 = arith.constant 0 : i32
          %dma_wait3A_42 = arith.constant 12 : i32
          %dma_wait3A_43 = tpu.memref_slice %run_scoped3A[%dma_wait3A_40, %dma_wait3A_41, %dma_wait3A_42] : memref<8x512x16xf32, #tpu.memory_space<vmem>> -> memref<8x512x4xf32, #tpu.memory_space<vmem>>
          %dma_wait3A_44 = arith.constant 1 : i32
          %dma_wait3A_45 = arith.constant 0 : i32
          %dma_wait3A_46 = tpu.memref_slice %arg4[%add3A_19, %dma_wait3A_44, %dma_wait3A_45] : memref<513x513x4xf32, #tpu.memory_space<hbm>> -> memref<8x512x4xf32, #tpu.memory_space<hbm>>
          tpu.wait_dma2 semaphore(%run_scoped3A_20 : memref<!tpu.dma_semaphore, #tpu.memory_space<semaphore_mem>>) src(%dma_wait3A_46 : memref<8x512x4xf32, #tpu.memory_space<hbm>>) dst(%dma_wait3A_43 : memref<8x512x4xf32, #tpu.memory_space<vmem>>)
          tpu.yield
        }) : () -> ()
        "tpu.region"() ({
          %run_scoped3A_20 = tpu.sem_alloc : memref<!tpu.dma_semaphore, #tpu.memory_space<semaphore_mem>>
          %dma_start3A = arith.constant 0 : i32
          %dma_start3A_21 = arith.constant 0 : i32
          %dma_start3A_22 = tpu.memref_slice %arg8[%add3A_11, %dma_start3A, %dma_start3A_21] : memref<512x512x16xf32, #tpu.memory_space<hbm>> -> memref<8x512x16xf32, #tpu.memory_space<hbm>>
          %dma_start3A_23 = arith.constant 0 : i32
          %dma_start3A_24 = arith.constant 0 : i32
          %dma_start3A_25 = tpu.memref_slice %arg8[%add3A_11, %dma_start3A_23, %dma_start3A_24] : memref<512x512x16xf32, #tpu.memory_space<hbm>> -> memref<8x512x16xf32, #tpu.memory_space<hbm>>
          tpu.enqueue_dma source(%run_scoped3A : memref<8x512x16xf32, #tpu.memory_space<vmem>>) target(%dma_start3A_25 : memref<8x512x16xf32, #tpu.memory_space<hbm>>) target_semaphore(%run_scoped3A_20 : memref<!tpu.dma_semaphore, #tpu.memory_space<semaphore_mem>>)
          %dma_wait3A = arith.constant 0 : i32
          %dma_wait3A_26 = arith.constant 0 : i32
          %dma_wait3A_27 = tpu.memref_slice %arg8[%add3A_11, %dma_wait3A, %dma_wait3A_26] : memref<512x512x16xf32, #tpu.memory_space<hbm>> -> memref<8x512x16xf32, #tpu.memory_space<hbm>>
          %dma_wait3A_28 = arith.constant 0 : i32
          %dma_wait3A_29 = arith.constant 0 : i32
          %dma_wait3A_30 = tpu.memref_slice %arg8[%add3A_11, %dma_wait3A_28, %dma_wait3A_29] : memref<512x512x16xf32, #tpu.memory_space<hbm>> -> memref<8x512x16xf32, #tpu.memory_space<hbm>>
          tpu.wait_dma2 semaphore(%run_scoped3A_20 : memref<!tpu.dma_semaphore, #tpu.memory_space<semaphore_mem>>) src(%run_scoped3A : memref<8x512x16xf32, #tpu.memory_space<vmem>>) dst(%dma_wait3A_30 : memref<8x512x16xf32, #tpu.memory_space<hbm>>)
          tpu.yield
        }) : () -> ()
      }
      %scan3A_5 = arith.constant 2 : i32
      tpu.yield
    }) : () -> ()
    "tpu.region"() ({
      %run_scoped3A = memref.alloca() : memref<4x1024x16xf32, #tpu.memory_space<vmem>>
      %scan3A = arith.constant 0 : i32
      %scan3A_1 = arith.constant 0 : i32
      %scan3A_2 = arith.constant 8 : i32
      %scan3A_3 = arith.addi %scan3A_1, %scan3A_2 : i32
      %scan3A_4 = arith.constant 1 : i32
      scf.for %scan3A_6 = %scan3A_1 to %scan3A_3 step %scan3A_4  : i32 {
        %mul3A_7 = arith.constant 32 : i32
        %mul3A_8 = arith.muli %add3A, %mul3A_7 : i32
        %mul3A_9 = arith.constant 4 : i32
        %mul3A_10 = arith.muli %scan3A_6, %mul3A_9 : i32
        %add3A_11 = arith.addi %mul3A_8, %mul3A_10 : i32
        %add3A_12 = arith.constant 0 : i32
        %add3A_13 = arith.addi %add3A_11, %add3A_12 : i32
        "tpu.region"() ({
          %run_scoped3A_20 = tpu.sem_alloc : memref<!tpu.dma_semaphore, #tpu.memory_space<semaphore_mem>>
          %dma_start3A = arith.constant 0 : i32
          %dma_start3A_21 = arith.constant 0 : i32
          %dma_start3A_22 = arith.constant 0 : i32
          %dma_start3A_23 = tpu.memref_slice %run_scoped3A[%dma_start3A, %dma_start3A_21, %dma_start3A_22] : memref<4x1024x16xf32, #tpu.memory_space<vmem>> -> memref<4x1024x4xf32, #tpu.memory_space<vmem>>
          %dma_start3A_24 = arith.constant 0 : i32
          %dma_start3A_25 = arith.constant 0 : i32
          %dma_start3A_26 = tpu.memref_slice %arg5[%add3A_13, %dma_start3A_24, %dma_start3A_25] : memref<1025x1025x4xf32, #tpu.memory_space<hbm>> -> memref<4x1024x4xf32, #tpu.memory_space<hbm>>
          %dma_start3A_27 = arith.constant 0 : i32
          %dma_start3A_28 = arith.constant 0 : i32
          %dma_start3A_29 = arith.constant 0 : i32
          %dma_start3A_30 = tpu.memref_slice %run_scoped3A[%dma_start3A_27, %dma_start3A_28, %dma_start3A_29] : memref<4x1024x16xf32, #tpu.memory_space<vmem>> -> memref<4x1024x4xf32, #tpu.memory_space<vmem>>
          %dma_start3A_31 = arith.constant 0 : i32
          %dma_start3A_32 = arith.constant 0 : i32
          %dma_start3A_33 = tpu.memref_slice %arg5[%add3A_13, %dma_start3A_31, %dma_start3A_32] : memref<1025x1025x4xf32, #tpu.memory_space<hbm>> -> memref<4x1024x4xf32, #tpu.memory_space<hbm>>
          tpu.enqueue_dma source(%dma_start3A_33 : memref<4x1024x4xf32, #tpu.memory_space<hbm>>) target(%dma_start3A_30 : memref<4x1024x4xf32, #tpu.memory_space<vmem>>) target_semaphore(%run_scoped3A_20 : memref<!tpu.dma_semaphore, #tpu.memory_space<semaphore_mem>>)
          %dma_wait3A = arith.constant 0 : i32
          %dma_wait3A_34 = arith.constant 0 : i32
          %dma_wait3A_35 = arith.constant 0 : i32
          %dma_wait3A_36 = tpu.memref_slice %run_scoped3A[%dma_wait3A, %dma_wait3A_34, %dma_wait3A_35] : memref<4x1024x16xf32, #tpu.memory_space<vmem>> -> memref<4x1024x4xf32, #tpu.memory_space<vmem>>
          %dma_wait3A_37 = arith.constant 0 : i32
          %dma_wait3A_38 = arith.constant 0 : i32
          %dma_wait3A_39 = tpu.memref_slice %arg5[%add3A_13, %dma_wait3A_37, %dma_wait3A_38] : memref<1025x1025x4xf32, #tpu.memory_space<hbm>> -> memref<4x1024x4xf32, #tpu.memory_space<hbm>>
          %dma_wait3A_40 = arith.constant 0 : i32
          %dma_wait3A_41 = arith.constant 0 : i32
          %dma_wait3A_42 = arith.constant 0 : i32
          %dma_wait3A_43 = tpu.memref_slice %run_scoped3A[%dma_wait3A_40, %dma_wait3A_41, %dma_wait3A_42] : memref<4x1024x16xf32, #tpu.memory_space<vmem>> -> memref<4x1024x4xf32, #tpu.memory_space<vmem>>
          %dma_wait3A_44 = arith.constant 0 : i32
          %dma_wait3A_45 = arith.constant 0 : i32
          %dma_wait3A_46 = tpu.memref_slice %arg5[%add3A_13, %dma_wait3A_44, %dma_wait3A_45] : memref<1025x1025x4xf32, #tpu.memory_space<hbm>> -> memref<4x1024x4xf32, #tpu.memory_space<hbm>>
          tpu.wait_dma2 semaphore(%run_scoped3A_20 : memref<!tpu.dma_semaphore, #tpu.memory_space<semaphore_mem>>) src(%dma_wait3A_46 : memref<4x1024x4xf32, #tpu.memory_space<hbm>>) dst(%dma_wait3A_43 : memref<4x1024x4xf32, #tpu.memory_space<vmem>>)
          tpu.yield
        }) : () -> ()
        %add3A_14 = arith.constant 0 : i32
        %add3A_15 = arith.addi %add3A_11, %add3A_14 : i32
        "tpu.region"() ({
          %run_scoped3A_20 = tpu.sem_alloc : memref<!tpu.dma_semaphore, #tpu.memory_space<semaphore_mem>>
          %dma_start3A = arith.constant 0 : i32
          %dma_start3A_21 = arith.constant 0 : i32
          %dma_start3A_22 = arith.constant 4 : i32
          %dma_start3A_23 = tpu.memref_slice %run_scoped3A[%dma_start3A, %dma_start3A_21, %dma_start3A_22] : memref<4x1024x16xf32, #tpu.memory_space<vmem>> -> memref<4x1024x4xf32, #tpu.memory_space<vmem>>
          %dma_start3A_24 = arith.constant 1 : i32
          %dma_start3A_25 = arith.constant 0 : i32
          %dma_start3A_26 = tpu.memref_slice %arg5[%add3A_15, %dma_start3A_24, %dma_start3A_25] : memref<1025x1025x4xf32, #tpu.memory_space<hbm>> -> memref<4x1024x4xf32, #tpu.memory_space<hbm>>
          %dma_start3A_27 = arith.constant 0 : i32
          %dma_start3A_28 = arith.constant 0 : i32
          %dma_start3A_29 = arith.constant 4 : i32
          %dma_start3A_30 = tpu.memref_slice %run_scoped3A[%dma_start3A_27, %dma_start3A_28, %dma_start3A_29] : memref<4x1024x16xf32, #tpu.memory_space<vmem>> -> memref<4x1024x4xf32, #tpu.memory_space<vmem>>
          %dma_start3A_31 = arith.constant 1 : i32
          %dma_start3A_32 = arith.constant 0 : i32
          %dma_start3A_33 = tpu.memref_slice %arg5[%add3A_15, %dma_start3A_31, %dma_start3A_32] : memref<1025x1025x4xf32, #tpu.memory_space<hbm>> -> memref<4x1024x4xf32, #tpu.memory_space<hbm>>
          tpu.enqueue_dma source(%dma_start3A_33 : memref<4x1024x4xf32, #tpu.memory_space<hbm>>) target(%dma_start3A_30 : memref<4x1024x4xf32, #tpu.memory_space<vmem>>) target_semaphore(%run_scoped3A_20 : memref<!tpu.dma_semaphore, #tpu.memory_space<semaphore_mem>>)
          %dma_wait3A = arith.constant 0 : i32
          %dma_wait3A_34 = arith.constant 0 : i32
          %dma_wait3A_35 = arith.constant 4 : i32
          %dma_wait3A_36 = tpu.memref_slice %run_scoped3A[%dma_wait3A, %dma_wait3A_34, %dma_wait3A_35] : memref<4x1024x16xf32, #tpu.memory_space<vmem>> -> memref<4x1024x4xf32, #tpu.memory_space<vmem>>
          %dma_wait3A_37 = arith.constant 1 : i32
          %dma_wait3A_38 = arith.constant 0 : i32
          %dma_wait3A_39 = tpu.memref_slice %arg5[%add3A_15, %dma_wait3A_37, %dma_wait3A_38] : memref<1025x1025x4xf32, #tpu.memory_space<hbm>> -> memref<4x1024x4xf32, #tpu.memory_space<hbm>>
          %dma_wait3A_40 = arith.constant 0 : i32
          %dma_wait3A_41 = arith.constant 0 : i32
          %dma_wait3A_42 = arith.constant 4 : i32
          %dma_wait3A_43 = tpu.memref_slice %run_scoped3A[%dma_wait3A_40, %dma_wait3A_41, %dma_wait3A_42] : memref<4x1024x16xf32, #tpu.memory_space<vmem>> -> memref<4x1024x4xf32, #tpu.memory_space<vmem>>
          %dma_wait3A_44 = arith.constant 1 : i32
          %dma_wait3A_45 = arith.constant 0 : i32
          %dma_wait3A_46 = tpu.memref_slice %arg5[%add3A_15, %dma_wait3A_44, %dma_wait3A_45] : memref<1025x1025x4xf32, #tpu.memory_space<hbm>> -> memref<4x1024x4xf32, #tpu.memory_space<hbm>>
          tpu.wait_dma2 semaphore(%run_scoped3A_20 : memref<!tpu.dma_semaphore, #tpu.memory_space<semaphore_mem>>) src(%dma_wait3A_46 : memref<4x1024x4xf32, #tpu.memory_space<hbm>>) dst(%dma_wait3A_43 : memref<4x1024x4xf32, #tpu.memory_space<vmem>>)
          tpu.yield
        }) : () -> ()
        %add3A_16 = arith.constant 1 : i32
        %add3A_17 = arith.addi %add3A_11, %add3A_16 : i32
        "tpu.region"() ({
          %run_scoped3A_20 = tpu.sem_alloc : memref<!tpu.dma_semaphore, #tpu.memory_space<semaphore_mem>>
          %dma_start3A = arith.constant 0 : i32
          %dma_start3A_21 = arith.constant 0 : i32
          %dma_start3A_22 = arith.constant 8 : i32
          %dma_start3A_23 = tpu.memref_slice %run_scoped3A[%dma_start3A, %dma_start3A_21, %dma_start3A_22] : memref<4x1024x16xf32, #tpu.memory_space<vmem>> -> memref<4x1024x4xf32, #tpu.memory_space<vmem>>
          %dma_start3A_24 = arith.constant 0 : i32
          %dma_start3A_25 = arith.constant 0 : i32
          %dma_start3A_26 = tpu.memref_slice %arg5[%add3A_17, %dma_start3A_24, %dma_start3A_25] : memref<1025x1025x4xf32, #tpu.memory_space<hbm>> -> memref<4x1024x4xf32, #tpu.memory_space<hbm>>
          %dma_start3A_27 = arith.constant 0 : i32
          %dma_start3A_28 = arith.constant 0 : i32
          %dma_start3A_29 = arith.constant 8 : i32
          %dma_start3A_30 = tpu.memref_slice %run_scoped3A[%dma_start3A_27, %dma_start3A_28, %dma_start3A_29] : memref<4x1024x16xf32, #tpu.memory_space<vmem>> -> memref<4x1024x4xf32, #tpu.memory_space<vmem>>
          %dma_start3A_31 = arith.constant 0 : i32
          %dma_start3A_32 = arith.constant 0 : i32
          %dma_start3A_33 = tpu.memref_slice %arg5[%add3A_17, %dma_start3A_31, %dma_start3A_32] : memref<1025x1025x4xf32, #tpu.memory_space<hbm>> -> memref<4x1024x4xf32, #tpu.memory_space<hbm>>
          tpu.enqueue_dma source(%dma_start3A_33 : memref<4x1024x4xf32, #tpu.memory_space<hbm>>) target(%dma_start3A_30 : memref<4x1024x4xf32, #tpu.memory_space<vmem>>) target_semaphore(%run_scoped3A_20 : memref<!tpu.dma_semaphore, #tpu.memory_space<semaphore_mem>>)
          %dma_wait3A = arith.constant 0 : i32
          %dma_wait3A_34 = arith.constant 0 : i32
          %dma_wait3A_35 = arith.constant 8 : i32
          %dma_wait3A_36 = tpu.memref_slice %run_scoped3A[%dma_wait3A, %dma_wait3A_34, %dma_wait3A_35] : memref<4x1024x16xf32, #tpu.memory_space<vmem>> -> memref<4x1024x4xf32, #tpu.memory_space<vmem>>
          %dma_wait3A_37 = arith.constant 0 : i32
          %dma_wait3A_38 = arith.constant 0 : i32
          %dma_wait3A_39 = tpu.memref_slice %arg5[%add3A_17, %dma_wait3A_37, %dma_wait3A_38] : memref<1025x1025x4xf32, #tpu.memory_space<hbm>> -> memref<4x1024x4xf32, #tpu.memory_space<hbm>>
          %dma_wait3A_40 = arith.constant 0 : i32
          %dma_wait3A_41 = arith.constant 0 : i32
          %dma_wait3A_42 = arith.constant 8 : i32
          %dma_wait3A_43 = tpu.memref_slice %run_scoped3A[%dma_wait3A_40, %dma_wait3A_41, %dma_wait3A_42] : memref<4x1024x16xf32, #tpu.memory_space<vmem>> -> memref<4x1024x4xf32, #tpu.memory_space<vmem>>
          %dma_wait3A_44 = arith.constant 0 : i32
          %dma_wait3A_45 = arith.constant 0 : i32
          %dma_wait3A_46 = tpu.memref_slice %arg5[%add3A_17, %dma_wait3A_44, %dma_wait3A_45] : memref<1025x1025x4xf32, #tpu.memory_space<hbm>> -> memref<4x1024x4xf32, #tpu.memory_space<hbm>>
          tpu.wait_dma2 semaphore(%run_scoped3A_20 : memref<!tpu.dma_semaphore, #tpu.memory_space<semaphore_mem>>) src(%dma_wait3A_46 : memref<4x1024x4xf32, #tpu.memory_space<hbm>>) dst(%dma_wait3A_43 : memref<4x1024x4xf32, #tpu.memory_space<vmem>>)
          tpu.yield
        }) : () -> ()
        %add3A_18 = arith.constant 1 : i32
        %add3A_19 = arith.addi %add3A_11, %add3A_18 : i32
        "tpu.region"() ({
          %run_scoped3A_20 = tpu.sem_alloc : memref<!tpu.dma_semaphore, #tpu.memory_space<semaphore_mem>>
          %dma_start3A = arith.constant 0 : i32
          %dma_start3A_21 = arith.constant 0 : i32
          %dma_start3A_22 = arith.constant 12 : i32
          %dma_start3A_23 = tpu.memref_slice %run_scoped3A[%dma_start3A, %dma_start3A_21, %dma_start3A_22] : memref<4x1024x16xf32, #tpu.memory_space<vmem>> -> memref<4x1024x4xf32, #tpu.memory_space<vmem>>
          %dma_start3A_24 = arith.constant 1 : i32
          %dma_start3A_25 = arith.constant 0 : i32
          %dma_start3A_26 = tpu.memref_slice %arg5[%add3A_19, %dma_start3A_24, %dma_start3A_25] : memref<1025x1025x4xf32, #tpu.memory_space<hbm>> -> memref<4x1024x4xf32, #tpu.memory_space<hbm>>
          %dma_start3A_27 = arith.constant 0 : i32
          %dma_start3A_28 = arith.constant 0 : i32
          %dma_start3A_29 = arith.constant 12 : i32
          %dma_start3A_30 = tpu.memref_slice %run_scoped3A[%dma_start3A_27, %dma_start3A_28, %dma_start3A_29] : memref<4x1024x16xf32, #tpu.memory_space<vmem>> -> memref<4x1024x4xf32, #tpu.memory_space<vmem>>
          %dma_start3A_31 = arith.constant 1 : i32
          %dma_start3A_32 = arith.constant 0 : i32
          %dma_start3A_33 = tpu.memref_slice %arg5[%add3A_19, %dma_start3A_31, %dma_start3A_32] : memref<1025x1025x4xf32, #tpu.memory_space<hbm>> -> memref<4x1024x4xf32, #tpu.memory_space<hbm>>
          tpu.enqueue_dma source(%dma_start3A_33 : memref<4x1024x4xf32, #tpu.memory_space<hbm>>) target(%dma_start3A_30 : memref<4x1024x4xf32, #tpu.memory_space<vmem>>) target_semaphore(%run_scoped3A_20 : memref<!tpu.dma_semaphore, #tpu.memory_space<semaphore_mem>>)
          %dma_wait3A = arith.constant 0 : i32
          %dma_wait3A_34 = arith.constant 0 : i32
          %dma_wait3A_35 = arith.constant 12 : i32
          %dma_wait3A_36 = tpu.memref_slice %run_scoped3A[%dma_wait3A, %dma_wait3A_34, %dma_wait3A_35] : memref<4x1024x16xf32, #tpu.memory_space<vmem>> -> memref<4x1024x4xf32, #tpu.memory_space<vmem>>
          %dma_wait3A_37 = arith.constant 1 : i32
          %dma_wait3A_38 = arith.constant 0 : i32
          %dma_wait3A_39 = tpu.memref_slice %arg5[%add3A_19, %dma_wait3A_37, %dma_wait3A_38] : memref<1025x1025x4xf32, #tpu.memory_space<hbm>> -> memref<4x1024x4xf32, #tpu.memory_space<hbm>>
          %dma_wait3A_40 = arith.constant 0 : i32
          %dma_wait3A_41 = arith.constant 0 : i32
          %dma_wait3A_42 = arith.constant 12 : i32
          %dma_wait3A_43 = tpu.memref_slice %run_scoped3A[%dma_wait3A_40, %dma_wait3A_41, %dma_wait3A_42] : memref<4x1024x16xf32, #tpu.memory_space<vmem>> -> memref<4x1024x4xf32, #tpu.memory_space<vmem>>
          %dma_wait3A_44 = arith.constant 1 : i32
          %dma_wait3A_45 = arith.constant 0 : i32
          %dma_wait3A_46 = tpu.memref_slice %arg5[%add3A_19, %dma_wait3A_44, %dma_wait3A_45] : memref<1025x1025x4xf32, #tpu.memory_space<hbm>> -> memref<4x1024x4xf32, #tpu.memory_space<hbm>>
          tpu.wait_dma2 semaphore(%run_scoped3A_20 : memref<!tpu.dma_semaphore, #tpu.memory_space<semaphore_mem>>) src(%dma_wait3A_46 : memref<4x1024x4xf32, #tpu.memory_space<hbm>>) dst(%dma_wait3A_43 : memref<4x1024x4xf32, #tpu.memory_space<vmem>>)
          tpu.yield
        }) : () -> ()
        "tpu.region"() ({
          %run_scoped3A_20 = tpu.sem_alloc : memref<!tpu.dma_semaphore, #tpu.memory_space<semaphore_mem>>
          %dma_start3A = arith.constant 0 : i32
          %dma_start3A_21 = arith.constant 0 : i32
          %dma_start3A_22 = tpu.memref_slice %arg9[%add3A_11, %dma_start3A, %dma_start3A_21] : memref<1024x1024x16xf32, #tpu.memory_space<hbm>> -> memref<4x1024x16xf32, #tpu.memory_space<hbm>>
          %dma_start3A_23 = arith.constant 0 : i32
          %dma_start3A_24 = arith.constant 0 : i32
          %dma_start3A_25 = tpu.memref_slice %arg9[%add3A_11, %dma_start3A_23, %dma_start3A_24] : memref<1024x1024x16xf32, #tpu.memory_space<hbm>> -> memref<4x1024x16xf32, #tpu.memory_space<hbm>>
          tpu.enqueue_dma source(%run_scoped3A : memref<4x1024x16xf32, #tpu.memory_space<vmem>>) target(%dma_start3A_25 : memref<4x1024x16xf32, #tpu.memory_space<hbm>>) target_semaphore(%run_scoped3A_20 : memref<!tpu.dma_semaphore, #tpu.memory_space<semaphore_mem>>)
          %dma_wait3A = arith.constant 0 : i32
          %dma_wait3A_26 = arith.constant 0 : i32
          %dma_wait3A_27 = tpu.memref_slice %arg9[%add3A_11, %dma_wait3A, %dma_wait3A_26] : memref<1024x1024x16xf32, #tpu.memory_space<hbm>> -> memref<4x1024x16xf32, #tpu.memory_space<hbm>>
          %dma_wait3A_28 = arith.constant 0 : i32
          %dma_wait3A_29 = arith.constant 0 : i32
          %dma_wait3A_30 = tpu.memref_slice %arg9[%add3A_11, %dma_wait3A_28, %dma_wait3A_29] : memref<1024x1024x16xf32, #tpu.memory_space<hbm>> -> memref<4x1024x16xf32, #tpu.memory_space<hbm>>
          tpu.wait_dma2 semaphore(%run_scoped3A_20 : memref<!tpu.dma_semaphore, #tpu.memory_space<semaphore_mem>>) src(%run_scoped3A : memref<4x1024x16xf32, #tpu.memory_space<vmem>>) dst(%dma_wait3A_30 : memref<4x1024x16xf32, #tpu.memory_space<hbm>>)
          tpu.yield
        }) : () -> ()
      }
      %scan3A_5 = arith.constant 8 : i32
      tpu.yield
    }) : () -> ()
    return
  }
}

</mosaic_0001>

<sc_bundles>
// kernel: kernel.4.cloned.1.call-start
scs
__scs_entry_jumppad:
0x0: {  	(pc) =	sbr.rel $0x88, $3  }
0x1: {  	(tag) =	ssettag $0x0;
	lr =	simm.s32 $0x1  }
0x2: {  	[smem:$0x3F9C] =	sst lr;
	_ =	strace $0xD0000000  }
0x3: {  	_ = 	snop  }
0x4: {  	_ = 	snop  }
0x5: {  	_ = 	snop  }
0x6: {  	_ = 	snop  }
0x7: {  	_ = 	snop  }
__scs_overlays_trampoline_lowered:
0x8: {  	[smem:$0x3FAB] =	sst s0  }
0x9: {  	[smem:$0x3FAC] =	sst s1  }
0xa: {  	[smem:$0x3FAD] =	sst s2  }
0xb: {  	[smem:$0x3FAE] =	sst s3  }
0xc: {  	[smem:$0x3FAF] =	sst s4  }
0xd: {  	[smem:$0x3FB0] =	sst s5  }
0xe: {  	[smem:$0x3FB1] =	sst s6  }
0xf: {  	[smem:$0x3FB2] =	sst s7  }
0x10: {  	[smem:$0x3FB3] =	sst s8  }
0x11: {  	[smem:$0x3FB4] =	sst s9;
	s0 =	simm.s32 @!p0 $0x0  }
0x12: {  	s1 =	sld [smem:$0x3F9A];
	s0 =	simm.s32 @p0 $0x1  }
0x13: {  	[smem:$0x3FB5] =	sst s0;
	s0 =	simm.s32 @!p1 $0x0  }
0x14: {  	s2 =	sld [smem:$0x3F99];
	s0 =	simm.s32 @p1 $0x1  }
0x15: {  	[smem:$0x3FB6] =	sst s0;
	s0 =	simm.s32 @!p2 $0x0  }
0x16: {  	s3 =	sld [smem:$0x3FDB];
	s0 =	simm.s32 @p2 $0x1  }
0x17: {  	s4 =	simm.s32 $0x1BF5;
	[smem:$0x3FB8] =	sst s0  }
0x18: {  	s0 =	sld [smem:$0x3F9B];
	_ =	swait.ge [sflag:s4], $0x0  }
0x19: {  	s7 =	sld [smem:$0x3F9C]  }
0x1a: {  	s8 =	sadd.s32 $0xFFFFE003, lr  }
0x1b: {  	s9 =	sadd.s32 $0xFFFFFEF7, lr;
	s5 =	simm.s32 $0xFFFFFFFF;
	p2 =	slt.u32 s8, $0xFFFFF086  }
0x1c: {  	p1 =	slt.u32 s9, $0xF7A;
	s5 =	simm.s32 @!p2 $0x0  }
0x1d: {  	s5 =	simm.s32 @p1 $0x1;
	p0 =	seq.s32 s7, s2  }
0x1e: {  	s7 =	smul.u32 @!p0 $0xF7A, s2;
	p2 =	seq.s32 @!p0 s5, $0x0  }
0x1f: {  	s9 =	smul.u32 $0xF7A, s1;
	s8 =	simm.s32 @!p0 $0x1BF5;
	p2 =	por !p2, p0  }
0x20: {  	[sflag:s8] =	ssyncset.s32 @!p0 $0xFFFFF086;
	s6 =	sadd.s32 @!p0 s3, s7;
	s7 =	simm.s32 @!p0 $0x108  }
0x21: {  	s3 =	sadd.s32 s3, s9;
	s6 =	sadd.s32 @!p0 $0x88, s6;
	s7 =	simm.s32 @p2 $0x1082  }
0x22: {  	[simem:s7], [sflag:s8] =	dma.local @!p0 [hbm:s6], $0xF7A  }
0x23: {  	s9 =	sor.u32 $0xD0000000, s2;
	s6 =	simm.s32 $0x108;
	_ =	swait.ge @!p0 [sflag:s8], $0x0  }
0x24: {  	s3 =	sadd.s32 $0x88, s3;
	s6 =	simm.s32 @!p1 $0x1082;
	[sflag:s4] =	ssyncset.s32 $0xFFFFF086  }
0x25: {  	[simem:s6], [sflag:s4] =	dma.local [hbm:s3], $0xF7A  }
0x26: {  	[smem:$0x3F9C] =	sst s1;
	(tag) =	ssettag s2;
	_ =	strace s9  }
0x27: {  	s1 =	sld [smem:$0x3FAC]  }
0x28: {  	s2 =	sld [smem:$0x3FAD]  }
0x29: {  	s4 =	sld [smem:$0x3FAF]  }
0x2a: {  	p0 =	seq.s32 s5, $0x0;
	s5 =	sld [smem:$0x3FB0]  }
0x2b: {  	s6 =	sld [smem:$0x3FB1]  }
0x2c: {  	s7 =	sld [smem:$0x3FB2]  }
0x2d: {  	s3 =	simm.s32 $0x108;
	s8 =	sld [smem:$0x3FB3]  }
0x2e: {  	s3 =	simm.s32 @!p0 $0x1082;
	s9 =	sld [smem:$0x3FB4]  }
0x2f: {  	lr =	sadd.s32 s0, s3;
	s0 =	sld [smem:$0x3FAB]  }
0x30: {  	s3 =	sld [smem:$0x3FAE]  }
0x31: {  	[smem:$0x3FB7] =	sst s10  }
0x32: {  	s10 =	sld [smem:$0x3FB5];
	_ =	sdelay $0x3  }
0x33: {  	p0 =	seq.s32 s10, $0x1;
	s10 =	sld [smem:$0x3FB7];
	_ =	sdelay $0x3  }
0x34: {  	[smem:$0x3FB7] =	sst s10  }
0x35: {  	s10 =	sld [smem:$0x3FB6];
	_ =	sdelay $0x3  }
0x36: {  	p1 =	seq.s32 s10, $0x1;
	s10 =	sld [smem:$0x3FB7];
	_ =	sdelay $0x3  }
0x37: {  	[smem:$0x3FB7] =	sst s10  }
0x38: {  	s10 =	sld [smem:$0x3FB8]  }
0x39: {  	_ = 	snop;
	(pc) =	sbr.ind lr, $3  }
0x3a: {  	_ = 	snop  }
0x3b: {  	_ = 	snop  }
0x3c: {  	p2 =	seq.s32 s10, $0x1;
	s10 =	sld [smem:$0x3FB7]  }
0x3d: {  	_ =	shalt  }
0x3e: {  	_ =	shalt  }
0x3f: {  	_ =	shalt  }
0x40: {  	_ =	shalt  }
0x41: {  	_ =	shalt  }
0x42: {  	_ =	shalt  }
0x43: {  	_ =	shalt  }
0x44: {  	_ =	shalt  }
0x45: {  	_ =	shalt  }
0x46: {  	_ =	shalt  }
0x47: {  	_ =	shalt  }
0x48: {  	_ =	shalt  }
0x49: {  	_ =	shalt  }
0x4a: {  	_ =	shalt  }
0x4b: {  	_ =	shalt  }
0x4c: {  	_ =	shalt  }
0x4d: {  	_ =	shalt  }
0x4e: {  	_ =	shalt  }
0x4f: {  	_ =	shalt  }
0x50: {  	_ =	shalt  }
0x51: {  	_ =	shalt  }
0x52: {  	_ =	shalt  }
0x53: {  	_ =	shalt  }
0x54: {  	_ =	shalt  }
0x55: {  	_ =	shalt  }
0x56: {  	_ =	shalt  }
0x57: {  	_ =	shalt  }
0x58: {  	_ =	shalt  }
0x59: {  	_ =	shalt  }
0x5a: {  	_ =	shalt  }
0x5b: {  	_ =	shalt  }
0x5c: {  	_ =	shalt  }
0x5d: {  	_ =	shalt  }
0x5e: {  	_ =	shalt  }
0x5f: {  	_ =	shalt  }
0x60: {  	_ =	shalt  }
0x61: {  	_ =	shalt  }
0x62: {  	_ =	shalt  }
0x63: {  	_ =	shalt  }
0x64: {  	_ =	shalt  }
0x65: {  	_ =	shalt  }
0x66: {  	_ =	shalt  }
0x67: {  	_ =	shalt  }
0x68: {  	_ =	shalt  }
0x69: {  	_ =	shalt  }
0x6a: {  	_ =	shalt  }
0x6b: {  	_ =	shalt  }
0x6c: {  	_ =	shalt  }
0x6d: {  	_ =	shalt  }
0x6e: {  	_ =	shalt  }
0x6f: {  	_ =	shalt  }
0x70: {  	_ =	shalt  }
0x71: {  	_ =	shalt  }
0x72: {  	_ =	shalt  }
0x73: {  	_ =	shalt  }
0x74: {  	_ =	shalt  }
0x75: {  	_ =	shalt  }
0x76: {  	_ =	shalt  }
0x77: {  	_ =	shalt  }
0x78: {  	_ =	shalt  }
0x79: {  	_ =	shalt  }
0x7a: {  	_ =	shalt  }
0x7b: {  	_ =	shalt  }
0x7c: {  	_ =	shalt  }
0x7d: {  	_ =	shalt  }
0x7e: {  	_ =	shalt  }
0x7f: {  	_ =	shalt  }
0x80: {  	_ =	shalt  }
0x81: {  	_ =	shalt  }
0x82: {  	_ =	shalt  }
0x83: {  	_ =	shalt  }
0x84: {  	_ =	shalt  }
0x85: {  	_ =	shalt  }
0x86: {  	_ =	shalt  }
0x87: {  	_ =	shalt  }
.Lfunc_end0:
.L_simem_size_0:
called_computation_lowered:
.L_overlay_start_0:
0x88: {  	s2 =	sld [smem:$0x3FD9]  }
0x89: {  	s3 =	sld [smem:$0x3FFE];
	_ =	sdelay $0x1  }
0x8a: {  	s1 =	srdreg.scid  }
0x8b: {  	s0 =	sand.u32 $0x1, s1  }
0x8c: {  	s17 =	sshll.u32 s0, $0xA;
	s2 =	sadd.s32 s3, s2  }
0x8d: {  	s2 =	sadd.s32 s2, s17  }
0x8e: {  	[smem:$0x3FC3] =	sst s2  }
0x8f: {  	_ = 	snop  }
0x90: {  	s2 =	sld [smem:$0x3FD0];
	(tm) =	ssettm $0x1  }
0x91: {  	s18 =	sld [smem:$0x3FFB];
	_ =	sdelay $0x3  }
0x92: {  	_ =	strace s18  }
0x93: {  	s3 =	sld [smem:$0x3FFC];
	_ =	sdelay $0x3  }
0x94: {  	_ =	strace s3  }
0x95: {  	s3 =	sld [smem:$0x3FFD];
	_ =	sdelay $0x3  }
0x96: {  	_ =	strace s3  }
0x97: {  	_ =	strace $0x8FFFFFFF  }
0x98: {  	s19 =	sld [smem:$0x3FDB];
	_ =	sdelay $0x1  }
0x99: {  	s4 =	simm.s32 $_scs_section_size  }
0x9a: {  	s5 =	simm.s32 $_size__tile_overlayer_lowered;
	s6 =	simm.s32 $_tile_overlayer_lowered  }
0x9b: {  	s22 =	simm.s32 $0x1BFF;
	s21 =	sshll.u32 s6, $0x1;
	s3 =	sadd.s32 s4, s19  }
0x9c: {  	s7 =	simm.s32 $0x0;
	s20 =	sshll.u32 s5, $0x1;
	s5 =	sadd.s32 s21, s3  }
0x9d: {  	[timem:s7], [sflag:s22] =	dma.local [hbm:s5], s20  }
0x9e: {  	_ =	swait.ge [sflag:s22], s20  }
0x9f: {  	s4 =	ssub.s32 $0x0, s20;
	[sflag:s22] =	ssyncset.done $0x0  }
0xa0: {  	[sflag:s22] =	ssyncadd.s32 s4;
	_ =	sdelay $0x1  }
0xa1: {  	s23 =	simm.s32 $0x1B8B  }
0xa2: {  	_ =	swait.ge [sflag:s23], $0x1  }
0xa3: {  	[sflag:s23] =	ssyncset.done $0x0  }
0xa4: {  	s25 =	simm.s32 $0x1B8E;
	s24 =	sld [smem:$0x3FFE];
	[sflag:s23] =	ssyncadd.s32 $0xFFFFFFFF  }
0xa5: {  	s26 =	simm.s32 $execute0_lowered;
	[smem:$0x3FD2] =	sst s25  }
0xa6: {  	s5 =	sshll.u32 s26, $0x1;
	_ =	strace $0x80000046;
	[dreg:$0x1] =	wrdreg $0xFFFFFFFF  }
0xa7: {  	s28 =	simm.s32 $_size_execute0_lowered;
	s3 =	sadd.s32 s3, s5;
	[dreg:$0x0] =	wrdreg $0x0  }
0xa8: {  	s5 =	sshll.u32 s28, $0x1;
	[dreg:$0x2] =	wrdreg s3  }
0xa9: {  	[dreg:$0x3] =	wrdreg s5  }
0xaa: {  	[dreg:$0x4] =	wrdreg $0xC0  }
0xab: {  	_ =	task [dreg:s7], $0x5FFFF  }
0xac: {  	[dreg:$0x1] =	wrdreg $0xFFFFFFFF  }
0xad: {  	[dreg:$0x0] =	wrdreg $0x60  }
0xae: {  	[dreg:$0x2] =	wrdreg s24  }
0xaf: {  	[dreg:$0x3] =	wrdreg s2  }
0xb0: {  	[dreg:$0x4] =	wrdreg $0x9  }
0xb1: {  	_ =	task.clear_ibuf [dreg:s7], $0x5FFFF;
	_ =	strace $0x90000046  }
0xb2: {  	s29 =	simm.s32 $0x9;
	_ =	strace $0x80000048  }
0xb3: {  	_ =	swait.ge [sflag:s29], $0x1  }
0xb4: {  	[sflag:s29] =	ssyncadd.s32 $0xFFFFFFFF  }
0xb5: {  	_ =	strace $0x90000048  }
0xb6: {  	_ =	sfence  }
0xb7: {  	s30 =	sld [smem:$0x0];
	_ =	sdelay $0x2  }
0xb8: {  	s31 =	sshll.u32 s1, $0xD;
	s1 =	sshrl.u32 s1, $0x2  }
0xb9: {  	s3 =	sand.u32 $0x4000, s31;
	s1 =	sadd.s32 s1, s30  }
0xba: {  	s0 =	sor.u32 s3, s0;
	s1 =	sshll.u32 s1, $0x11  }
0xbb: {  	s0 =	sor.u32 s1, s0  }
0xbc: {  	s0 =	sadd.s32 $0x8F2B, s0  }
0xbd: {  	[sflag:s0] =	ssyncadd.remote.s32 $0x1  }
0xbe: {  	_ =	sfence.sel $0xFFFF  }
0xbf: {  	[dreg:$0x0] =	wrdreg $0xFFFFFFFF;
	(pc) =	sbr.abs _section_cstart, $3  }
0xc0: {  	[dreg:$0x1] =	wrdreg $0xFFFFFFFF  }
0xc1: {  	_ =	task.clear_ibuf [dreg:s7], $0x2FFFF;
	_ =	strace $0x9FFFFFFF  }
0xc2: {  	(tm) =	ssettm $0x7FFFFFFF  }
0xc3: {  	_ =	shalt  }
tec
execute0_lowered:
.L_overlay_start_1:
0x0: {  	(tag) =	ssettag $0x1  }
0x1: {  	s0 =	rddreg [dreg:$0x0]  }
0x2: {  	s1 =	rddreg [dreg:$0x1];
	s2 =	simm.s32 $0x0  }
0x3: {  	s4 =	srdreg.scid;
	[smem:$0x7FF] =	sst s2  }
0x4: {  	s5 =	stileid.u32;
	s3 =	sadd.s32 $0x152E00, s0;
	s12 =	sadd.s32 $0x142A00, s0  }
0x5: {  	s6 =	sand.u32 $0x1, s4;
	s7 =	sshll.u32 s5, $0x1;
	s4 =	sadd.s32 $0x102400, s0  }
0x6: {  	s5 =	sadd.s32 $0x1A00, s0;
	s18 =	sadd.s32 $0x102401, s0;
	s20 =	sadd.s32 $0x1A01, s0  }
0x7: {  	_ =	strace $0x80000047;
	s16 =	sor.u32 s6, s7;
	s25 =	ssub.s32 $0x2, s6  }
0x8: {  	s6 =	sadd.s32 $0x17F000, s0;
	s7 =	sshll.u32 s16, $0xA;
	s9 =	smul.u32 $0x1020, s16  }
0x9: {  	s8 =	sshll.u32 s16, $0xC;
	s10 =	sshrl.u32 s25, $0x1;
	s11 =	smul.u32 $0x4040, s16  }
0xa: {  	s19 =	sshll.u32 s16, $0x5;
	s13 =	sadd.s32 s7, s0;
	s17 =	sadd.s32 s8, s0  }
0xb: {  	s21 =	ssub.s32 s25, s10;
	s25 =	simm.s32 $0x1;
	s26 =	sshrl.u32 s9, $0x3  }
0xc: {  	s9 =	sadd.s32 $0x408, s9;
	s28 =	sshrl.u32 s11, $0x3;
	s14 =	sadd.s32 $0x808, s11  }
0xd: {  	s13 =	sadd.s32 $0x157000, s13;
	s30 =	sadd.s32 $0x15F000, s17;
	s17 =	sshll.u32 s16, $0x4  }
0xe: {  	s31 =	smax.u32 s21, $0x1;
	s7 =	sadd.s32 s3, s26;
	[dreg:$0x3] =	wrdreg s13  }
0xf: {  	s9 =	sshrl.u32 s9, $0x3;
	s11 =	sadd.s32 s12, s28;
	[dreg:$0x4] =	wrdreg s30  }
0x10: {  	s29 =	sshrl.u32 s14, $0x3;
	[dreg:$0x5] =	wrdreg s31;
	s8 =	sadd.s32 $0x1, s7  }
0x11: {  	s9 =	sadd.s32 s3, s9;
	s10 =	sadd.s32 $0x82, s7;
	s13 =	sadd.s32 $0x1, s11  }
0x12: {  	s14 =	sadd.s32 s12, s29;
	s15 =	sadd.s32 $0x102, s11;
	s22 =	sadd.s32 $0x81, s7  }
0x13: {  	s23 =	sadd.s32 $0x102, s7;
	s24 =	sadd.s32 $0x183, s7;
	s3 =	simm.s32 $0x0  }
.LBB2_1:
0x14: {  	[dreg:$0x6] =	wrdreg s3;
	s0 =	simm.s32 $0x1  }
0x15: {  	s16 =	sadd.s32 $0x0, s7;
	s3 =	simm.s32 $0x10;
	s12 =	simm.s32 $0x0  }
.LBB2_2:
0x16: {  	[tilespmem:s12], [sflag:$0x1] =	stream.linear.gather [hbm4b:s16+s2], $0x4, $0x38;
	[tilespmem:$0x10000] =	vst v63  }
0x17: {  	s16 =	smov.u32 s0;
	s12 =	smov.u32 s3;
	p0 =	sne.s32 s0, $0x7F  }
.Ltmp0:
0x18: {  	s0 =	sadd.s32 $0x1, s0;
	(pc) =	sbr.rel @p0 .LBB2_2-.Ltmp0, $2  }
0x19: {  	_ =	sdelay $0x2  }
0x1a: {  	s3 =	sadd.s32 $0x10, s3;
	s16 =	sadd.s32 s16, s7  }
0x1b: {  	[tilespmem:s12], [sflag:$0x1] =	stream.linear.gather [hbm4b:s16+s2], $0x4, $0x38;
	[tilespmem:$0x10000] =	vst v63  }
0x1c: {  	s0 =	simm.s32 $0x800  }
0x1d: {  	s3 =	simm.s32 $0x1;
	s16 =	sadd.s32 $0x0, s22;
	s12 =	simm.s32 $0x810  }
.LBB2_4:
0x1e: {  	[tilespmem:s0], [sflag:$0x1] =	stream.linear.gather [hbm4b:s16+s2], $0x4, $0x38;
	[tilespmem:$0x10000] =	vst v63  }
0x1f: {  	s16 =	smov.u32 s3;
	s0 =	smov.u32 s12;
	p0 =	sne.s32 s3, $0x7F  }
.Ltmp1:
0x20: {  	s3 =	sadd.s32 $0x1, s3;
	(pc) =	sbr.rel @p0 .LBB2_4-.Ltmp1, $2  }
0x21: {  	_ =	sdelay $0x2  }
0x22: {  	s12 =	sadd.s32 $0x10, s12;
	s16 =	sadd.s32 s16, s22  }
0x23: {  	[tilespmem:s0], [sflag:$0x1] =	stream.linear.gather [hbm4b:s16+s2], $0x4, $0x38;
	[tilespmem:$0x10000] =	vst v63  }
0x24: {  	s0 =	simm.s32 $0x1000  }
0x25: {  	s3 =	simm.s32 $0x1;
	s16 =	sadd.s32 $0x0, s23;
	s12 =	simm.s32 $0x1010  }
.LBB2_6:
0x26: {  	[tilespmem:s0], [sflag:$0x1] =	stream.linear.gather [hbm4b:s16+s2], $0x4, $0x38;
	[tilespmem:$0x10000] =	vst v63  }
0x27: {  	s16 =	smov.u32 s3;
	s0 =	smov.u32 s12;
	p0 =	sne.s32 s3, $0x7F  }
.Ltmp2:
0x28: {  	s3 =	sadd.s32 $0x1, s3;
	(pc) =	sbr.rel @p0 .LBB2_6-.Ltmp2, $2  }
0x29: {  	_ =	sdelay $0x2  }
0x2a: {  	s12 =	sadd.s32 $0x10, s12;
	s16 =	sadd.s32 s16, s23  }
0x2b: {  	[tilespmem:s0], [sflag:$0x1] =	stream.linear.gather [hbm4b:s16+s2], $0x4, $0x38;
	[tilespmem:$0x10000] =	vst v63  }
0x2c: {  	s0 =	simm.s32 $0x1800  }
0x2d: {  	s3 =	simm.s32 $0x1;
	s16 =	sadd.s32 $0x0, s24;
	s12 =	simm.s32 $0x1810  }
.LBB2_8:
0x2e: {  	[tilespmem:s0], [sflag:$0x1] =	stream.linear.gather [hbm4b:s16+s2], $0x4, $0x38;
	[tilespmem:$0x10000] =	vst v63  }
0x2f: {  	s16 =	smov.u32 s3;
	s0 =	smov.u32 s12;
	p0 =	sne.s32 s3, $0x7F  }
.Ltmp3:
0x30: {  	s3 =	sadd.s32 $0x1, s3;
	(pc) =	sbr.rel @p0 .LBB2_8-.Ltmp3, $2  }
0x31: {  	_ =	sdelay $0x2  }
0x32: {  	s12 =	sadd.s32 $0x10, s12;
	s16 =	sadd.s32 s16, s24  }
0x33: {  	[tilespmem:s0], [sflag:$0x1] =	stream.linear.gather [hbm4b:s16+s2], $0x4, $0x38;
	[tilespmem:$0x10000] =	vst v63  }
0x34: {  	_ =	swait.ge [sflag:s25], $0x800  }
0x35: {  	s0 =	simm.s32 $0x4;
	s3 =	simm.s32 $0x1;
	[sflag:s25] =	ssyncset.done $0x0  }
0x36: {  	s16 =	sadd.s32 $0x0, s8;
	s12 =	simm.s32 $0x14;
	[sflag:s25] =	ssyncadd.s32 $0xFFFFF800  }
.LBB2_10:
0x37: {  	[tilespmem:s0], [sflag:$0x1] =	stream.linear.gather [hbm4b:s16+s2], $0x4, $0x38;
	[tilespmem:$0x10000] =	vst v63  }
0x38: {  	s16 =	smov.u32 s3;
	s0 =	smov.u32 s12;
	p0 =	sne.s32 s3, $0x7F  }
.Ltmp4:
0x39: {  	s3 =	sadd.s32 $0x1, s3;
	(pc) =	sbr.rel @p0 .LBB2_10-.Ltmp4, $2  }
0x3a: {  	_ =	sdelay $0x2  }
0x3b: {  	s12 =	sadd.s32 $0x10, s12;
	s16 =	sadd.s32 s16, s8  }
0x3c: {  	[tilespmem:s0], [sflag:$0x1] =	stream.linear.gather [hbm4b:s16+s2], $0x4, $0x38;
	[tilespmem:$0x10000] =	vst v63  }
0x3d: {  	s0 =	sadd.s32 $0x81, s8;
	s3 =	simm.s32 $0x804  }
0x3e: {  	s12 =	simm.s32 $0x1;
	s16 =	simm.s32 $0x814;
	s21 =	sadd.s32 $0x0, s0  }
.LBB2_12:
0x3f: {  	[tilespmem:s3], [sflag:$0x1] =	stream.linear.gather [hbm4b:s21+s2], $0x4, $0x38;
	[tilespmem:$0x10000] =	vst v63  }
0x40: {  	s21 =	smov.u32 s12;
	s3 =	smov.u32 s16;
	p0 =	sne.s32 s12, $0x7F  }
.Ltmp5:
0x41: {  	s12 =	sadd.s32 $0x1, s12;
	(pc) =	sbr.rel @p0 .LBB2_12-.Ltmp5, $2  }
0x42: {  	_ =	sdelay $0x2  }
0x43: {  	s16 =	sadd.s32 $0x10, s16;
	s21 =	sadd.s32 s21, s0  }
0x44: {  	[tilespmem:s3], [sflag:$0x1] =	stream.linear.gather [hbm4b:s21+s2], $0x4, $0x38;
	[tilespmem:$0x10000] =	vst v63  }
0x45: {  	s0 =	sadd.s32 $0x102, s8;
	s3 =	simm.s32 $0x1004  }
0x46: {  	s12 =	simm.s32 $0x1;
	s16 =	simm.s32 $0x1014;
	s21 =	sadd.s32 $0x0, s0  }
.LBB2_14:
0x47: {  	[tilespmem:s3], [sflag:$0x1] =	stream.linear.gather [hbm4b:s21+s2], $0x4, $0x38;
	[tilespmem:$0x10000] =	vst v63  }
0x48: {  	s21 =	smov.u32 s12;
	s3 =	smov.u32 s16;
	p0 =	sne.s32 s12, $0x7F  }
.Ltmp6:
0x49: {  	s12 =	sadd.s32 $0x1, s12;
	(pc) =	sbr.rel @p0 .LBB2_14-.Ltmp6, $2  }
0x4a: {  	_ =	sdelay $0x2  }
0x4b: {  	s16 =	sadd.s32 $0x10, s16;
	s21 =	sadd.s32 s21, s0  }
0x4c: {  	[tilespmem:s3], [sflag:$0x1] =	stream.linear.gather [hbm4b:s21+s2], $0x4, $0x38;
	[tilespmem:$0x10000] =	vst v63  }
0x4d: {  	s0 =	sadd.s32 $0x183, s8;
	s3 =	simm.s32 $0x1804  }
0x4e: {  	s12 =	simm.s32 $0x1;
	s16 =	simm.s32 $0x1814;
	s21 =	sadd.s32 $0x0, s0  }
.LBB2_16:
0x4f: {  	[tilespmem:s3], [sflag:$0x1] =	stream.linear.gather [hbm4b:s21+s2], $0x4, $0x38;
	[tilespmem:$0x10000] =	vst v63  }
0x50: {  	s21 =	smov.u32 s12;
	s3 =	smov.u32 s16;
	p0 =	sne.s32 s12, $0x7F  }
.Ltmp7:
0x51: {  	s12 =	sadd.s32 $0x1, s12;
	(pc) =	sbr.rel @p0 .LBB2_16-.Ltmp7, $2  }
0x52: {  	_ =	sdelay $0x2  }
0x53: {  	s16 =	sadd.s32 $0x10, s16;
	s21 =	sadd.s32 s21, s0  }
0x54: {  	[tilespmem:s3], [sflag:$0x1] =	stream.linear.gather [hbm4b:s21+s2], $0x4, $0x38;
	[tilespmem:$0x10000] =	vst v63  }
0x55: {  	_ =	swait.ge [sflag:s25], $0x800  }
0x56: {  	s0 =	simm.s32 $0x8;
	s3 =	simm.s32 $0x1;
	[sflag:s25] =	ssyncset.done $0x0  }
0x57: {  	s16 =	sadd.s32 $0x0, s9;
	s12 =	simm.s32 $0x18;
	[sflag:s25] =	ssyncadd.s32 $0xFFFFF800  }
.LBB2_18:
0x58: {  	[tilespmem:s0], [sflag:$0x1] =	stream.linear.gather [hbm4b:s16+s2], $0x4, $0x38;
	[tilespmem:$0x10000] =	vst v63  }
0x59: {  	s16 =	smov.u32 s3;
	s0 =	smov.u32 s12;
	p0 =	sne.s32 s3, $0x7F  }
.Ltmp8:
0x5a: {  	s3 =	sadd.s32 $0x1, s3;
	(pc) =	sbr.rel @p0 .LBB2_18-.Ltmp8, $2  }
0x5b: {  	_ =	sdelay $0x2  }
0x5c: {  	s12 =	sadd.s32 $0x10, s12;
	s16 =	sadd.s32 s16, s9  }
0x5d: {  	[tilespmem:s0], [sflag:$0x1] =	stream.linear.gather [hbm4b:s16+s2], $0x4, $0x38;
	[tilespmem:$0x10000] =	vst v63  }
0x5e: {  	s0 =	sadd.s32 $0x81, s9;
	s3 =	simm.s32 $0x808  }
0x5f: {  	s12 =	simm.s32 $0x1;
	s16 =	simm.s32 $0x818;
	s21 =	sadd.s32 $0x0, s0  }
.LBB2_20:
0x60: {  	[tilespmem:s3], [sflag:$0x1] =	stream.linear.gather [hbm4b:s21+s2], $0x4, $0x38;
	[tilespmem:$0x10000] =	vst v63  }
0x61: {  	s21 =	smov.u32 s12;
	s3 =	smov.u32 s16;
	p0 =	sne.s32 s12, $0x7F  }
.Ltmp9:
0x62: {  	s12 =	sadd.s32 $0x1, s12;
	(pc) =	sbr.rel @p0 .LBB2_20-.Ltmp9, $2  }
0x63: {  	_ =	sdelay $0x2  }
0x64: {  	s16 =	sadd.s32 $0x10, s16;
	s21 =	sadd.s32 s21, s0  }
0x65: {  	[tilespmem:s3], [sflag:$0x1] =	stream.linear.gather [hbm4b:s21+s2], $0x4, $0x38;
	[tilespmem:$0x10000] =	vst v63  }
0x66: {  	s0 =	sadd.s32 $0x102, s9;
	s3 =	simm.s32 $0x1008  }
0x67: {  	s12 =	simm.s32 $0x1;
	s16 =	simm.s32 $0x1018;
	s21 =	sadd.s32 $0x0, s0  }
.LBB2_22:
0x68: {  	[tilespmem:s3], [sflag:$0x1] =	stream.linear.gather [hbm4b:s21+s2], $0x4, $0x38;
	[tilespmem:$0x10000] =	vst v63  }
0x69: {  	s21 =	smov.u32 s12;
	s3 =	smov.u32 s16;
	p0 =	sne.s32 s12, $0x7F  }
.Ltmp10:
0x6a: {  	s12 =	sadd.s32 $0x1, s12;
	(pc) =	sbr.rel @p0 .LBB2_22-.Ltmp10, $2  }
0x6b: {  	_ =	sdelay $0x2  }
0x6c: {  	s16 =	sadd.s32 $0x10, s16;
	s21 =	sadd.s32 s21, s0  }
0x6d: {  	[tilespmem:s3], [sflag:$0x1] =	stream.linear.gather [hbm4b:s21+s2], $0x4, $0x38;
	[tilespmem:$0x10000] =	vst v63  }
0x6e: {  	s0 =	sadd.s32 $0x183, s9;
	s3 =	simm.s32 $0x1808  }
0x6f: {  	s12 =	simm.s32 $0x1;
	s16 =	simm.s32 $0x1818;
	s21 =	sadd.s32 $0x0, s0  }
.LBB2_24:
0x70: {  	[tilespmem:s3], [sflag:$0x1] =	stream.linear.gather [hbm4b:s21+s2], $0x4, $0x38;
	[tilespmem:$0x10000] =	vst v63  }
0x71: {  	s21 =	smov.u32 s12;
	s3 =	smov.u32 s16;
	p0 =	sne.s32 s12, $0x7F  }
.Ltmp11:
0x72: {  	s12 =	sadd.s32 $0x1, s12;
	(pc) =	sbr.rel @p0 .LBB2_24-.Ltmp11, $2  }
0x73: {  	_ =	sdelay $0x2  }
0x74: {  	s16 =	sadd.s32 $0x10, s16;
	s21 =	sadd.s32 s21, s0  }
0x75: {  	[tilespmem:s3], [sflag:$0x1] =	stream.linear.gather [hbm4b:s21+s2], $0x4, $0x38;
	[tilespmem:$0x10000] =	vst v63  }
0x76: {  	_ =	swait.ge [sflag:s25], $0x800  }
0x77: {  	s0 =	simm.s32 $0xC;
	s3 =	simm.s32 $0x1;
	[sflag:s25] =	ssyncset.done $0x0  }
0x78: {  	s16 =	sadd.s32 $0x0, s10;
	s12 =	simm.s32 $0x1C;
	[sflag:s25] =	ssyncadd.s32 $0xFFFFF800  }
.LBB2_26:
0x79: {  	[tilespmem:s0], [sflag:$0x1] =	stream.linear.gather [hbm4b:s16+s2], $0x4, $0x38;
	[tilespmem:$0x10000] =	vst v63  }
0x7a: {  	s16 =	smov.u32 s3;
	s0 =	smov.u32 s12;
	p0 =	sne.s32 s3, $0x7F  }
.Ltmp12:
0x7b: {  	s3 =	sadd.s32 $0x1, s3;
	(pc) =	sbr.rel @p0 .LBB2_26-.Ltmp12, $2  }
0x7c: {  	_ =	sdelay $0x2  }
0x7d: {  	s12 =	sadd.s32 $0x10, s12;
	s16 =	sadd.s32 s16, s10  }
0x7e: {  	[tilespmem:s0], [sflag:$0x1] =	stream.linear.gather [hbm4b:s16+s2], $0x4, $0x38;
	[tilespmem:$0x10000] =	vst v63  }
0x7f: {  	s0 =	sadd.s32 $0x81, s10;
	s3 =	simm.s32 $0x80C  }
0x80: {  	s12 =	simm.s32 $0x1;
	s16 =	simm.s32 $0x81C;
	s21 =	sadd.s32 $0x0, s0  }
.LBB2_28:
0x81: {  	[tilespmem:s3], [sflag:$0x1] =	stream.linear.gather [hbm4b:s21+s2], $0x4, $0x38;
	[tilespmem:$0x10000] =	vst v63  }
0x82: {  	s21 =	smov.u32 s12;
	s3 =	smov.u32 s16;
	p0 =	sne.s32 s12, $0x7F  }
.Ltmp13:
0x83: {  	s12 =	sadd.s32 $0x1, s12;
	(pc) =	sbr.rel @p0 .LBB2_28-.Ltmp13, $2  }
0x84: {  	_ =	sdelay $0x2  }
0x85: {  	s16 =	sadd.s32 $0x10, s16;
	s21 =	sadd.s32 s21, s0  }
0x86: {  	[tilespmem:s3], [sflag:$0x1] =	stream.linear.gather [hbm4b:s21+s2], $0x4, $0x38;
	[tilespmem:$0x10000] =	vst v63  }
0x87: {  	s0 =	sadd.s32 $0x102, s10;
	s3 =	simm.s32 $0x100C  }
0x88: {  	s12 =	simm.s32 $0x1;
	s16 =	simm.s32 $0x101C;
	s21 =	sadd.s32 $0x0, s0  }
.LBB2_30:
0x89: {  	[tilespmem:s3], [sflag:$0x1] =	stream.linear.gather [hbm4b:s21+s2], $0x4, $0x38;
	[tilespmem:$0x10000] =	vst v63  }
0x8a: {  	s21 =	smov.u32 s12;
	s3 =	smov.u32 s16;
	p0 =	sne.s32 s12, $0x7F  }
.Ltmp14:
0x8b: {  	s12 =	sadd.s32 $0x1, s12;
	(pc) =	sbr.rel @p0 .LBB2_30-.Ltmp14, $2  }
0x8c: {  	_ =	sdelay $0x2  }
0x8d: {  	s16 =	sadd.s32 $0x10, s16;
	s21 =	sadd.s32 s21, s0  }
0x8e: {  	[tilespmem:s3], [sflag:$0x1] =	stream.linear.gather [hbm4b:s21+s2], $0x4, $0x38;
	[tilespmem:$0x10000] =	vst v63  }
0x8f: {  	s0 =	sadd.s32 $0x183, s10;
	s3 =	simm.s32 $0x180C  }
0x90: {  	s12 =	simm.s32 $0x1;
	s16 =	simm.s32 $0x181C;
	s21 =	sadd.s32 $0x0, s0  }
.LBB2_32:
0x91: {  	[tilespmem:s3], [sflag:$0x1] =	stream.linear.gather [hbm4b:s21+s2], $0x4, $0x38;
	[tilespmem:$0x10000] =	vst v63  }
0x92: {  	s21 =	smov.u32 s12;
	s3 =	smov.u32 s16;
	p0 =	sne.s32 s12, $0x7F  }
.Ltmp15:
0x93: {  	s12 =	sadd.s32 $0x1, s12;
	(pc) =	sbr.rel @p0 .LBB2_32-.Ltmp15, $2  }
0x94: {  	_ =	sdelay $0x2  }
0x95: {  	s16 =	sadd.s32 $0x10, s16;
	s21 =	sadd.s32 s21, s0  }
0x96: {  	[tilespmem:s3], [sflag:$0x1] =	stream.linear.gather [hbm4b:s21+s2], $0x4, $0x38;
	[tilespmem:$0x10000] =	vst v63  }
0x97: {  	_ =	swait.ge [sflag:s25], $0x800  }
0x98: {  	[sflag:s25] =	ssyncset.done $0x0  }
0x99: {  	s0 =	simm.s32 $0x0;
	s31 =	rddreg [dreg:$0x3];
	[sflag:s25] =	ssyncadd.s32 $0xFFFFF800  }
0x9a: {  	[hbm4b:s31+s0] =	stream.linear.scatter [tilespmem:s0], [sflag:$0x1], $0x2000, $0x38;
	[tilespmem:$0x10000] =	vst v63  }
0x9b: {  	_ =	swait.ge [sflag:s25], $0x2000  }
0x9c: {  	s3 =	simm.s32 $0x1;
	[sflag:s25] =	ssyncset.done $0x0  }
0x9d: {  	s16 =	sadd.s32 $0x0, s11;
	s12 =	simm.s32 $0x10;
	[sflag:s25] =	ssyncadd.s32 $0xFFFFE000  }
.LBB2_34:
0x9e: {  	[tilespmem:s0], [sflag:$0x1] =	stream.linear.gather [hbm4b:s16+s2], $0x4, $0x38;
	[tilespmem:$0x10000] =	vst v63  }
0x9f: {  	s16 =	smov.u32 s3;
	s0 =	smov.u32 s12;
	p0 =	sne.s32 s3, $0xFF  }
.Ltmp16:
0xa0: {  	s3 =	sadd.s32 $0x1, s3;
	(pc) =	sbr.rel @p0 .LBB2_34-.Ltmp16, $2  }
0xa1: {  	_ =	sdelay $0x2  }
0xa2: {  	s12 =	sadd.s32 $0x10, s12;
	s16 =	sadd.s32 s16, s11  }
0xa3: {  	[tilespmem:s0], [sflag:$0x1] =	stream.linear.gather [hbm4b:s16+s2], $0x4, $0x38;
	[tilespmem:$0x10000] =	vst v63  }
0xa4: {  	s0 =	sadd.s32 $0x101, s11;
	s3 =	simm.s32 $0x1000  }
0xa5: {  	s12 =	simm.s32 $0x1;
	s16 =	simm.s32 $0x1010;
	s21 =	sadd.s32 $0x0, s0  }
.LBB2_36:
0xa6: {  	[tilespmem:s3], [sflag:$0x1] =	stream.linear.gather [hbm4b:s21+s2], $0x4, $0x38;
	[tilespmem:$0x10000] =	vst v63  }
0xa7: {  	s21 =	smov.u32 s12;
	s3 =	smov.u32 s16;
	p0 =	sne.s32 s12, $0xFF  }
.Ltmp17:
0xa8: {  	s12 =	sadd.s32 $0x1, s12;
	(pc) =	sbr.rel @p0 .LBB2_36-.Ltmp17, $2  }
0xa9: {  	_ =	sdelay $0x2  }
0xaa: {  	s16 =	sadd.s32 $0x10, s16;
	s21 =	sadd.s32 s21, s0  }
0xab: {  	[tilespmem:s3], [sflag:$0x1] =	stream.linear.gather [hbm4b:s21+s2], $0x4, $0x38;
	[tilespmem:$0x10000] =	vst v63  }
0xac: {  	s0 =	sadd.s32 $0x202, s11;
	s3 =	simm.s32 $0x2000  }
0xad: {  	s12 =	simm.s32 $0x1;
	s16 =	simm.s32 $0x2010;
	s21 =	sadd.s32 $0x0, s0  }
.LBB2_38:
0xae: {  	[tilespmem:s3], [sflag:$0x1] =	stream.linear.gather [hbm4b:s21+s2], $0x4, $0x38;
	[tilespmem:$0x10000] =	vst v63  }
0xaf: {  	s21 =	smov.u32 s12;
	s3 =	smov.u32 s16;
	p0 =	sne.s32 s12, $0xFF  }
.Ltmp18:
0xb0: {  	s12 =	sadd.s32 $0x1, s12;
	(pc) =	sbr.rel @p0 .LBB2_38-.Ltmp18, $2  }
0xb1: {  	_ =	sdelay $0x2  }
0xb2: {  	s16 =	sadd.s32 $0x10, s16;
	s21 =	sadd.s32 s21, s0  }
0xb3: {  	[tilespmem:s3], [sflag:$0x1] =	stream.linear.gather [hbm4b:s21+s2], $0x4, $0x38;
	[tilespmem:$0x10000] =	vst v63  }
0xb4: {  	s0 =	sadd.s32 $0x303, s11;
	s3 =	simm.s32 $0x3000  }
0xb5: {  	s12 =	simm.s32 $0x1;
	s16 =	simm.s32 $0x3010;
	s21 =	sadd.s32 $0x0, s0  }
.LBB2_40:
0xb6: {  	[tilespmem:s3], [sflag:$0x1] =	stream.linear.gather [hbm4b:s21+s2], $0x4, $0x38;
	[tilespmem:$0x10000] =	vst v63  }
0xb7: {  	s21 =	smov.u32 s12;
	s3 =	smov.u32 s16;
	p0 =	sne.s32 s12, $0xFF  }
.Ltmp19:
0xb8: {  	s12 =	sadd.s32 $0x1, s12;
	(pc) =	sbr.rel @p0 .LBB2_40-.Ltmp19, $2  }
0xb9: {  	_ =	sdelay $0x2  }
0xba: {  	s16 =	sadd.s32 $0x10, s16;
	s21 =	sadd.s32 s21, s0  }
0xbb: {  	[tilespmem:s3], [sflag:$0x1] =	stream.linear.gather [hbm4b:s21+s2], $0x4, $0x38;
	[tilespmem:$0x10000] =	vst v63  }
0xbc: {  	s0 =	sadd.s32 $0x404, s11;
	s3 =	simm.s32 $0x4000  }
0xbd: {  	s12 =	simm.s32 $0x1;
	s16 =	simm.s32 $0x4010;
	s21 =	sadd.s32 $0x0, s0  }
.LBB2_42:
0xbe: {  	[tilespmem:s3], [sflag:$0x1] =	stream.linear.gather [hbm4b:s21+s2], $0x4, $0x38;
	[tilespmem:$0x10000] =	vst v63  }
0xbf: {  	s21 =	smov.u32 s12;
	s3 =	smov.u32 s16;
	p0 =	sne.s32 s12, $0xFF  }
.Ltmp20:
0xc0: {  	s12 =	sadd.s32 $0x1, s12;
	(pc) =	sbr.rel @p0 .LBB2_42-.Ltmp20, $2  }
0xc1: {  	_ =	sdelay $0x2  }
0xc2: {  	s16 =	sadd.s32 $0x10, s16;
	s21 =	sadd.s32 s21, s0  }
0xc3: {  	[tilespmem:s3], [sflag:$0x1] =	stream.linear.gather [hbm4b:s21+s2], $0x4, $0x38;
	[tilespmem:$0x10000] =	vst v63  }
0xc4: {  	s0 =	sadd.s32 $0x505, s11;
	s3 =	simm.s32 $0x5000  }
0xc5: {  	s12 =	simm.s32 $0x1;
	s16 =	simm.s32 $0x5010;
	s21 =	sadd.s32 $0x0, s0  }
.LBB2_44:
0xc6: {  	[tilespmem:s3], [sflag:$0x1] =	stream.linear.gather [hbm4b:s21+s2], $0x4, $0x38;
	[tilespmem:$0x10000] =	vst v63  }
0xc7: {  	s21 =	smov.u32 s12;
	s3 =	smov.u32 s16;
	p0 =	sne.s32 s12, $0xFF  }
.Ltmp21:
0xc8: {  	s12 =	sadd.s32 $0x1, s12;
	(pc) =	sbr.rel @p0 .LBB2_44-.Ltmp21, $2  }
0xc9: {  	_ =	sdelay $0x2  }
0xca: {  	s16 =	sadd.s32 $0x10, s16;
	s21 =	sadd.s32 s21, s0  }
0xcb: {  	[tilespmem:s3], [sflag:$0x1] =	stream.linear.gather [hbm4b:s21+s2], $0x4, $0x38;
	[tilespmem:$0x10000] =	vst v63  }
0xcc: {  	s0 =	sadd.s32 $0x606, s11;
	s3 =	simm.s32 $0x6000  }
0xcd: {  	s12 =	simm.s32 $0x1;
	s16 =	simm.s32 $0x6010;
	s21 =	sadd.s32 $0x0, s0  }
.LBB2_46:
0xce: {  	[tilespmem:s3], [sflag:$0x1] =	stream.linear.gather [hbm4b:s21+s2], $0x4, $0x38;
	[tilespmem:$0x10000] =	vst v63  }
0xcf: {  	s21 =	smov.u32 s12;
	s3 =	smov.u32 s16;
	p0 =	sne.s32 s12, $0xFF  }
.Ltmp22:
0xd0: {  	s12 =	sadd.s32 $0x1, s12;
	(pc) =	sbr.rel @p0 .LBB2_46-.Ltmp22, $2  }
0xd1: {  	_ =	sdelay $0x2  }
0xd2: {  	s16 =	sadd.s32 $0x10, s16;
	s21 =	sadd.s32 s21, s0  }
0xd3: {  	[tilespmem:s3], [sflag:$0x1] =	stream.linear.gather [hbm4b:s21+s2], $0x4, $0x38;
	[tilespmem:$0x10000] =	vst v63  }
0xd4: {  	s0 =	sadd.s32 $0x707, s11;
	s3 =	simm.s32 $0x7000  }
0xd5: {  	s12 =	simm.s32 $0x1;
	s16 =	simm.s32 $0x7010;
	s21 =	sadd.s32 $0x0, s0  }
.LBB2_48:
0xd6: {  	[tilespmem:s3], [sflag:$0x1] =	stream.linear.gather [hbm4b:s21+s2], $0x4, $0x38;
	[tilespmem:$0x10000] =	vst v63  }
0xd7: {  	s21 =	smov.u32 s12;
	s3 =	smov.u32 s16;
	p0 =	sne.s32 s12, $0xFF  }
.Ltmp23:
0xd8: {  	s12 =	sadd.s32 $0x1, s12;
	(pc) =	sbr.rel @p0 .LBB2_48-.Ltmp23, $2  }
0xd9: {  	_ =	sdelay $0x2  }
0xda: {  	s16 =	sadd.s32 $0x10, s16;
	s21 =	sadd.s32 s21, s0  }
0xdb: {  	[tilespmem:s3], [sflag:$0x1] =	stream.linear.gather [hbm4b:s21+s2], $0x4, $0x38;
	[tilespmem:$0x10000] =	vst v63  }
0xdc: {  	_ =	swait.ge [sflag:s25], $0x2000  }
0xdd: {  	s0 =	simm.s32 $0x4;
	s3 =	simm.s32 $0x1;
	[sflag:s25] =	ssyncset.done $0x0  }
0xde: {  	s16 =	sadd.s32 $0x0, s13;
	s12 =	simm.s32 $0x14;
	[sflag:s25] =	ssyncadd.s32 $0xFFFFE000  }
.LBB2_50:
0xdf: {  	[tilespmem:s0], [sflag:$0x1] =	stream.linear.gather [hbm4b:s16+s2], $0x4, $0x38;
	[tilespmem:$0x10000] =	vst v63  }
0xe0: {  	s16 =	smov.u32 s3;
	s0 =	smov.u32 s12;
	p0 =	sne.s32 s3, $0xFF  }
.Ltmp24:
0xe1: {  	s3 =	sadd.s32 $0x1, s3;
	(pc) =	sbr.rel @p0 .LBB2_50-.Ltmp24, $2  }
0xe2: {  	_ =	sdelay $0x2  }
0xe3: {  	s12 =	sadd.s32 $0x10, s12;
	s16 =	sadd.s32 s16, s13  }
0xe4: {  	[tilespmem:s0], [sflag:$0x1] =	stream.linear.gather [hbm4b:s16+s2], $0x4, $0x38;
	[tilespmem:$0x10000] =	vst v63  }
0xe5: {  	s0 =	sadd.s32 $0x101, s13;
	s3 =	simm.s32 $0x1004  }
0xe6: {  	s12 =	simm.s32 $0x1;
	s16 =	simm.s32 $0x1014;
	s21 =	sadd.s32 $0x0, s0  }
.LBB2_52:
0xe7: {  	[tilespmem:s3], [sflag:$0x1] =	stream.linear.gather [hbm4b:s21+s2], $0x4, $0x38;
	[tilespmem:$0x10000] =	vst v63  }
0xe8: {  	s21 =	smov.u32 s12;
	s3 =	smov.u32 s16;
	p0 =	sne.s32 s12, $0xFF  }
.Ltmp25:
0xe9: {  	s12 =	sadd.s32 $0x1, s12;
	(pc) =	sbr.rel @p0 .LBB2_52-.Ltmp25, $2  }
0xea: {  	_ =	sdelay $0x2  }
0xeb: {  	s16 =	sadd.s32 $0x10, s16;
	s21 =	sadd.s32 s21, s0  }
0xec: {  	[tilespmem:s3], [sflag:$0x1] =	stream.linear.gather [hbm4b:s21+s2], $0x4, $0x38;
	[tilespmem:$0x10000] =	vst v63  }
0xed: {  	s0 =	sadd.s32 $0x202, s13;
	s3 =	simm.s32 $0x2004  }
0xee: {  	s12 =	simm.s32 $0x1;
	s16 =	simm.s32 $0x2014;
	s21 =	sadd.s32 $0x0, s0  }
.LBB2_54:
0xef: {  	[tilespmem:s3], [sflag:$0x1] =	stream.linear.gather [hbm4b:s21+s2], $0x4, $0x38;
	[tilespmem:$0x10000] =	vst v63  }
0xf0: {  	s21 =	smov.u32 s12;
	s3 =	smov.u32 s16;
	p0 =	sne.s32 s12, $0xFF  }
.Ltmp26:
0xf1: {  	s12 =	sadd.s32 $0x1, s12;
	(pc) =	sbr.rel @p0 .LBB2_54-.Ltmp26, $2  }
0xf2: {  	_ =	sdelay $0x2  }
0xf3: {  	s16 =	sadd.s32 $0x10, s16;
	s21 =	sadd.s32 s21, s0  }
0xf4: {  	[tilespmem:s3], [sflag:$0x1] =	stream.linear.gather [hbm4b:s21+s2], $0x4, $0x38;
	[tilespmem:$0x10000] =	vst v63  }
0xf5: {  	s0 =	sadd.s32 $0x303, s13;
	s3 =	simm.s32 $0x3004  }
0xf6: {  	s12 =	simm.s32 $0x1;
	s16 =	simm.s32 $0x3014;
	s21 =	sadd.s32 $0x0, s0  }
.LBB2_56:
0xf7: {  	[tilespmem:s3], [sflag:$0x1] =	stream.linear.gather [hbm4b:s21+s2], $0x4, $0x38;
	[tilespmem:$0x10000] =	vst v63  }
0xf8: {  	s21 =	smov.u32 s12;
	s3 =	smov.u32 s16;
	p0 =	sne.s32 s12, $0xFF  }
.Ltmp27:
0xf9: {  	s12 =	sadd.s32 $0x1, s12;
	(pc) =	sbr.rel @p0 .LBB2_56-.Ltmp27, $2  }
0xfa: {  	_ =	sdelay $0x2  }
0xfb: {  	s16 =	sadd.s32 $0x10, s16;
	s21 =	sadd.s32 s21, s0  }
0xfc: {  	[tilespmem:s3], [sflag:$0x1] =	stream.linear.gather [hbm4b:s21+s2], $0x4, $0x38;
	[tilespmem:$0x10000] =	vst v63  }
0xfd: {  	s0 =	sadd.s32 $0x404, s13;
	s3 =	simm.s32 $0x4004  }
0xfe: {  	s12 =	simm.s32 $0x1;
	s16 =	simm.s32 $0x4014;
	s21 =	sadd.s32 $0x0, s0  }
.LBB2_58:
0xff: {  	[tilespmem:s3], [sflag:$0x1] =	stream.linear.gather [hbm4b:s21+s2], $0x4, $0x38;
	[tilespmem:$0x10000] =	vst v63  }
0x100: {  	s21 =	smov.u32 s12;
	s3 =	smov.u32 s16;
	p0 =	sne.s32 s12, $0xFF  }
.Ltmp28:
0x101: {  	s12 =	sadd.s32 $0x1, s12;
	(pc) =	sbr.rel @p0 .LBB2_58-.Ltmp28, $2  }
0x102: {  	_ =	sdelay $0x2  }
0x103: {  	s16 =	sadd.s32 $0x10, s16;
	s21 =	sadd.s32 s21, s0  }
0x104: {  	[tilespmem:s3], [sflag:$0x1] =	stream.linear.gather [hbm4b:s21+s2], $0x4, $0x38;
	[tilespmem:$0x10000] =	vst v63  }
0x105: {  	s0 =	sadd.s32 $0x505, s13;
	s3 =	simm.s32 $0x5004  }
0x106: {  	s12 =	simm.s32 $0x1;
	s16 =	simm.s32 $0x5014;
	s21 =	sadd.s32 $0x0, s0  }
.LBB2_60:
0x107: {  	[tilespmem:s3], [sflag:$0x1] =	stream.linear.gather [hbm4b:s21+s2], $0x4, $0x38;
	[tilespmem:$0x10000] =	vst v63  }
0x108: {  	s21 =	smov.u32 s12;
	s3 =	smov.u32 s16;
	p0 =	sne.s32 s12, $0xFF  }
.Ltmp29:
0x109: {  	s12 =	sadd.s32 $0x1, s12;
	(pc) =	sbr.rel @p0 .LBB2_60-.Ltmp29, $2  }
0x10a: {  	_ =	sdelay $0x2  }
0x10b: {  	s16 =	sadd.s32 $0x10, s16;
	s21 =	sadd.s32 s21, s0  }
0x10c: {  	[tilespmem:s3], [sflag:$0x1] =	stream.linear.gather [hbm4b:s21+s2], $0x4, $0x38;
	[tilespmem:$0x10000] =	vst v63  }
0x10d: {  	s0 =	sadd.s32 $0x606, s13;
	s3 =	simm.s32 $0x6004  }
0x10e: {  	s12 =	simm.s32 $0x1;
	s16 =	simm.s32 $0x6014;
	s21 =	sadd.s32 $0x0, s0  }
.LBB2_62:
0x10f: {  	[tilespmem:s3], [sflag:$0x1] =	stream.linear.gather [hbm4b:s21+s2], $0x4, $0x38;
	[tilespmem:$0x10000] =	vst v63  }
0x110: {  	s21 =	smov.u32 s12;
	s3 =	smov.u32 s16;
	p0 =	sne.s32 s12, $0xFF  }
.Ltmp30:
0x111: {  	s12 =	sadd.s32 $0x1, s12;
	(pc) =	sbr.rel @p0 .LBB2_62-.Ltmp30, $2  }
0x112: {  	_ =	sdelay $0x2  }
0x113: {  	s16 =	sadd.s32 $0x10, s16;
	s21 =	sadd.s32 s21, s0  }
0x114: {  	[tilespmem:s3], [sflag:$0x1] =	stream.linear.gather [hbm4b:s21+s2], $0x4, $0x38;
	[tilespmem:$0x10000] =	vst v63  }
0x115: {  	s0 =	sadd.s32 $0x707, s13;
	s3 =	simm.s32 $0x7004  }
0x116: {  	s12 =	simm.s32 $0x1;
	s16 =	simm.s32 $0x7014;
	s21 =	sadd.s32 $0x0, s0  }
.LBB2_64:
0x117: {  	[tilespmem:s3], [sflag:$0x1] =	stream.linear.gather [hbm4b:s21+s2], $0x4, $0x38;
	[tilespmem:$0x10000] =	vst v63  }
0x118: {  	s21 =	smov.u32 s12;
	s3 =	smov.u32 s16;
	p0 =	sne.s32 s12, $0xFF  }
.Ltmp31:
0x119: {  	s12 =	sadd.s32 $0x1, s12;
	(pc) =	sbr.rel @p0 .LBB2_64-.Ltmp31, $2  }
0x11a: {  	_ =	sdelay $0x2  }
0x11b: {  	s16 =	sadd.s32 $0x10, s16;
	s21 =	sadd.s32 s21, s0  }
0x11c: {  	[tilespmem:s3], [sflag:$0x1] =	stream.linear.gather [hbm4b:s21+s2], $0x4, $0x38;
	[tilespmem:$0x10000] =	vst v63  }
0x11d: {  	_ =	swait.ge [sflag:s25], $0x2000  }
0x11e: {  	s0 =	simm.s32 $0x8;
	s3 =	simm.s32 $0x1;
	[sflag:s25] =	ssyncset.done $0x0  }
0x11f: {  	s16 =	sadd.s32 $0x0, s14;
	s12 =	simm.s32 $0x18;
	[sflag:s25] =	ssyncadd.s32 $0xFFFFE000  }
.LBB2_66:
0x120: {  	[tilespmem:s0], [sflag:$0x1] =	stream.linear.gather [hbm4b:s16+s2], $0x4, $0x38;
	[tilespmem:$0x10000] =	vst v63  }
0x121: {  	s16 =	smov.u32 s3;
	s0 =	smov.u32 s12;
	p0 =	sne.s32 s3, $0xFF  }
.Ltmp32:
0x122: {  	s3 =	sadd.s32 $0x1, s3;
	(pc) =	sbr.rel @p0 .LBB2_66-.Ltmp32, $2  }
0x123: {  	_ =	sdelay $0x2  }
0x124: {  	s12 =	sadd.s32 $0x10, s12;
	s16 =	sadd.s32 s16, s14  }
0x125: {  	[tilespmem:s0], [sflag:$0x1] =	stream.linear.gather [hbm4b:s16+s2], $0x4, $0x38;
	[tilespmem:$0x10000] =	vst v63  }
0x126: {  	s0 =	sadd.s32 $0x101, s14;
	s3 =	simm.s32 $0x1008  }
0x127: {  	s12 =	simm.s32 $0x1;
	s16 =	simm.s32 $0x1018;
	s21 =	sadd.s32 $0x0, s0  }
.LBB2_68:
0x128: {  	[tilespmem:s3], [sflag:$0x1] =	stream.linear.gather [hbm4b:s21+s2], $0x4, $0x38;
	[tilespmem:$0x10000] =	vst v63  }
0x129: {  	s21 =	smov.u32 s12;
	s3 =	smov.u32 s16;
	p0 =	sne.s32 s12, $0xFF  }
.Ltmp33:
0x12a: {  	s12 =	sadd.s32 $0x1, s12;
	(pc) =	sbr.rel @p0 .LBB2_68-.Ltmp33, $2  }
0x12b: {  	_ =	sdelay $0x2  }
0x12c: {  	s16 =	sadd.s32 $0x10, s16;
	s21 =	sadd.s32 s21, s0  }
0x12d: {  	[tilespmem:s3], [sflag:$0x1] =	stream.linear.gather [hbm4b:s21+s2], $0x4, $0x38;
	[tilespmem:$0x10000] =	vst v63  }
0x12e: {  	s0 =	sadd.s32 $0x202, s14;
	s3 =	simm.s32 $0x2008  }
0x12f: {  	s12 =	simm.s32 $0x1;
	s16 =	simm.s32 $0x2018;
	s21 =	sadd.s32 $0x0, s0  }
.LBB2_70:
0x130: {  	[tilespmem:s3], [sflag:$0x1] =	stream.linear.gather [hbm4b:s21+s2], $0x4, $0x38;
	[tilespmem:$0x10000] =	vst v63  }
0x131: {  	s21 =	smov.u32 s12;
	s3 =	smov.u32 s16;
	p0 =	sne.s32 s12, $0xFF  }
.Ltmp34:
0x132: {  	s12 =	sadd.s32 $0x1, s12;
	(pc) =	sbr.rel @p0 .LBB2_70-.Ltmp34, $2  }
0x133: {  	_ =	sdelay $0x2  }
0x134: {  	s16 =	sadd.s32 $0x10, s16;
	s21 =	sadd.s32 s21, s0  }
0x135: {  	[tilespmem:s3], [sflag:$0x1] =	stream.linear.gather [hbm4b:s21+s2], $0x4, $0x38;
	[tilespmem:$0x10000] =	vst v63  }
0x136: {  	s0 =	sadd.s32 $0x303, s14;
	s3 =	simm.s32 $0x3008  }
0x137: {  	s12 =	simm.s32 $0x1;
	s16 =	simm.s32 $0x3018;
	s21 =	sadd.s32 $0x0, s0  }
.LBB2_72:
0x138: {  	[tilespmem:s3], [sflag:$0x1] =	stream.linear.gather [hbm4b:s21+s2], $0x4, $0x38;
	[tilespmem:$0x10000] =	vst v63  }
0x139: {  	s21 =	smov.u32 s12;
	s3 =	smov.u32 s16;
	p0 =	sne.s32 s12, $0xFF  }
.Ltmp35:
0x13a: {  	s12 =	sadd.s32 $0x1, s12;
	(pc) =	sbr.rel @p0 .LBB2_72-.Ltmp35, $2  }
0x13b: {  	_ =	sdelay $0x2  }
0x13c: {  	s16 =	sadd.s32 $0x10, s16;
	s21 =	sadd.s32 s21, s0  }
0x13d: {  	[tilespmem:s3], [sflag:$0x1] =	stream.linear.gather [hbm4b:s21+s2], $0x4, $0x38;
	[tilespmem:$0x10000] =	vst v63  }
0x13e: {  	s0 =	sadd.s32 $0x404, s14;
	s3 =	simm.s32 $0x4008  }
0x13f: {  	s12 =	simm.s32 $0x1;
	s16 =	simm.s32 $0x4018;
	s21 =	sadd.s32 $0x0, s0  }
.LBB2_74:
0x140: {  	[tilespmem:s3], [sflag:$0x1] =	stream.linear.gather [hbm4b:s21+s2], $0x4, $0x38;
	[tilespmem:$0x10000] =	vst v63  }
0x141: {  	s21 =	smov.u32 s12;
	s3 =	smov.u32 s16;
	p0 =	sne.s32 s12, $0xFF  }
.Ltmp36:
0x142: {  	s12 =	sadd.s32 $0x1, s12;
	(pc) =	sbr.rel @p0 .LBB2_74-.Ltmp36, $2  }
0x143: {  	_ =	sdelay $0x2  }
0x144: {  	s16 =	sadd.s32 $0x10, s16;
	s21 =	sadd.s32 s21, s0  }
0x145: {  	[tilespmem:s3], [sflag:$0x1] =	stream.linear.gather [hbm4b:s21+s2], $0x4, $0x38;
	[tilespmem:$0x10000] =	vst v63  }
0x146: {  	s0 =	sadd.s32 $0x505, s14;
	s3 =	simm.s32 $0x5008  }
0x147: {  	s12 =	simm.s32 $0x1;
	s16 =	simm.s32 $0x5018;
	s21 =	sadd.s32 $0x0, s0  }
.LBB2_76:
0x148: {  	[tilespmem:s3], [sflag:$0x1] =	stream.linear.gather [hbm4b:s21+s2], $0x4, $0x38;
	[tilespmem:$0x10000] =	vst v63  }
0x149: {  	s21 =	smov.u32 s12;
	s3 =	smov.u32 s16;
	p0 =	sne.s32 s12, $0xFF  }
.Ltmp37:
0x14a: {  	s12 =	sadd.s32 $0x1, s12;
	(pc) =	sbr.rel @p0 .LBB2_76-.Ltmp37, $2  }
0x14b: {  	_ =	sdelay $0x2  }
0x14c: {  	s16 =	sadd.s32 $0x10, s16;
	s21 =	sadd.s32 s21, s0  }
0x14d: {  	[tilespmem:s3], [sflag:$0x1] =	stream.linear.gather [hbm4b:s21+s2], $0x4, $0x38;
	[tilespmem:$0x10000] =	vst v63  }
0x14e: {  	s0 =	sadd.s32 $0x606, s14;
	s3 =	simm.s32 $0x6008  }
0x14f: {  	s12 =	simm.s32 $0x1;
	s16 =	simm.s32 $0x6018;
	s21 =	sadd.s32 $0x0, s0  }
.LBB2_78:
0x150: {  	[tilespmem:s3], [sflag:$0x1] =	stream.linear.gather [hbm4b:s21+s2], $0x4, $0x38;
	[tilespmem:$0x10000] =	vst v63  }
0x151: {  	s21 =	smov.u32 s12;
	s3 =	smov.u32 s16;
	p0 =	sne.s32 s12, $0xFF  }
.Ltmp38:
0x152: {  	s12 =	sadd.s32 $0x1, s12;
	(pc) =	sbr.rel @p0 .LBB2_78-.Ltmp38, $2  }
0x153: {  	_ =	sdelay $0x2  }
0x154: {  	s16 =	sadd.s32 $0x10, s16;
	s21 =	sadd.s32 s21, s0  }
0x155: {  	[tilespmem:s3], [sflag:$0x1] =	stream.linear.gather [hbm4b:s21+s2], $0x4, $0x38;
	[tilespmem:$0x10000] =	vst v63  }
0x156: {  	s0 =	sadd.s32 $0x707, s14;
	s3 =	simm.s32 $0x7008  }
0x157: {  	s12 =	simm.s32 $0x1;
	s16 =	simm.s32 $0x7018;
	s21 =	sadd.s32 $0x0, s0  }
.LBB2_80:
0x158: {  	[tilespmem:s3], [sflag:$0x1] =	stream.linear.gather [hbm4b:s21+s2], $0x4, $0x38;
	[tilespmem:$0x10000] =	vst v63  }
0x159: {  	s21 =	smov.u32 s12;
	s3 =	smov.u32 s16;
	p0 =	sne.s32 s12, $0xFF  }
.Ltmp39:
0x15a: {  	s12 =	sadd.s32 $0x1, s12;
	(pc) =	sbr.rel @p0 .LBB2_80-.Ltmp39, $2  }
0x15b: {  	_ =	sdelay $0x2  }
0x15c: {  	s16 =	sadd.s32 $0x10, s16;
	s21 =	sadd.s32 s21, s0  }
0x15d: {  	[tilespmem:s3], [sflag:$0x1] =	stream.linear.gather [hbm4b:s21+s2], $0x4, $0x38;
	[tilespmem:$0x10000] =	vst v63  }
0x15e: {  	_ =	swait.ge [sflag:s25], $0x2000  }
0x15f: {  	s0 =	simm.s32 $0xC;
	s3 =	simm.s32 $0x1;
	[sflag:s25] =	ssyncset.done $0x0  }
0x160: {  	s16 =	sadd.s32 $0x0, s15;
	s12 =	simm.s32 $0x1C;
	[sflag:s25] =	ssyncadd.s32 $0xFFFFE000  }
.LBB2_82:
0x161: {  	[tilespmem:s0], [sflag:$0x1] =	stream.linear.gather [hbm4b:s16+s2], $0x4, $0x38;
	[tilespmem:$0x10000] =	vst v63  }
0x162: {  	s16 =	smov.u32 s3;
	s0 =	smov.u32 s12;
	p0 =	sne.s32 s3, $0xFF  }
.Ltmp40:
0x163: {  	s3 =	sadd.s32 $0x1, s3;
	(pc) =	sbr.rel @p0 .LBB2_82-.Ltmp40, $2  }
0x164: {  	_ =	sdelay $0x2  }
0x165: {  	s12 =	sadd.s32 $0x10, s12;
	s16 =	sadd.s32 s16, s15  }
0x166: {  	[tilespmem:s0], [sflag:$0x1] =	stream.linear.gather [hbm4b:s16+s2], $0x4, $0x38;
	[tilespmem:$0x10000] =	vst v63  }
0x167: {  	s0 =	sadd.s32 $0x101, s15;
	s3 =	simm.s32 $0x100C  }
0x168: {  	s12 =	simm.s32 $0x1;
	s16 =	simm.s32 $0x101C;
	s21 =	sadd.s32 $0x0, s0  }
.LBB2_84:
0x169: {  	[tilespmem:s3], [sflag:$0x1] =	stream.linear.gather [hbm4b:s21+s2], $0x4, $0x38;
	[tilespmem:$0x10000] =	vst v63  }
0x16a: {  	s21 =	smov.u32 s12;
	s3 =	smov.u32 s16;
	p0 =	sne.s32 s12, $0xFF  }
.Ltmp41:
0x16b: {  	s12 =	sadd.s32 $0x1, s12;
	(pc) =	sbr.rel @p0 .LBB2_84-.Ltmp41, $2  }
0x16c: {  	_ =	sdelay $0x2  }
0x16d: {  	s16 =	sadd.s32 $0x10, s16;
	s21 =	sadd.s32 s21, s0  }
0x16e: {  	[tilespmem:s3], [sflag:$0x1] =	stream.linear.gather [hbm4b:s21+s2], $0x4, $0x38;
	[tilespmem:$0x10000] =	vst v63  }
0x16f: {  	s0 =	sadd.s32 $0x202, s15;
	s3 =	simm.s32 $0x200C  }
0x170: {  	s12 =	simm.s32 $0x1;
	s16 =	simm.s32 $0x201C;
	s21 =	sadd.s32 $0x0, s0  }
.LBB2_86:
0x171: {  	[tilespmem:s3], [sflag:$0x1] =	stream.linear.gather [hbm4b:s21+s2], $0x4, $0x38;
	[tilespmem:$0x10000] =	vst v63  }
0x172: {  	s21 =	smov.u32 s12;
	s3 =	smov.u32 s16;
	p0 =	sne.s32 s12, $0xFF  }
.Ltmp42:
0x173: {  	s12 =	sadd.s32 $0x1, s12;
	(pc) =	sbr.rel @p0 .LBB2_86-.Ltmp42, $2  }
0x174: {  	_ =	sdelay $0x2  }
0x175: {  	s16 =	sadd.s32 $0x10, s16;
	s21 =	sadd.s32 s21, s0  }
0x176: {  	[tilespmem:s3], [sflag:$0x1] =	stream.linear.gather [hbm4b:s21+s2], $0x4, $0x38;
	[tilespmem:$0x10000] =	vst v63  }
0x177: {  	s0 =	sadd.s32 $0x303, s15;
	s3 =	simm.s32 $0x300C  }
0x178: {  	s12 =	simm.s32 $0x1;
	s16 =	simm.s32 $0x301C;
	s21 =	sadd.s32 $0x0, s0  }
.LBB2_88:
0x179: {  	[tilespmem:s3], [sflag:$0x1] =	stream.linear.gather [hbm4b:s21+s2], $0x4, $0x38;
	[tilespmem:$0x10000] =	vst v63  }
0x17a: {  	s21 =	smov.u32 s12;
	s3 =	smov.u32 s16;
	p0 =	sne.s32 s12, $0xFF  }
.Ltmp43:
0x17b: {  	s12 =	sadd.s32 $0x1, s12;
	(pc) =	sbr.rel @p0 .LBB2_88-.Ltmp43, $2  }
0x17c: {  	_ =	sdelay $0x2  }
0x17d: {  	s16 =	sadd.s32 $0x10, s16;
	s21 =	sadd.s32 s21, s0  }
0x17e: {  	[tilespmem:s3], [sflag:$0x1] =	stream.linear.gather [hbm4b:s21+s2], $0x4, $0x38;
	[tilespmem:$0x10000] =	vst v63  }
0x17f: {  	s0 =	sadd.s32 $0x404, s15;
	s3 =	simm.s32 $0x400C  }
0x180: {  	s12 =	simm.s32 $0x1;
	s16 =	simm.s32 $0x401C;
	s21 =	sadd.s32 $0x0, s0  }
.LBB2_90:
0x181: {  	[tilespmem:s3], [sflag:$0x1] =	stream.linear.gather [hbm4b:s21+s2], $0x4, $0x38;
	[tilespmem:$0x10000] =	vst v63  }
0x182: {  	s21 =	smov.u32 s12;
	s3 =	smov.u32 s16;
	p0 =	sne.s32 s12, $0xFF  }
.Ltmp44:
0x183: {  	s12 =	sadd.s32 $0x1, s12;
	(pc) =	sbr.rel @p0 .LBB2_90-.Ltmp44, $2  }
0x184: {  	_ =	sdelay $0x2  }
0x185: {  	s16 =	sadd.s32 $0x10, s16;
	s21 =	sadd.s32 s21, s0  }
0x186: {  	[tilespmem:s3], [sflag:$0x1] =	stream.linear.gather [hbm4b:s21+s2], $0x4, $0x38;
	[tilespmem:$0x10000] =	vst v63  }
0x187: {  	s0 =	sadd.s32 $0x505, s15;
	s3 =	simm.s32 $0x500C  }
0x188: {  	s12 =	simm.s32 $0x1;
	s16 =	simm.s32 $0x501C;
	s21 =	sadd.s32 $0x0, s0  }
.LBB2_92:
0x189: {  	[tilespmem:s3], [sflag:$0x1] =	stream.linear.gather [hbm4b:s21+s2], $0x4, $0x38;
	[tilespmem:$0x10000] =	vst v63  }
0x18a: {  	s21 =	smov.u32 s12;
	s3 =	smov.u32 s16;
	p0 =	sne.s32 s12, $0xFF  }
.Ltmp45:
0x18b: {  	s12 =	sadd.s32 $0x1, s12;
	(pc) =	sbr.rel @p0 .LBB2_92-.Ltmp45, $2  }
0x18c: {  	_ =	sdelay $0x2  }
0x18d: {  	s16 =	sadd.s32 $0x10, s16;
	s21 =	sadd.s32 s21, s0  }
0x18e: {  	[tilespmem:s3], [sflag:$0x1] =	stream.linear.gather [hbm4b:s21+s2], $0x4, $0x38;
	[tilespmem:$0x10000] =	vst v63  }
0x18f: {  	s0 =	sadd.s32 $0x606, s15;
	s3 =	simm.s32 $0x600C  }
0x190: {  	s12 =	simm.s32 $0x1;
	s16 =	simm.s32 $0x601C;
	s21 =	sadd.s32 $0x0, s0  }
.LBB2_94:
0x191: {  	[tilespmem:s3], [sflag:$0x1] =	stream.linear.gather [hbm4b:s21+s2], $0x4, $0x38;
	[tilespmem:$0x10000] =	vst v63  }
0x192: {  	s21 =	smov.u32 s12;
	s3 =	smov.u32 s16;
	p0 =	sne.s32 s12, $0xFF  }
.Ltmp46:
0x193: {  	s12 =	sadd.s32 $0x1, s12;
	(pc) =	sbr.rel @p0 .LBB2_94-.Ltmp46, $2  }
0x194: {  	_ =	sdelay $0x2  }
0x195: {  	s16 =	sadd.s32 $0x10, s16;
	s21 =	sadd.s32 s21, s0  }
0x196: {  	[tilespmem:s3], [sflag:$0x1] =	stream.linear.gather [hbm4b:s21+s2], $0x4, $0x38;
	[tilespmem:$0x10000] =	vst v63  }
0x197: {  	s0 =	sadd.s32 $0x707, s15;
	s3 =	simm.s32 $0x700C  }
0x198: {  	s12 =	simm.s32 $0x1;
	s16 =	simm.s32 $0x701C;
	s21 =	sadd.s32 $0x0, s0  }
.LBB2_96:
0x199: {  	[tilespmem:s3], [sflag:$0x1] =	stream.linear.gather [hbm4b:s21+s2], $0x4, $0x38;
	[tilespmem:$0x10000] =	vst v63  }
0x19a: {  	s21 =	smov.u32 s12;
	s3 =	smov.u32 s16;
	p0 =	sne.s32 s12, $0xFF  }
.Ltmp47:
0x19b: {  	s12 =	sadd.s32 $0x1, s12;
	(pc) =	sbr.rel @p0 .LBB2_96-.Ltmp47, $2  }
0x19c: {  	_ =	sdelay $0x2  }
0x19d: {  	s16 =	sadd.s32 $0x10, s16;
	s21 =	sadd.s32 s21, s0  }
0x19e: {  	[tilespmem:s3], [sflag:$0x1] =	stream.linear.gather [hbm4b:s21+s2], $0x4, $0x38;
	[tilespmem:$0x10000] =	vst v63  }
0x19f: {  	_ =	swait.ge [sflag:s25], $0x2000  }
0x1a0: {  	[sflag:s25] =	ssyncset.done $0x0  }
0x1a1: {  	s0 =	simm.s32 $0x0;
	s31 =	rddreg [dreg:$0x4];
	[sflag:s25] =	ssyncadd.s32 $0xFFFFE000  }
0x1a2: {  	[hbm4b:s31+s0] =	stream.linear.scatter [tilespmem:s0], [sflag:$0x1], $0x8000, $0x38;
	[tilespmem:$0x10000] =	vst v63  }
0x1a3: {  	_ =	swait.ge [sflag:s25], $0x8000  }
0x1a4: {  	[sflag:s25] =	ssyncset.done $0x0  }
0x1a5: {  	p1 =	por $0x1, $0x1;
	[sflag:s25] =	ssyncadd.s32 $0xFFFF8000  }
.LBB2_98:
0x1a6: {  	s28 =	sor.u32 s17, s0  }
0x1a7: {  	s30 =	smul.u32 $0x1008, s28;
	_ =	sdelay $0x1  }
0x1a8: {  	s31 =	sshrl.u32 s30, $0x3  }
0x1a9: {  	s0 =	simm.s32 $0x1;
	p0 =	por p1, p1;
	s29 =	sadd.s32 s4, s31  }
0x1aa: {  	s3 =	simm.s32 $0x10;
	s12 =	simm.s32 $0x0;
	s16 =	sadd.s32 $0x0, s29  }
.LBB2_99:
0x1ab: {  	[tilespmem:s12], [sflag:$0x1] =	stream.linear.gather [hbm4b:s16+s2], $0x4, $0x38;
	[tilespmem:$0x10000] =	vst v63  }
0x1ac: {  	s16 =	smov.u32 s0;
	s12 =	smov.u32 s3;
	p1 =	sne.s32 s0, $0x1FF  }
.Ltmp48:
0x1ad: {  	s0 =	sadd.s32 $0x1, s0;
	(pc) =	sbr.rel @p1 .LBB2_99-.Ltmp48, $2  }
0x1ae: {  	_ =	sdelay $0x2  }
0x1af: {  	s3 =	sadd.s32 $0x10, s3;
	s16 =	sadd.s32 s16, s29  }
0x1b0: {  	[tilespmem:s12], [sflag:$0x1] =	stream.linear.gather [hbm4b:s16+s2], $0x4, $0x38;
	[tilespmem:$0x10000] =	vst v63  }
0x1b1: {  	s0 =	sadd.s32 $0x201, s29;
	s3 =	simm.s32 $0x2000  }
0x1b2: {  	s12 =	simm.s32 $0x1;
	s16 =	simm.s32 $0x2010;
	s21 =	sadd.s32 $0x0, s0  }
.LBB2_101:
0x1b3: {  	[tilespmem:s3], [sflag:$0x1] =	stream.linear.gather [hbm4b:s21+s2], $0x4, $0x38;
	[tilespmem:$0x10000] =	vst v63  }
0x1b4: {  	s21 =	smov.u32 s12;
	s3 =	smov.u32 s16;
	p1 =	sne.s32 s12, $0x1FF  }
.Ltmp49:
0x1b5: {  	s12 =	sadd.s32 $0x1, s12;
	(pc) =	sbr.rel @p1 .LBB2_101-.Ltmp49, $2  }
0x1b6: {  	_ =	sdelay $0x2  }
0x1b7: {  	s16 =	sadd.s32 $0x10, s16;
	s21 =	sadd.s32 s21, s0  }
0x1b8: {  	[tilespmem:s3], [sflag:$0x1] =	stream.linear.gather [hbm4b:s21+s2], $0x4, $0x38;
	[tilespmem:$0x10000] =	vst v63  }
0x1b9: {  	s0 =	sadd.s32 $0x402, s29;
	s3 =	simm.s32 $0x4000  }
0x1ba: {  	s12 =	simm.s32 $0x1;
	s16 =	simm.s32 $0x4010;
	s21 =	sadd.s32 $0x0, s0  }
.LBB2_103:
0x1bb: {  	[tilespmem:s3], [sflag:$0x1] =	stream.linear.gather [hbm4b:s21+s2], $0x4, $0x38;
	[tilespmem:$0x10000] =	vst v63  }
0x1bc: {  	s21 =	smov.u32 s12;
	s3 =	smov.u32 s16;
	p1 =	sne.s32 s12, $0x1FF  }
.Ltmp50:
0x1bd: {  	s12 =	sadd.s32 $0x1, s12;
	(pc) =	sbr.rel @p1 .LBB2_103-.Ltmp50, $2  }
0x1be: {  	_ =	sdelay $0x2  }
0x1bf: {  	s16 =	sadd.s32 $0x10, s16;
	s21 =	sadd.s32 s21, s0  }
0x1c0: {  	[tilespmem:s3], [sflag:$0x1] =	stream.linear.gather [hbm4b:s21+s2], $0x4, $0x38;
	[tilespmem:$0x10000] =	vst v63  }
0x1c1: {  	s0 =	sadd.s32 $0x603, s29;
	s3 =	simm.s32 $0x6000  }
0x1c2: {  	s12 =	simm.s32 $0x1;
	s16 =	simm.s32 $0x6010;
	s21 =	sadd.s32 $0x0, s0  }
.LBB2_105:
0x1c3: {  	[tilespmem:s3], [sflag:$0x1] =	stream.linear.gather [hbm4b:s21+s2], $0x4, $0x38;
	[tilespmem:$0x10000] =	vst v63  }
0x1c4: {  	s21 =	smov.u32 s12;
	s3 =	smov.u32 s16;
	p1 =	sne.s32 s12, $0x1FF  }
.Ltmp51:
0x1c5: {  	s12 =	sadd.s32 $0x1, s12;
	(pc) =	sbr.rel @p1 .LBB2_105-.Ltmp51, $2  }
0x1c6: {  	_ =	sdelay $0x2  }
0x1c7: {  	s16 =	sadd.s32 $0x10, s16;
	s21 =	sadd.s32 s21, s0  }
0x1c8: {  	[tilespmem:s3], [sflag:$0x1] =	stream.linear.gather [hbm4b:s21+s2], $0x4, $0x38;
	[tilespmem:$0x10000] =	vst v63  }
0x1c9: {  	s0 =	sadd.s32 $0x804, s29;
	s3 =	simm.s32 $0x8000  }
0x1ca: {  	s12 =	simm.s32 $0x1;
	s16 =	simm.s32 $0x8010;
	s21 =	sadd.s32 $0x0, s0  }
.LBB2_107:
0x1cb: {  	[tilespmem:s3], [sflag:$0x1] =	stream.linear.gather [hbm4b:s21+s2], $0x4, $0x38;
	[tilespmem:$0x10000] =	vst v63  }
0x1cc: {  	s21 =	smov.u32 s12;
	s3 =	smov.u32 s16;
	p1 =	sne.s32 s12, $0x1FF  }
.Ltmp52:
0x1cd: {  	s12 =	sadd.s32 $0x1, s12;
	(pc) =	sbr.rel @p1 .LBB2_107-.Ltmp52, $2  }
0x1ce: {  	_ =	sdelay $0x2  }
0x1cf: {  	s16 =	sadd.s32 $0x10, s16;
	s21 =	sadd.s32 s21, s0  }
0x1d0: {  	[tilespmem:s3], [sflag:$0x1] =	stream.linear.gather [hbm4b:s21+s2], $0x4, $0x38;
	[tilespmem:$0x10000] =	vst v63  }
0x1d1: {  	s0 =	sadd.s32 $0xA05, s29;
	s3 =	simm.s32 $0xA000  }
0x1d2: {  	s12 =	simm.s32 $0x1;
	s16 =	simm.s32 $0xA010;
	s21 =	sadd.s32 $0x0, s0  }
.LBB2_109:
0x1d3: {  	[tilespmem:s3], [sflag:$0x1] =	stream.linear.gather [hbm4b:s21+s2], $0x4, $0x38;
	[tilespmem:$0x10000] =	vst v63  }
0x1d4: {  	s21 =	smov.u32 s12;
	s3 =	smov.u32 s16;
	p1 =	sne.s32 s12, $0x1FF  }
.Ltmp53:
0x1d5: {  	s12 =	sadd.s32 $0x1, s12;
	(pc) =	sbr.rel @p1 .LBB2_109-.Ltmp53, $2  }
0x1d6: {  	_ =	sdelay $0x2  }
0x1d7: {  	s16 =	sadd.s32 $0x10, s16;
	s21 =	sadd.s32 s21, s0  }
0x1d8: {  	[tilespmem:s3], [sflag:$0x1] =	stream.linear.gather [hbm4b:s21+s2], $0x4, $0x38;
	[tilespmem:$0x10000] =	vst v63  }
0x1d9: {  	s0 =	sadd.s32 $0xC06, s29;
	s3 =	simm.s32 $0xC000  }
0x1da: {  	s12 =	simm.s32 $0x1;
	s16 =	simm.s32 $0xC010;
	s21 =	sadd.s32 $0x0, s0  }
.LBB2_111:
0x1db: {  	[tilespmem:s3], [sflag:$0x1] =	stream.linear.gather [hbm4b:s21+s2], $0x4, $0x38;
	[tilespmem:$0x10000] =	vst v63  }
0x1dc: {  	s21 =	smov.u32 s12;
	s3 =	smov.u32 s16;
	p1 =	sne.s32 s12, $0x1FF  }
.Ltmp54:
0x1dd: {  	s12 =	sadd.s32 $0x1, s12;
	(pc) =	sbr.rel @p1 .LBB2_111-.Ltmp54, $2  }
0x1de: {  	_ =	sdelay $0x2  }
0x1df: {  	s16 =	sadd.s32 $0x10, s16;
	s21 =	sadd.s32 s21, s0  }
0x1e0: {  	[tilespmem:s3], [sflag:$0x1] =	stream.linear.gather [hbm4b:s21+s2], $0x4, $0x38;
	[tilespmem:$0x10000] =	vst v63  }
0x1e1: {  	s0 =	sadd.s32 $0xE07, s29;
	s3 =	simm.s32 $0xE000  }
0x1e2: {  	s12 =	simm.s32 $0x1;
	s16 =	simm.s32 $0xE010;
	s21 =	sadd.s32 $0x0, s0  }
.LBB2_113:
0x1e3: {  	[tilespmem:s3], [sflag:$0x1] =	stream.linear.gather [hbm4b:s21+s2], $0x4, $0x38;
	[tilespmem:$0x10000] =	vst v63  }
0x1e4: {  	s21 =	smov.u32 s12;
	s3 =	smov.u32 s16;
	p1 =	sne.s32 s12, $0x1FF  }
.Ltmp55:
0x1e5: {  	s12 =	sadd.s32 $0x1, s12;
	(pc) =	sbr.rel @p1 .LBB2_113-.Ltmp55, $2  }
0x1e6: {  	_ =	sdelay $0x2  }
0x1e7: {  	s16 =	sadd.s32 $0x10, s16;
	s21 =	sadd.s32 s21, s0  }
0x1e8: {  	[tilespmem:s3], [sflag:$0x1] =	stream.linear.gather [hbm4b:s21+s2], $0x4, $0x38;
	[tilespmem:$0x10000] =	vst v63  }
0x1e9: {  	s31 =	sadd.s32 s31, s18;
	_ =	swait.ge [sflag:s25], $0x4000  }
0x1ea: {  	s0 =	simm.s32 $0x4;
	s3 =	simm.s32 $0x1;
	[sflag:s25] =	ssyncset.done $0x0  }
0x1eb: {  	s12 =	simm.s32 $0x14;
	s16 =	sadd.s32 $0x0, s31;
	[sflag:s25] =	ssyncadd.s32 $0xFFFFC000  }
.LBB2_115:
0x1ec: {  	[tilespmem:s0], [sflag:$0x1] =	stream.linear.gather [hbm4b:s16+s2], $0x4, $0x38;
	[tilespmem:$0x10000] =	vst v63  }
0x1ed: {  	s16 =	smov.u32 s3;
	s0 =	smov.u32 s12;
	p1 =	sne.s32 s3, $0x1FF  }
.Ltmp56:
0x1ee: {  	s3 =	sadd.s32 $0x1, s3;
	(pc) =	sbr.rel @p1 .LBB2_115-.Ltmp56, $2  }
0x1ef: {  	_ =	sdelay $0x2  }
0x1f0: {  	s12 =	sadd.s32 $0x10, s12;
	s16 =	sadd.s32 s16, s31  }
0x1f1: {  	[tilespmem:s0], [sflag:$0x1] =	stream.linear.gather [hbm4b:s16+s2], $0x4, $0x38;
	[tilespmem:$0x10000] =	vst v63  }
0x1f2: {  	s0 =	sadd.s32 $0x201, s31;
	s3 =	simm.s32 $0x2004  }
0x1f3: {  	s12 =	simm.s32 $0x1;
	s16 =	simm.s32 $0x2014;
	s21 =	sadd.s32 $0x0, s0  }
.LBB2_117:
0x1f4: {  	[tilespmem:s3], [sflag:$0x1] =	stream.linear.gather [hbm4b:s21+s2], $0x4, $0x38;
	[tilespmem:$0x10000] =	vst v63  }
0x1f5: {  	s21 =	smov.u32 s12;
	s3 =	smov.u32 s16;
	p1 =	sne.s32 s12, $0x1FF  }
.Ltmp57:
0x1f6: {  	s12 =	sadd.s32 $0x1, s12;
	(pc) =	sbr.rel @p1 .LBB2_117-.Ltmp57, $2  }
0x1f7: {  	_ =	sdelay $0x2  }
0x1f8: {  	s16 =	sadd.s32 $0x10, s16;
	s21 =	sadd.s32 s21, s0  }
0x1f9: {  	[tilespmem:s3], [sflag:$0x1] =	stream.linear.gather [hbm4b:s21+s2], $0x4, $0x38;
	[tilespmem:$0x10000] =	vst v63  }
0x1fa: {  	s0 =	sadd.s32 $0x402, s31;
	s3 =	simm.s32 $0x4004  }
0x1fb: {  	s12 =	simm.s32 $0x1;
	s16 =	simm.s32 $0x4014;
	s21 =	sadd.s32 $0x0, s0  }
.LBB2_119:
0x1fc: {  	[tilespmem:s3], [sflag:$0x1] =	stream.linear.gather [hbm4b:s21+s2], $0x4, $0x38;
	[tilespmem:$0x10000] =	vst v63  }
0x1fd: {  	s21 =	smov.u32 s12;
	s3 =	smov.u32 s16;
	p1 =	sne.s32 s12, $0x1FF  }
.Ltmp58:
0x1fe: {  	s12 =	sadd.s32 $0x1, s12;
	(pc) =	sbr.rel @p1 .LBB2_119-.Ltmp58, $2  }
0x1ff: {  	_ =	sdelay $0x2  }
0x200: {  	s16 =	sadd.s32 $0x10, s16;
	s21 =	sadd.s32 s21, s0  }
0x201: {  	[tilespmem:s3], [sflag:$0x1] =	stream.linear.gather [hbm4b:s21+s2], $0x4, $0x38;
	[tilespmem:$0x10000] =	vst v63  }
0x202: {  	s0 =	sadd.s32 $0x603, s31;
	s3 =	simm.s32 $0x6004  }
0x203: {  	s12 =	simm.s32 $0x1;
	s16 =	simm.s32 $0x6014;
	s21 =	sadd.s32 $0x0, s0  }
.LBB2_121:
0x204: {  	[tilespmem:s3], [sflag:$0x1] =	stream.linear.gather [hbm4b:s21+s2], $0x4, $0x38;
	[tilespmem:$0x10000] =	vst v63  }
0x205: {  	s21 =	smov.u32 s12;
	s3 =	smov.u32 s16;
	p1 =	sne.s32 s12, $0x1FF  }
.Ltmp59:
0x206: {  	s12 =	sadd.s32 $0x1, s12;
	(pc) =	sbr.rel @p1 .LBB2_121-.Ltmp59, $2  }
0x207: {  	_ =	sdelay $0x2  }
0x208: {  	s16 =	sadd.s32 $0x10, s16;
	s21 =	sadd.s32 s21, s0  }
0x209: {  	[tilespmem:s3], [sflag:$0x1] =	stream.linear.gather [hbm4b:s21+s2], $0x4, $0x38;
	[tilespmem:$0x10000] =	vst v63  }
0x20a: {  	s0 =	sadd.s32 $0x804, s31;
	s3 =	simm.s32 $0x8004  }
0x20b: {  	s12 =	simm.s32 $0x1;
	s16 =	simm.s32 $0x8014;
	s21 =	sadd.s32 $0x0, s0  }
.LBB2_123:
0x20c: {  	[tilespmem:s3], [sflag:$0x1] =	stream.linear.gather [hbm4b:s21+s2], $0x4, $0x38;
	[tilespmem:$0x10000] =	vst v63  }
0x20d: {  	s21 =	smov.u32 s12;
	s3 =	smov.u32 s16;
	p1 =	sne.s32 s12, $0x1FF  }
.Ltmp60:
0x20e: {  	s12 =	sadd.s32 $0x1, s12;
	(pc) =	sbr.rel @p1 .LBB2_123-.Ltmp60, $2  }
0x20f: {  	_ =	sdelay $0x2  }
0x210: {  	s16 =	sadd.s32 $0x10, s16;
	s21 =	sadd.s32 s21, s0  }
0x211: {  	[tilespmem:s3], [sflag:$0x1] =	stream.linear.gather [hbm4b:s21+s2], $0x4, $0x38;
	[tilespmem:$0x10000] =	vst v63  }
0x212: {  	s0 =	sadd.s32 $0xA05, s31;
	s3 =	simm.s32 $0xA004  }
0x213: {  	s12 =	simm.s32 $0x1;
	s16 =	simm.s32 $0xA014;
	s21 =	sadd.s32 $0x0, s0  }
.LBB2_125:
0x214: {  	[tilespmem:s3], [sflag:$0x1] =	stream.linear.gather [hbm4b:s21+s2], $0x4, $0x38;
	[tilespmem:$0x10000] =	vst v63  }
0x215: {  	s21 =	smov.u32 s12;
	s3 =	smov.u32 s16;
	p1 =	sne.s32 s12, $0x1FF  }
.Ltmp61:
0x216: {  	s12 =	sadd.s32 $0x1, s12;
	(pc) =	sbr.rel @p1 .LBB2_125-.Ltmp61, $2  }
0x217: {  	_ =	sdelay $0x2  }
0x218: {  	s16 =	sadd.s32 $0x10, s16;
	s21 =	sadd.s32 s21, s0  }
0x219: {  	[tilespmem:s3], [sflag:$0x1] =	stream.linear.gather [hbm4b:s21+s2], $0x4, $0x38;
	[tilespmem:$0x10000] =	vst v63  }
0x21a: {  	s0 =	sadd.s32 $0xC06, s31;
	s3 =	simm.s32 $0xC004  }
0x21b: {  	s12 =	simm.s32 $0x1;
	s16 =	simm.s32 $0xC014;
	s21 =	sadd.s32 $0x0, s0  }
.LBB2_127:
0x21c: {  	[tilespmem:s3], [sflag:$0x1] =	stream.linear.gather [hbm4b:s21+s2], $0x4, $0x38;
	[tilespmem:$0x10000] =	vst v63  }
0x21d: {  	s21 =	smov.u32 s12;
	s3 =	smov.u32 s16;
	p1 =	sne.s32 s12, $0x1FF  }
.Ltmp62:
0x21e: {  	s12 =	sadd.s32 $0x1, s12;
	(pc) =	sbr.rel @p1 .LBB2_127-.Ltmp62, $2  }
0x21f: {  	_ =	sdelay $0x2  }
0x220: {  	s16 =	sadd.s32 $0x10, s16;
	s21 =	sadd.s32 s21, s0  }
0x221: {  	[tilespmem:s3], [sflag:$0x1] =	stream.linear.gather [hbm4b:s21+s2], $0x4, $0x38;
	[tilespmem:$0x10000] =	vst v63  }
0x222: {  	s0 =	sadd.s32 $0xE07, s31;
	s3 =	simm.s32 $0xE004  }
0x223: {  	s12 =	simm.s32 $0x1;
	s16 =	simm.s32 $0xE014;
	s21 =	sadd.s32 $0x0, s0  }
.LBB2_129:
0x224: {  	[tilespmem:s3], [sflag:$0x1] =	stream.linear.gather [hbm4b:s21+s2], $0x4, $0x38;
	[tilespmem:$0x10000] =	vst v63  }
0x225: {  	s21 =	smov.u32 s12;
	s3 =	smov.u32 s16;
	p1 =	sne.s32 s12, $0x1FF  }
.Ltmp63:
0x226: {  	s12 =	sadd.s32 $0x1, s12;
	(pc) =	sbr.rel @p1 .LBB2_129-.Ltmp63, $2  }
0x227: {  	_ =	sdelay $0x2  }
0x228: {  	s16 =	sadd.s32 $0x10, s16;
	s21 =	sadd.s32 s21, s0  }
0x229: {  	[tilespmem:s3], [sflag:$0x1] =	stream.linear.gather [hbm4b:s21+s2], $0x4, $0x38;
	[tilespmem:$0x10000] =	vst v63  }
0x22a: {  	s0 =	sadd.s32 $0x1008, s30  }
0x22b: {  	s3 =	simm.s32 $0x1;
	_ =	swait.ge [sflag:s25], $0x4000;
	s0 =	sshrl.u32 s0, $0x3  }
0x22c: {  	s12 =	simm.s32 $0x18;
	[sflag:s25] =	ssyncset.done $0x0;
	s30 =	sadd.s32 s4, s0  }
0x22d: {  	s0 =	simm.s32 $0x8;
	[sflag:s25] =	ssyncadd.s32 $0xFFFFC000;
	s16 =	sadd.s32 $0x0, s30  }
.LBB2_131:
0x22e: {  	[tilespmem:s0], [sflag:$0x1] =	stream.linear.gather [hbm4b:s16+s2], $0x4, $0x38;
	[tilespmem:$0x10000] =	vst v63  }
0x22f: {  	s16 =	smov.u32 s3;
	s0 =	smov.u32 s12;
	p1 =	sne.s32 s3, $0x1FF  }
.Ltmp64:
0x230: {  	s3 =	sadd.s32 $0x1, s3;
	(pc) =	sbr.rel @p1 .LBB2_131-.Ltmp64, $2  }
0x231: {  	_ =	sdelay $0x2  }
0x232: {  	s12 =	sadd.s32 $0x10, s12;
	s16 =	sadd.s32 s16, s30  }
0x233: {  	[tilespmem:s0], [sflag:$0x1] =	stream.linear.gather [hbm4b:s16+s2], $0x4, $0x38;
	[tilespmem:$0x10000] =	vst v63  }
0x234: {  	s0 =	sadd.s32 $0x201, s30;
	s3 =	simm.s32 $0x2008  }
0x235: {  	s12 =	simm.s32 $0x1;
	s16 =	simm.s32 $0x2018;
	s21 =	sadd.s32 $0x0, s0  }
.LBB2_133:
0x236: {  	[tilespmem:s3], [sflag:$0x1] =	stream.linear.gather [hbm4b:s21+s2], $0x4, $0x38;
	[tilespmem:$0x10000] =	vst v63  }
0x237: {  	s21 =	smov.u32 s12;
	s3 =	smov.u32 s16;
	p1 =	sne.s32 s12, $0x1FF  }
.Ltmp65:
0x238: {  	s12 =	sadd.s32 $0x1, s12;
	(pc) =	sbr.rel @p1 .LBB2_133-.Ltmp65, $2  }
0x239: {  	_ =	sdelay $0x2  }
0x23a: {  	s16 =	sadd.s32 $0x10, s16;
	s21 =	sadd.s32 s21, s0  }
0x23b: {  	[tilespmem:s3], [sflag:$0x1] =	stream.linear.gather [hbm4b:s21+s2], $0x4, $0x38;
	[tilespmem:$0x10000] =	vst v63  }
0x23c: {  	s0 =	sadd.s32 $0x402, s30;
	s3 =	simm.s32 $0x4008  }
0x23d: {  	s12 =	simm.s32 $0x1;
	s16 =	simm.s32 $0x4018;
	s21 =	sadd.s32 $0x0, s0  }
.LBB2_135:
0x23e: {  	[tilespmem:s3], [sflag:$0x1] =	stream.linear.gather [hbm4b:s21+s2], $0x4, $0x38;
	[tilespmem:$0x10000] =	vst v63  }
0x23f: {  	s21 =	smov.u32 s12;
	s3 =	smov.u32 s16;
	p1 =	sne.s32 s12, $0x1FF  }
.Ltmp66:
0x240: {  	s12 =	sadd.s32 $0x1, s12;
	(pc) =	sbr.rel @p1 .LBB2_135-.Ltmp66, $2  }
0x241: {  	_ =	sdelay $0x2  }
0x242: {  	s16 =	sadd.s32 $0x10, s16;
	s21 =	sadd.s32 s21, s0  }
0x243: {  	[tilespmem:s3], [sflag:$0x1] =	stream.linear.gather [hbm4b:s21+s2], $0x4, $0x38;
	[tilespmem:$0x10000] =	vst v63  }
0x244: {  	s0 =	sadd.s32 $0x603, s30;
	s3 =	simm.s32 $0x6008  }
0x245: {  	s12 =	simm.s32 $0x1;
	s16 =	simm.s32 $0x6018;
	s21 =	sadd.s32 $0x0, s0  }
.LBB2_137:
0x246: {  	[tilespmem:s3], [sflag:$0x1] =	stream.linear.gather [hbm4b:s21+s2], $0x4, $0x38;
	[tilespmem:$0x10000] =	vst v63  }
0x247: {  	s21 =	smov.u32 s12;
	s3 =	smov.u32 s16;
	p1 =	sne.s32 s12, $0x1FF  }
.Ltmp67:
0x248: {  	s12 =	sadd.s32 $0x1, s12;
	(pc) =	sbr.rel @p1 .LBB2_137-.Ltmp67, $2  }
0x249: {  	_ =	sdelay $0x2  }
0x24a: {  	s16 =	sadd.s32 $0x10, s16;
	s21 =	sadd.s32 s21, s0  }
0x24b: {  	[tilespmem:s3], [sflag:$0x1] =	stream.linear.gather [hbm4b:s21+s2], $0x4, $0x38;
	[tilespmem:$0x10000] =	vst v63  }
0x24c: {  	s0 =	sadd.s32 $0x804, s30;
	s3 =	simm.s32 $0x8008  }
0x24d: {  	s12 =	simm.s32 $0x1;
	s16 =	simm.s32 $0x8018;
	s21 =	sadd.s32 $0x0, s0  }
.LBB2_139:
0x24e: {  	[tilespmem:s3], [sflag:$0x1] =	stream.linear.gather [hbm4b:s21+s2], $0x4, $0x38;
	[tilespmem:$0x10000] =	vst v63  }
0x24f: {  	s21 =	smov.u32 s12;
	s3 =	smov.u32 s16;
	p1 =	sne.s32 s12, $0x1FF  }
.Ltmp68:
0x250: {  	s12 =	sadd.s32 $0x1, s12;
	(pc) =	sbr.rel @p1 .LBB2_139-.Ltmp68, $2  }
0x251: {  	_ =	sdelay $0x2  }
0x252: {  	s16 =	sadd.s32 $0x10, s16;
	s21 =	sadd.s32 s21, s0  }
0x253: {  	[tilespmem:s3], [sflag:$0x1] =	stream.linear.gather [hbm4b:s21+s2], $0x4, $0x38;
	[tilespmem:$0x10000] =	vst v63  }
0x254: {  	s0 =	sadd.s32 $0xA05, s30;
	s3 =	simm.s32 $0xA008  }
0x255: {  	s12 =	simm.s32 $0x1;
	s16 =	simm.s32 $0xA018;
	s21 =	sadd.s32 $0x0, s0  }
.LBB2_141:
0x256: {  	[tilespmem:s3], [sflag:$0x1] =	stream.linear.gather [hbm4b:s21+s2], $0x4, $0x38;
	[tilespmem:$0x10000] =	vst v63  }
0x257: {  	s21 =	smov.u32 s12;
	s3 =	smov.u32 s16;
	p1 =	sne.s32 s12, $0x1FF  }
.Ltmp69:
0x258: {  	s12 =	sadd.s32 $0x1, s12;
	(pc) =	sbr.rel @p1 .LBB2_141-.Ltmp69, $2  }
0x259: {  	_ =	sdelay $0x2  }
0x25a: {  	s16 =	sadd.s32 $0x10, s16;
	s21 =	sadd.s32 s21, s0  }
0x25b: {  	[tilespmem:s3], [sflag:$0x1] =	stream.linear.gather [hbm4b:s21+s2], $0x4, $0x38;
	[tilespmem:$0x10000] =	vst v63  }
0x25c: {  	s0 =	sadd.s32 $0xC06, s30;
	s3 =	simm.s32 $0xC008  }
0x25d: {  	s12 =	simm.s32 $0x1;
	s16 =	simm.s32 $0xC018;
	s21 =	sadd.s32 $0x0, s0  }
.LBB2_143:
0x25e: {  	[tilespmem:s3], [sflag:$0x1] =	stream.linear.gather [hbm4b:s21+s2], $0x4, $0x38;
	[tilespmem:$0x10000] =	vst v63  }
0x25f: {  	s21 =	smov.u32 s12;
	s3 =	smov.u32 s16;
	p1 =	sne.s32 s12, $0x1FF  }
.Ltmp70:
0x260: {  	s12 =	sadd.s32 $0x1, s12;
	(pc) =	sbr.rel @p1 .LBB2_143-.Ltmp70, $2  }
0x261: {  	_ =	sdelay $0x2  }
0x262: {  	s16 =	sadd.s32 $0x10, s16;
	s21 =	sadd.s32 s21, s0  }
0x263: {  	[tilespmem:s3], [sflag:$0x1] =	stream.linear.gather [hbm4b:s21+s2], $0x4, $0x38;
	[tilespmem:$0x10000] =	vst v63  }
0x264: {  	s0 =	sadd.s32 $0xE07, s30;
	s3 =	simm.s32 $0xE008  }
0x265: {  	s12 =	simm.s32 $0x1;
	s16 =	simm.s32 $0xE018;
	s21 =	sadd.s32 $0x0, s0  }
.LBB2_145:
0x266: {  	[tilespmem:s3], [sflag:$0x1] =	stream.linear.gather [hbm4b:s21+s2], $0x4, $0x38;
	[tilespmem:$0x10000] =	vst v63  }
0x267: {  	s21 =	smov.u32 s12;
	s3 =	smov.u32 s16;
	p1 =	sne.s32 s12, $0x1FF  }
.Ltmp71:
0x268: {  	s12 =	sadd.s32 $0x1, s12;
	(pc) =	sbr.rel @p1 .LBB2_145-.Ltmp71, $2  }
0x269: {  	_ =	sdelay $0x2  }
0x26a: {  	s16 =	sadd.s32 $0x10, s16;
	s21 =	sadd.s32 s21, s0  }
0x26b: {  	[tilespmem:s3], [sflag:$0x1] =	stream.linear.gather [hbm4b:s21+s2], $0x4, $0x38;
	[tilespmem:$0x10000] =	vst v63  }
0x26c: {  	s29 =	sadd.s32 $0x202, s29;
	_ =	swait.ge [sflag:s25], $0x4000  }
0x26d: {  	s0 =	simm.s32 $0xC;
	s3 =	simm.s32 $0x1;
	[sflag:s25] =	ssyncset.done $0x0  }
0x26e: {  	s12 =	simm.s32 $0x1C;
	s16 =	sadd.s32 $0x0, s29;
	[sflag:s25] =	ssyncadd.s32 $0xFFFFC000  }
.LBB2_147:
0x26f: {  	[tilespmem:s0], [sflag:$0x1] =	stream.linear.gather [hbm4b:s16+s2], $0x4, $0x38;
	[tilespmem:$0x10000] =	vst v63  }
0x270: {  	s16 =	smov.u32 s3;
	s0 =	smov.u32 s12;
	p1 =	sne.s32 s3, $0x1FF  }
.Ltmp72:
0x271: {  	s3 =	sadd.s32 $0x1, s3;
	(pc) =	sbr.rel @p1 .LBB2_147-.Ltmp72, $2  }
0x272: {  	_ =	sdelay $0x2  }
0x273: {  	s12 =	sadd.s32 $0x10, s12;
	s16 =	sadd.s32 s16, s29  }
0x274: {  	[tilespmem:s0], [sflag:$0x1] =	stream.linear.gather [hbm4b:s16+s2], $0x4, $0x38;
	[tilespmem:$0x10000] =	vst v63  }
0x275: {  	s0 =	sadd.s32 $0x201, s29;
	s3 =	simm.s32 $0x200C  }
0x276: {  	s12 =	simm.s32 $0x1;
	s16 =	simm.s32 $0x201C;
	s21 =	sadd.s32 $0x0, s0  }
.LBB2_149:
0x277: {  	[tilespmem:s3], [sflag:$0x1] =	stream.linear.gather [hbm4b:s21+s2], $0x4, $0x38;
	[tilespmem:$0x10000] =	vst v63  }
0x278: {  	s21 =	smov.u32 s12;
	s3 =	smov.u32 s16;
	p1 =	sne.s32 s12, $0x1FF  }
.Ltmp73:
0x279: {  	s12 =	sadd.s32 $0x1, s12;
	(pc) =	sbr.rel @p1 .LBB2_149-.Ltmp73, $2  }
0x27a: {  	_ =	sdelay $0x2  }
0x27b: {  	s16 =	sadd.s32 $0x10, s16;
	s21 =	sadd.s32 s21, s0  }
0x27c: {  	[tilespmem:s3], [sflag:$0x1] =	stream.linear.gather [hbm4b:s21+s2], $0x4, $0x38;
	[tilespmem:$0x10000] =	vst v63  }
0x27d: {  	s0 =	sadd.s32 $0x402, s29;
	s3 =	simm.s32 $0x400C  }
0x27e: {  	s12 =	simm.s32 $0x1;
	s16 =	simm.s32 $0x401C;
	s21 =	sadd.s32 $0x0, s0  }
.LBB2_151:
0x27f: {  	[tilespmem:s3], [sflag:$0x1] =	stream.linear.gather [hbm4b:s21+s2], $0x4, $0x38;
	[tilespmem:$0x10000] =	vst v63  }
0x280: {  	s21 =	smov.u32 s12;
	s3 =	smov.u32 s16;
	p1 =	sne.s32 s12, $0x1FF  }
.Ltmp74:
0x281: {  	s12 =	sadd.s32 $0x1, s12;
	(pc) =	sbr.rel @p1 .LBB2_151-.Ltmp74, $2  }
0x282: {  	_ =	sdelay $0x2  }
0x283: {  	s16 =	sadd.s32 $0x10, s16;
	s21 =	sadd.s32 s21, s0  }
0x284: {  	[tilespmem:s3], [sflag:$0x1] =	stream.linear.gather [hbm4b:s21+s2], $0x4, $0x38;
	[tilespmem:$0x10000] =	vst v63  }
0x285: {  	s0 =	sadd.s32 $0x603, s29;
	s3 =	simm.s32 $0x600C  }
0x286: {  	s12 =	simm.s32 $0x1;
	s16 =	simm.s32 $0x601C;
	s21 =	sadd.s32 $0x0, s0  }
.LBB2_153:
0x287: {  	[tilespmem:s3], [sflag:$0x1] =	stream.linear.gather [hbm4b:s21+s2], $0x4, $0x38;
	[tilespmem:$0x10000] =	vst v63  }
0x288: {  	s21 =	smov.u32 s12;
	s3 =	smov.u32 s16;
	p1 =	sne.s32 s12, $0x1FF  }
.Ltmp75:
0x289: {  	s12 =	sadd.s32 $0x1, s12;
	(pc) =	sbr.rel @p1 .LBB2_153-.Ltmp75, $2  }
0x28a: {  	_ =	sdelay $0x2  }
0x28b: {  	s16 =	sadd.s32 $0x10, s16;
	s21 =	sadd.s32 s21, s0  }
0x28c: {  	[tilespmem:s3], [sflag:$0x1] =	stream.linear.gather [hbm4b:s21+s2], $0x4, $0x38;
	[tilespmem:$0x10000] =	vst v63  }
0x28d: {  	s0 =	sadd.s32 $0x804, s29;
	s3 =	simm.s32 $0x800C  }
0x28e: {  	s12 =	simm.s32 $0x1;
	s16 =	simm.s32 $0x801C;
	s21 =	sadd.s32 $0x0, s0  }
.LBB2_155:
0x28f: {  	[tilespmem:s3], [sflag:$0x1] =	stream.linear.gather [hbm4b:s21+s2], $0x4, $0x38;
	[tilespmem:$0x10000] =	vst v63  }
0x290: {  	s21 =	smov.u32 s12;
	s3 =	smov.u32 s16;
	p1 =	sne.s32 s12, $0x1FF  }
.Ltmp76:
0x291: {  	s12 =	sadd.s32 $0x1, s12;
	(pc) =	sbr.rel @p1 .LBB2_155-.Ltmp76, $2  }
0x292: {  	_ =	sdelay $0x2  }
0x293: {  	s16 =	sadd.s32 $0x10, s16;
	s21 =	sadd.s32 s21, s0  }
0x294: {  	[tilespmem:s3], [sflag:$0x1] =	stream.linear.gather [hbm4b:s21+s2], $0x4, $0x38;
	[tilespmem:$0x10000] =	vst v63  }
0x295: {  	s0 =	sadd.s32 $0xA05, s29;
	s3 =	simm.s32 $0xA00C  }
0x296: {  	s12 =	simm.s32 $0x1;
	s16 =	simm.s32 $0xA01C;
	s21 =	sadd.s32 $0x0, s0  }
.LBB2_157:
0x297: {  	[tilespmem:s3], [sflag:$0x1] =	stream.linear.gather [hbm4b:s21+s2], $0x4, $0x38;
	[tilespmem:$0x10000] =	vst v63  }
0x298: {  	s21 =	smov.u32 s12;
	s3 =	smov.u32 s16;
	p1 =	sne.s32 s12, $0x1FF  }
.Ltmp77:
0x299: {  	s12 =	sadd.s32 $0x1, s12;
	(pc) =	sbr.rel @p1 .LBB2_157-.Ltmp77, $2  }
0x29a: {  	_ =	sdelay $0x2  }
0x29b: {  	s16 =	sadd.s32 $0x10, s16;
	s21 =	sadd.s32 s21, s0  }
0x29c: {  	[tilespmem:s3], [sflag:$0x1] =	stream.linear.gather [hbm4b:s21+s2], $0x4, $0x38;
	[tilespmem:$0x10000] =	vst v63  }
0x29d: {  	s0 =	sadd.s32 $0xC06, s29;
	s3 =	simm.s32 $0xC00C  }
0x29e: {  	s12 =	simm.s32 $0x1;
	s16 =	simm.s32 $0xC01C;
	s21 =	sadd.s32 $0x0, s0  }
.LBB2_159:
0x29f: {  	[tilespmem:s3], [sflag:$0x1] =	stream.linear.gather [hbm4b:s21+s2], $0x4, $0x38;
	[tilespmem:$0x10000] =	vst v63  }
0x2a0: {  	s21 =	smov.u32 s12;
	s3 =	smov.u32 s16;
	p1 =	sne.s32 s12, $0x1FF  }
.Ltmp78:
0x2a1: {  	s12 =	sadd.s32 $0x1, s12;
	(pc) =	sbr.rel @p1 .LBB2_159-.Ltmp78, $2  }
0x2a2: {  	_ =	sdelay $0x2  }
0x2a3: {  	s16 =	sadd.s32 $0x10, s16;
	s21 =	sadd.s32 s21, s0  }
0x2a4: {  	[tilespmem:s3], [sflag:$0x1] =	stream.linear.gather [hbm4b:s21+s2], $0x4, $0x38;
	[tilespmem:$0x10000] =	vst v63  }
0x2a5: {  	s0 =	sadd.s32 $0xE07, s29;
	s3 =	simm.s32 $0xE00C  }
0x2a6: {  	s12 =	simm.s32 $0x1;
	s16 =	simm.s32 $0xE01C;
	s21 =	sadd.s32 $0x0, s0  }
.LBB2_161:
0x2a7: {  	[tilespmem:s3], [sflag:$0x1] =	stream.linear.gather [hbm4b:s21+s2], $0x4, $0x38;
	[tilespmem:$0x10000] =	vst v63  }
0x2a8: {  	s21 =	smov.u32 s12;
	s3 =	smov.u32 s16;
	p1 =	sne.s32 s12, $0x1FF  }
.Ltmp79:
0x2a9: {  	s12 =	sadd.s32 $0x1, s12;
	(pc) =	sbr.rel @p1 .LBB2_161-.Ltmp79, $2  }
0x2aa: {  	_ =	sdelay $0x2  }
0x2ab: {  	s16 =	sadd.s32 $0x10, s16;
	s21 =	sadd.s32 s21, s0  }
0x2ac: {  	[tilespmem:s3], [sflag:$0x1] =	stream.linear.gather [hbm4b:s21+s2], $0x4, $0x38;
	[tilespmem:$0x10000] =	vst v63  }
0x2ad: {  	_ =	swait.ge [sflag:s25], $0x4000  }
0x2ae: {  	s0 =	sshll.u32 s28, $0xA;
	s28 =	simm.s32 $0x0;
	[sflag:s25] =	ssyncset.done $0x0  }
.Ltmp80:
0x2af: {  	s0 =	sadd.s32 s1, s0;
	[sflag:s25] =	ssyncadd.s32 $0xFFFFC000;
	(pc) =	sbr.rel @p0 .LBB2_98-.Ltmp80, $4  }
0x2b0: {  	[hbm4b:s0+s28] =	stream.linear.scatter [tilespmem:s28], [sflag:$0x1], $0x10000, $0x38;
	[tilespmem:$0x10000] =	vst v63  }
0x2b1: {  	_ =	swait.ge [sflag:s25], $0x10000  }
0x2b2: {  	[sflag:s25] =	ssyncset.done $0x0  }
0x2b3: {  	p1 =	por $0x0, $0x0;
	s0 =	simm.s32 $0x8;
	[sflag:s25] =	ssyncadd.s32 $0xFFFF0000  }
.LBB2_163:
0x2b4: {  	s0 =	sshll.u32 s28, $0x2  }
0x2b5: {  	s29 =	sadd.s32 s19, s0  }
0x2b6: {  	s31 =	smul.u32 $0x2008, s29;
	_ =	sdelay $0x1  }
0x2b7: {  	s0 =	sshrl.u32 s31, $0x3  }
0x2b8: {  	s3 =	simm.s32 $0x1;
	s30 =	sadd.s32 s5, s0  }
0x2b9: {  	s12 =	simm.s32 $0x10;
	s16 =	simm.s32 $0x0;
	s21 =	sadd.s32 $0x0, s30  }
.LBB2_164:
0x2ba: {  	[tilespmem:s16], [sflag:$0x1] =	stream.linear.gather [hbm4b:s21+s2], $0x4, $0x38;
	[tilespmem:$0x10000] =	vst v63  }
0x2bb: {  	s21 =	smov.u32 s3;
	s16 =	smov.u32 s12;
	p0 =	sne.s32 s3, $0x3FF  }
.Ltmp81:
0x2bc: {  	s3 =	sadd.s32 $0x1, s3;
	(pc) =	sbr.rel @p0 .LBB2_164-.Ltmp81, $2  }
0x2bd: {  	_ =	sdelay $0x2  }
0x2be: {  	s12 =	sadd.s32 $0x10, s12;
	s21 =	sadd.s32 s21, s30  }
0x2bf: {  	[tilespmem:s16], [sflag:$0x1] =	stream.linear.gather [hbm4b:s21+s2], $0x4, $0x38;
	[tilespmem:$0x10000] =	vst v63  }
0x2c0: {  	s3 =	sadd.s32 $0x401, s30;
	s12 =	simm.s32 $0x4000  }
0x2c1: {  	s16 =	simm.s32 $0x1;
	s21 =	simm.s32 $0x4010;
	s26 =	sadd.s32 $0x0, s3  }
.LBB2_166:
0x2c2: {  	[tilespmem:s12], [sflag:$0x1] =	stream.linear.gather [hbm4b:s26+s2], $0x4, $0x38;
	[tilespmem:$0x10000] =	vst v63  }
0x2c3: {  	s26 =	smov.u32 s16;
	s12 =	smov.u32 s21;
	p0 =	sne.s32 s16, $0x3FF  }
.Ltmp82:
0x2c4: {  	s16 =	sadd.s32 $0x1, s16;
	(pc) =	sbr.rel @p0 .LBB2_166-.Ltmp82, $2  }
0x2c5: {  	_ =	sdelay $0x2  }
0x2c6: {  	s21 =	sadd.s32 $0x10, s21;
	s26 =	sadd.s32 s26, s3  }
0x2c7: {  	[tilespmem:s12], [sflag:$0x1] =	stream.linear.gather [hbm4b:s26+s2], $0x4, $0x38;
	[tilespmem:$0x10000] =	vst v63  }
0x2c8: {  	s3 =	sadd.s32 $0x802, s30;
	s12 =	simm.s32 $0x8000  }
0x2c9: {  	s16 =	simm.s32 $0x1;
	s21 =	simm.s32 $0x8010;
	s26 =	sadd.s32 $0x0, s3  }
.LBB2_168:
0x2ca: {  	[tilespmem:s12], [sflag:$0x1] =	stream.linear.gather [hbm4b:s26+s2], $0x4, $0x38;
	[tilespmem:$0x10000] =	vst v63  }
0x2cb: {  	s26 =	smov.u32 s16;
	s12 =	smov.u32 s21;
	p0 =	sne.s32 s16, $0x3FF  }
.Ltmp83:
0x2cc: {  	s16 =	sadd.s32 $0x1, s16;
	(pc) =	sbr.rel @p0 .LBB2_168-.Ltmp83, $2  }
0x2cd: {  	_ =	sdelay $0x2  }
0x2ce: {  	s21 =	sadd.s32 $0x10, s21;
	s26 =	sadd.s32 s26, s3  }
0x2cf: {  	[tilespmem:s12], [sflag:$0x1] =	stream.linear.gather [hbm4b:s26+s2], $0x4, $0x38;
	[tilespmem:$0x10000] =	vst v63  }
0x2d0: {  	s3 =	sadd.s32 $0xC03, s30;
	s12 =	simm.s32 $0xC000  }
0x2d1: {  	s16 =	simm.s32 $0x1;
	s21 =	simm.s32 $0xC010;
	s26 =	sadd.s32 $0x0, s3  }
.LBB2_170:
0x2d2: {  	[tilespmem:s12], [sflag:$0x1] =	stream.linear.gather [hbm4b:s26+s2], $0x4, $0x38;
	[tilespmem:$0x10000] =	vst v63  }
0x2d3: {  	s26 =	smov.u32 s16;
	s12 =	smov.u32 s21;
	p0 =	sne.s32 s16, $0x3FF  }
.Ltmp84:
0x2d4: {  	s16 =	sadd.s32 $0x1, s16;
	(pc) =	sbr.rel @p0 .LBB2_170-.Ltmp84, $2  }
0x2d5: {  	_ =	sdelay $0x2  }
0x2d6: {  	s21 =	sadd.s32 $0x10, s21;
	s26 =	sadd.s32 s26, s3  }
0x2d7: {  	[tilespmem:s12], [sflag:$0x1] =	stream.linear.gather [hbm4b:s26+s2], $0x4, $0x38;
	[tilespmem:$0x10000] =	vst v63  }
0x2d8: {  	s0 =	sadd.s32 s0, s20;
	_ =	swait.ge [sflag:s25], $0x4000  }
0x2d9: {  	s3 =	simm.s32 $0x4;
	s12 =	simm.s32 $0x1;
	[sflag:s25] =	ssyncset.done $0x0  }
0x2da: {  	s16 =	simm.s32 $0x14;
	s21 =	sadd.s32 $0x0, s0;
	[sflag:s25] =	ssyncadd.s32 $0xFFFFC000  }
.LBB2_172:
0x2db: {  	[tilespmem:s3], [sflag:$0x1] =	stream.linear.gather [hbm4b:s21+s2], $0x4, $0x38;
	[tilespmem:$0x10000] =	vst v63  }
0x2dc: {  	s21 =	smov.u32 s12;
	s3 =	smov.u32 s16;
	p0 =	sne.s32 s12, $0x3FF  }
.Ltmp85:
0x2dd: {  	s12 =	sadd.s32 $0x1, s12;
	(pc) =	sbr.rel @p0 .LBB2_172-.Ltmp85, $2  }
0x2de: {  	_ =	sdelay $0x2  }
0x2df: {  	s16 =	sadd.s32 $0x10, s16;
	s21 =	sadd.s32 s21, s0  }
0x2e0: {  	[tilespmem:s3], [sflag:$0x1] =	stream.linear.gather [hbm4b:s21+s2], $0x4, $0x38;
	[tilespmem:$0x10000] =	vst v63  }
0x2e1: {  	s3 =	sadd.s32 $0x401, s0;
	s12 =	simm.s32 $0x4004  }
0x2e2: {  	s16 =	simm.s32 $0x1;
	s21 =	simm.s32 $0x4014;
	s26 =	sadd.s32 $0x0, s3  }
.LBB2_174:
0x2e3: {  	[tilespmem:s12], [sflag:$0x1] =	stream.linear.gather [hbm4b:s26+s2], $0x4, $0x38;
	[tilespmem:$0x10000] =	vst v63  }
0x2e4: {  	s26 =	smov.u32 s16;
	s12 =	smov.u32 s21;
	p0 =	sne.s32 s16, $0x3FF  }
.Ltmp86:
0x2e5: {  	s16 =	sadd.s32 $0x1, s16;
	(pc) =	sbr.rel @p0 .LBB2_174-.Ltmp86, $2  }
0x2e6: {  	_ =	sdelay $0x2  }
0x2e7: {  	s21 =	sadd.s32 $0x10, s21;
	s26 =	sadd.s32 s26, s3  }
0x2e8: {  	[tilespmem:s12], [sflag:$0x1] =	stream.linear.gather [hbm4b:s26+s2], $0x4, $0x38;
	[tilespmem:$0x10000] =	vst v63  }
0x2e9: {  	s3 =	sadd.s32 $0x802, s0;
	s12 =	simm.s32 $0x8004  }
0x2ea: {  	s16 =	simm.s32 $0x1;
	s21 =	simm.s32 $0x8014;
	s26 =	sadd.s32 $0x0, s3  }
.LBB2_176:
0x2eb: {  	[tilespmem:s12], [sflag:$0x1] =	stream.linear.gather [hbm4b:s26+s2], $0x4, $0x38;
	[tilespmem:$0x10000] =	vst v63  }
0x2ec: {  	s26 =	smov.u32 s16;
	s12 =	smov.u32 s21;
	p0 =	sne.s32 s16, $0x3FF  }
.Ltmp87:
0x2ed: {  	s16 =	sadd.s32 $0x1, s16;
	(pc) =	sbr.rel @p0 .LBB2_176-.Ltmp87, $2  }
0x2ee: {  	_ =	sdelay $0x2  }
0x2ef: {  	s21 =	sadd.s32 $0x10, s21;
	s26 =	sadd.s32 s26, s3  }
0x2f0: {  	[tilespmem:s12], [sflag:$0x1] =	stream.linear.gather [hbm4b:s26+s2], $0x4, $0x38;
	[tilespmem:$0x10000] =	vst v63  }
0x2f1: {  	s0 =	sadd.s32 $0xC03, s0;
	s3 =	simm.s32 $0xC004  }
0x2f2: {  	s12 =	simm.s32 $0x1;
	s16 =	simm.s32 $0xC014;
	s21 =	sadd.s32 $0x0, s0  }
.LBB2_178:
0x2f3: {  	[tilespmem:s3], [sflag:$0x1] =	stream.linear.gather [hbm4b:s21+s2], $0x4, $0x38;
	[tilespmem:$0x10000] =	vst v63  }
0x2f4: {  	s21 =	smov.u32 s12;
	s3 =	smov.u32 s16;
	p0 =	sne.s32 s12, $0x3FF  }
.Ltmp88:
0x2f5: {  	s12 =	sadd.s32 $0x1, s12;
	(pc) =	sbr.rel @p0 .LBB2_178-.Ltmp88, $2  }
0x2f6: {  	_ =	sdelay $0x2  }
0x2f7: {  	s16 =	sadd.s32 $0x10, s16;
	s21 =	sadd.s32 s21, s0  }
0x2f8: {  	[tilespmem:s3], [sflag:$0x1] =	stream.linear.gather [hbm4b:s21+s2], $0x4, $0x38;
	[tilespmem:$0x10000] =	vst v63  }
0x2f9: {  	s0 =	sadd.s32 $0x2008, s31  }
0x2fa: {  	s3 =	simm.s32 $0x8;
	_ =	swait.ge [sflag:s25], $0x4000;
	s0 =	sshrl.u32 s0, $0x3  }
0x2fb: {  	s12 =	simm.s32 $0x1;
	[sflag:s25] =	ssyncset.done $0x0;
	s0 =	sadd.s32 s5, s0  }
0x2fc: {  	s16 =	simm.s32 $0x18;
	[sflag:s25] =	ssyncadd.s32 $0xFFFFC000;
	s21 =	sadd.s32 $0x0, s0  }
.LBB2_180:
0x2fd: {  	[tilespmem:s3], [sflag:$0x1] =	stream.linear.gather [hbm4b:s21+s2], $0x4, $0x38;
	[tilespmem:$0x10000] =	vst v63  }
0x2fe: {  	s21 =	smov.u32 s12;
	s3 =	smov.u32 s16;
	p0 =	sne.s32 s12, $0x3FF  }
.Ltmp89:
0x2ff: {  	s12 =	sadd.s32 $0x1, s12;
	(pc) =	sbr.rel @p0 .LBB2_180-.Ltmp89, $2  }
0x300: {  	_ =	sdelay $0x2  }
0x301: {  	s16 =	sadd.s32 $0x10, s16;
	s21 =	sadd.s32 s21, s0  }
0x302: {  	[tilespmem:s3], [sflag:$0x1] =	stream.linear.gather [hbm4b:s21+s2], $0x4, $0x38;
	[tilespmem:$0x10000] =	vst v63  }
0x303: {  	s3 =	sadd.s32 $0x401, s0;
	s12 =	simm.s32 $0x4008  }
0x304: {  	s16 =	simm.s32 $0x1;
	s21 =	simm.s32 $0x4018;
	s26 =	sadd.s32 $0x0, s3  }
.LBB2_182:
0x305: {  	[tilespmem:s12], [sflag:$0x1] =	stream.linear.gather [hbm4b:s26+s2], $0x4, $0x38;
	[tilespmem:$0x10000] =	vst v63  }
0x306: {  	s26 =	smov.u32 s16;
	s12 =	smov.u32 s21;
	p0 =	sne.s32 s16, $0x3FF  }
.Ltmp90:
0x307: {  	s16 =	sadd.s32 $0x1, s16;
	(pc) =	sbr.rel @p0 .LBB2_182-.Ltmp90, $2  }
0x308: {  	_ =	sdelay $0x2  }
0x309: {  	s21 =	sadd.s32 $0x10, s21;
	s26 =	sadd.s32 s26, s3  }
0x30a: {  	[tilespmem:s12], [sflag:$0x1] =	stream.linear.gather [hbm4b:s26+s2], $0x4, $0x38;
	[tilespmem:$0x10000] =	vst v63  }
0x30b: {  	s3 =	sadd.s32 $0x802, s0;
	s12 =	simm.s32 $0x8008  }
0x30c: {  	s16 =	simm.s32 $0x1;
	s21 =	simm.s32 $0x8018;
	s26 =	sadd.s32 $0x0, s3  }
.LBB2_184:
0x30d: {  	[tilespmem:s12], [sflag:$0x1] =	stream.linear.gather [hbm4b:s26+s2], $0x4, $0x38;
	[tilespmem:$0x10000] =	vst v63  }
0x30e: {  	s26 =	smov.u32 s16;
	s12 =	smov.u32 s21;
	p0 =	sne.s32 s16, $0x3FF  }
.Ltmp91:
0x30f: {  	s16 =	sadd.s32 $0x1, s16;
	(pc) =	sbr.rel @p0 .LBB2_184-.Ltmp91, $2  }
0x310: {  	_ =	sdelay $0x2  }
0x311: {  	s21 =	sadd.s32 $0x10, s21;
	s26 =	sadd.s32 s26, s3  }
0x312: {  	[tilespmem:s12], [sflag:$0x1] =	stream.linear.gather [hbm4b:s26+s2], $0x4, $0x38;
	[tilespmem:$0x10000] =	vst v63  }
0x313: {  	s0 =	sadd.s32 $0xC03, s0;
	s3 =	simm.s32 $0xC008  }
0x314: {  	s12 =	simm.s32 $0x1;
	s16 =	simm.s32 $0xC018;
	s21 =	sadd.s32 $0x0, s0  }
.LBB2_186:
0x315: {  	[tilespmem:s3], [sflag:$0x1] =	stream.linear.gather [hbm4b:s21+s2], $0x4, $0x38;
	[tilespmem:$0x10000] =	vst v63  }
0x316: {  	s21 =	smov.u32 s12;
	s3 =	smov.u32 s16;
	p0 =	sne.s32 s12, $0x3FF  }
.Ltmp92:
0x317: {  	s12 =	sadd.s32 $0x1, s12;
	(pc) =	sbr.rel @p0 .LBB2_186-.Ltmp92, $2  }
0x318: {  	_ =	sdelay $0x2  }
0x319: {  	s16 =	sadd.s32 $0x10, s16;
	s21 =	sadd.s32 s21, s0  }
0x31a: {  	[tilespmem:s3], [sflag:$0x1] =	stream.linear.gather [hbm4b:s21+s2], $0x4, $0x38;
	[tilespmem:$0x10000] =	vst v63  }
0x31b: {  	s0 =	sadd.s32 $0x402, s30;
	_ =	swait.ge [sflag:s25], $0x4000  }
0x31c: {  	s3 =	simm.s32 $0xC;
	s12 =	simm.s32 $0x1;
	[sflag:s25] =	ssyncset.done $0x0  }
0x31d: {  	s16 =	simm.s32 $0x1C;
	s21 =	sadd.s32 $0x0, s0;
	[sflag:s25] =	ssyncadd.s32 $0xFFFFC000  }
.LBB2_188:
0x31e: {  	[tilespmem:s3], [sflag:$0x1] =	stream.linear.gather [hbm4b:s21+s2], $0x4, $0x38;
	[tilespmem:$0x10000] =	vst v63  }
0x31f: {  	s21 =	smov.u32 s12;
	s3 =	smov.u32 s16;
	p0 =	sne.s32 s12, $0x3FF  }
.Ltmp93:
0x320: {  	s12 =	sadd.s32 $0x1, s12;
	(pc) =	sbr.rel @p0 .LBB2_188-.Ltmp93, $2  }
0x321: {  	_ =	sdelay $0x2  }
0x322: {  	s16 =	sadd.s32 $0x10, s16;
	s21 =	sadd.s32 s21, s0  }
0x323: {  	[tilespmem:s3], [sflag:$0x1] =	stream.linear.gather [hbm4b:s21+s2], $0x4, $0x38;
	[tilespmem:$0x10000] =	vst v63  }
0x324: {  	s3 =	sadd.s32 $0x401, s0;
	s12 =	simm.s32 $0x400C  }
0x325: {  	s16 =	simm.s32 $0x1;
	s21 =	simm.s32 $0x401C;
	s26 =	sadd.s32 $0x0, s3  }
.LBB2_190:
0x326: {  	[tilespmem:s12], [sflag:$0x1] =	stream.linear.gather [hbm4b:s26+s2], $0x4, $0x38;
	[tilespmem:$0x10000] =	vst v63  }
0x327: {  	s26 =	smov.u32 s16;
	s12 =	smov.u32 s21;
	p0 =	sne.s32 s16, $0x3FF  }
.Ltmp94:
0x328: {  	s16 =	sadd.s32 $0x1, s16;
	(pc) =	sbr.rel @p0 .LBB2_190-.Ltmp94, $2  }
0x329: {  	_ =	sdelay $0x2  }
0x32a: {  	s21 =	sadd.s32 $0x10, s21;
	s26 =	sadd.s32 s26, s3  }
0x32b: {  	[tilespmem:s12], [sflag:$0x1] =	stream.linear.gather [hbm4b:s26+s2], $0x4, $0x38;
	[tilespmem:$0x10000] =	vst v63  }
0x32c: {  	s3 =	sadd.s32 $0x802, s0;
	s12 =	simm.s32 $0x800C  }
0x32d: {  	s16 =	simm.s32 $0x1;
	s21 =	simm.s32 $0x801C;
	s26 =	sadd.s32 $0x0, s3  }
.LBB2_192:
0x32e: {  	[tilespmem:s12], [sflag:$0x1] =	stream.linear.gather [hbm4b:s26+s2], $0x4, $0x38;
	[tilespmem:$0x10000] =	vst v63  }
0x32f: {  	s26 =	smov.u32 s16;
	s12 =	smov.u32 s21;
	p0 =	sne.s32 s16, $0x3FF  }
.Ltmp95:
0x330: {  	s16 =	sadd.s32 $0x1, s16;
	(pc) =	sbr.rel @p0 .LBB2_192-.Ltmp95, $2  }
0x331: {  	_ =	sdelay $0x2  }
0x332: {  	s21 =	sadd.s32 $0x10, s21;
	s26 =	sadd.s32 s26, s3  }
0x333: {  	[tilespmem:s12], [sflag:$0x1] =	stream.linear.gather [hbm4b:s26+s2], $0x4, $0x38;
	[tilespmem:$0x10000] =	vst v63  }
0x334: {  	s0 =	sadd.s32 $0xC03, s0;
	s3 =	simm.s32 $0xC00C  }
0x335: {  	s12 =	simm.s32 $0x1;
	s16 =	simm.s32 $0xC01C;
	s21 =	sadd.s32 $0x0, s0  }
.LBB2_194:
0x336: {  	[tilespmem:s3], [sflag:$0x1] =	stream.linear.gather [hbm4b:s21+s2], $0x4, $0x38;
	[tilespmem:$0x10000] =	vst v63  }
0x337: {  	s21 =	smov.u32 s12;
	s3 =	smov.u32 s16;
	p0 =	sne.s32 s12, $0x3FF  }
.Ltmp96:
0x338: {  	s12 =	sadd.s32 $0x1, s12;
	(pc) =	sbr.rel @p0 .LBB2_194-.Ltmp96, $2  }
0x339: {  	_ =	sdelay $0x2  }
0x33a: {  	s16 =	sadd.s32 $0x10, s16;
	s21 =	sadd.s32 s21, s0  }
0x33b: {  	[tilespmem:s3], [sflag:$0x1] =	stream.linear.gather [hbm4b:s21+s2], $0x4, $0x38;
	[tilespmem:$0x10000] =	vst v63  }
0x33c: {  	s28 =	sadd.s32 $0x1, s28;
	_ =	swait.ge [sflag:s25], $0x4000  }
0x33d: {  	s0 =	sshll.u32 s29, $0xB;
	p0 =	sne.s32 s28, $0x8;
	[sflag:s25] =	ssyncset.done $0x0  }
.Ltmp97:
0x33e: {  	s0 =	sadd.s32 s6, s0;
	[sflag:s25] =	ssyncadd.s32 $0xFFFFC000;
	(pc) =	sbr.rel @p0 .LBB2_163-.Ltmp97, $4  }
0x33f: {  	[hbm4b:s0+s2] =	stream.linear.scatter [tilespmem:s2], [sflag:$0x1], $0x10000, $0x38;
	[tilespmem:$0x10000] =	vst v63  }
0x340: {  	_ =	swait.ge [sflag:s25], $0x10000  }
0x341: {  	[sflag:s25] =	ssyncset.done $0x0  }
0x342: {  	[sflag:s25] =	ssyncadd.s32 $0xFFFF0000  }
0x343: {  	s3 =	rddreg [dreg:$0x6]  }
0x344: {  	s0 =	rddreg [dreg:$0x5];
	s3 =	sadd.s32 $0x1, s3  }
0x345: {  	p0 =	sne.s32 s3, s0  }
.Ltmp98:
0x346: {  	_ = 	snop;
	(pc) =	sbr.rel @p0 .LBB2_1-.Ltmp98, $1  }
0x347: {  	_ =	sdelay $0x3  }
0x348: {  	_ =	sfence.sel $0x180000  }
0x349: {  	[bflag:$0x0] =	sbarrier.arrive $0xFFFF  }
0x34a: {  	_ =	strace $0x90000047  }
0x34b: {  	s0 =	stileid.u32;
	[bflag:$0x2] =	sbarrier.arrive $0xFFFF  }
0x34c: {  	p0 =	sne.s32 s0, $0x0;
	s0 =	rddreg [dreg:$0x2]  }
0x34d: {  	s0 =	sadd.s32 @!p0 $0x100000, s0  }
0x34e: {  	[sflag:s0] =	ssyncadd.tile.s32 @!p0 $0x1;
	_ =	shalt  }
.Lfunc_end2:
_tile_overlayer_lowered:
.L_overlay_start_2:
0x34f: {  	(tag) =	ssettag $0x2  }
0x350: {  	s0 =	rddreg [dreg:$0x0];
	s2 =	stileid.u32  }
0x351: {  	s1 =	rddreg [dreg:$0x1];
	p0 =	sne.s32 s2, $0x0  }
0x352: {  	s3 =	rddreg [dreg:$0x2];
	[bflag:$0x3] =	sbarrier.arrive $0xFFFF;
	s2 =	simm.s32 @!p0 $0x1C01  }
0x353: {  	[timem:s3], [sflag:s2] =	dma.local @!p0 [hbm:s0], s1  }
0x354: {  	s0 =	simm.s32 @!p0 $0x1  }
0x355: {  	_ =	swait.ge @!p0 [sflag:s0], s1  }
0x356: {  	s1 =	ssub.s32 @!p0 $0x0, s1;
	[sflag:s0] =	ssyncset.done @!p0 $0x0  }
0x357: {  	[sflag:s0] =	ssyncadd.s32 @!p0 s1  }
0x358: {  	[bflag:$0x3] =	sbarrier.arrive $0xFFFF  }
0x359: {  	_ =	shalt  }

// kernel: kernel.7.cloned.1.call-start
scs
__scs_entry_jumppad:
0x0: {  	(pc) =	sbr.rel $0x88, $3  }
0x1: {  	(tag) =	ssettag $0x0;
	lr =	simm.s32 $0x1  }
0x2: {  	[smem:$0x3F9C] =	sst lr;
	_ =	strace $0xD0000000  }
0x3: {  	_ = 	snop  }
0x4: {  	_ = 	snop  }
0x5: {  	_ = 	snop  }
0x6: {  	_ = 	snop  }
0x7: {  	_ = 	snop  }
__scs_overlays_trampoline_lowered:
0x8: {  	[smem:$0x3FAB] =	sst s0  }
0x9: {  	[smem:$0x3FAC] =	sst s1  }
0xa: {  	[smem:$0x3FAD] =	sst s2  }
0xb: {  	[smem:$0x3FAE] =	sst s3  }
0xc: {  	[smem:$0x3FAF] =	sst s4  }
0xd: {  	[smem:$0x3FB0] =	sst s5  }
0xe: {  	[smem:$0x3FB1] =	sst s6  }
0xf: {  	[smem:$0x3FB2] =	sst s7  }
0x10: {  	[smem:$0x3FB3] =	sst s8  }
0x11: {  	[smem:$0x3FB4] =	sst s9;
	s0 =	simm.s32 @!p0 $0x0  }
0x12: {  	s1 =	sld [smem:$0x3F9A];
	s0 =	simm.s32 @p0 $0x1  }
0x13: {  	[smem:$0x3FB5] =	sst s0;
	s0 =	simm.s32 @!p1 $0x0  }
0x14: {  	s2 =	sld [smem:$0x3F99];
	s0 =	simm.s32 @p1 $0x1  }
0x15: {  	[smem:$0x3FB6] =	sst s0;
	s0 =	simm.s32 @!p2 $0x0  }
0x16: {  	s3 =	sld [smem:$0x3FDB];
	s0 =	simm.s32 @p2 $0x1  }
0x17: {  	s4 =	simm.s32 $0x1BF5;
	[smem:$0x3FB8] =	sst s0  }
0x18: {  	s0 =	sld [smem:$0x3F9B];
	_ =	swait.ge [sflag:s4], $0x0  }
0x19: {  	s7 =	sld [smem:$0x3F9C]  }
0x1a: {  	s8 =	sadd.s32 $0xFFFFE003, lr  }
0x1b: {  	s9 =	sadd.s32 $0xFFFFFEF7, lr;
	s5 =	simm.s32 $0xFFFFFFFF;
	p2 =	slt.u32 s8, $0xFFFFF086  }
0x1c: {  	p1 =	slt.u32 s9, $0xF7A;
	s5 =	simm.s32 @!p2 $0x0  }
0x1d: {  	s5 =	simm.s32 @p1 $0x1;
	p0 =	seq.s32 s7, s2  }
0x1e: {  	s7 =	smul.u32 @!p0 $0xF7A, s2;
	p2 =	seq.s32 @!p0 s5, $0x0  }
0x1f: {  	s9 =	smul.u32 $0xF7A, s1;
	s8 =	simm.s32 @!p0 $0x1BF5;
	p2 =	por !p2, p0  }
0x20: {  	[sflag:s8] =	ssyncset.s32 @!p0 $0xFFFFF086;
	s6 =	sadd.s32 @!p0 s3, s7;
	s7 =	simm.s32 @!p0 $0x108  }
0x21: {  	s3 =	sadd.s32 s3, s9;
	s6 =	sadd.s32 @!p0 $0x88, s6;
	s7 =	simm.s32 @p2 $0x1082  }
0x22: {  	[simem:s7], [sflag:s8] =	dma.local @!p0 [hbm:s6], $0xF7A  }
0x23: {  	s9 =	sor.u32 $0xD0000000, s2;
	s6 =	simm.s32 $0x108;
	_ =	swait.ge @!p0 [sflag:s8], $0x0  }
0x24: {  	s3 =	sadd.s32 $0x88, s3;
	s6 =	simm.s32 @!p1 $0x1082;
	[sflag:s4] =	ssyncset.s32 $0xFFFFF086  }
0x25: {  	[simem:s6], [sflag:s4] =	dma.local [hbm:s3], $0xF7A  }
0x26: {  	[smem:$0x3F9C] =	sst s1;
	(tag) =	ssettag s2;
	_ =	strace s9  }
0x27: {  	s1 =	sld [smem:$0x3FAC]  }
0x28: {  	s2 =	sld [smem:$0x3FAD]  }
0x29: {  	s4 =	sld [smem:$0x3FAF]  }
0x2a: {  	p0 =	seq.s32 s5, $0x0;
	s5 =	sld [smem:$0x3FB0]  }
0x2b: {  	s6 =	sld [smem:$0x3FB1]  }
0x2c: {  	s7 =	sld [smem:$0x3FB2]  }
0x2d: {  	s3 =	simm.s32 $0x108;
	s8 =	sld [smem:$0x3FB3]  }
0x2e: {  	s3 =	simm.s32 @!p0 $0x1082;
	s9 =	sld [smem:$0x3FB4]  }
0x2f: {  	lr =	sadd.s32 s0, s3;
	s0 =	sld [smem:$0x3FAB]  }
0x30: {  	s3 =	sld [smem:$0x3FAE]  }
0x31: {  	[smem:$0x3FB7] =	sst s10  }
0x32: {  	s10 =	sld [smem:$0x3FB5];
	_ =	sdelay $0x3  }
0x33: {  	p0 =	seq.s32 s10, $0x1;
	s10 =	sld [smem:$0x3FB7];
	_ =	sdelay $0x3  }
0x34: {  	[smem:$0x3FB7] =	sst s10  }
0x35: {  	s10 =	sld [smem:$0x3FB6];
	_ =	sdelay $0x3  }
0x36: {  	p1 =	seq.s32 s10, $0x1;
	s10 =	sld [smem:$0x3FB7];
	_ =	sdelay $0x3  }
0x37: {  	[smem:$0x3FB7] =	sst s10  }
0x38: {  	s10 =	sld [smem:$0x3FB8]  }
0x39: {  	_ = 	snop;
	(pc) =	sbr.ind lr, $3  }
0x3a: {  	_ = 	snop  }
0x3b: {  	_ = 	snop  }
0x3c: {  	p2 =	seq.s32 s10, $0x1;
	s10 =	sld [smem:$0x3FB7]  }
0x3d: {  	_ =	shalt  }
0x3e: {  	_ =	shalt  }
0x3f: {  	_ =	shalt  }
0x40: {  	_ =	shalt  }
0x41: {  	_ =	shalt  }
0x42: {  	_ =	shalt  }
0x43: {  	_ =	shalt  }
0x44: {  	_ =	shalt  }
0x45: {  	_ =	shalt  }
0x46: {  	_ =	shalt  }
0x47: {  	_ =	shalt  }
0x48: {  	_ =	shalt  }
0x49: {  	_ =	shalt  }
0x4a: {  	_ =	shalt  }
0x4b: {  	_ =	shalt  }
0x4c: {  	_ =	shalt  }
0x4d: {  	_ =	shalt  }
0x4e: {  	_ =	shalt  }
0x4f: {  	_ =	shalt  }
0x50: {  	_ =	shalt  }
0x51: {  	_ =	shalt  }
0x52: {  	_ =	shalt  }
0x53: {  	_ =	shalt  }
0x54: {  	_ =	shalt  }
0x55: {  	_ =	shalt  }
0x56: {  	_ =	shalt  }
0x57: {  	_ =	shalt  }
0x58: {  	_ =	shalt  }
0x59: {  	_ =	shalt  }
0x5a: {  	_ =	shalt  }
0x5b: {  	_ =	shalt  }
0x5c: {  	_ =	shalt  }
0x5d: {  	_ =	shalt  }
0x5e: {  	_ =	shalt  }
0x5f: {  	_ =	shalt  }
0x60: {  	_ =	shalt  }
0x61: {  	_ =	shalt  }
0x62: {  	_ =	shalt  }
0x63: {  	_ =	shalt  }
0x64: {  	_ =	shalt  }
0x65: {  	_ =	shalt  }
0x66: {  	_ =	shalt  }
0x67: {  	_ =	shalt  }
0x68: {  	_ =	shalt  }
0x69: {  	_ =	shalt  }
0x6a: {  	_ =	shalt  }
0x6b: {  	_ =	shalt  }
0x6c: {  	_ =	shalt  }
0x6d: {  	_ =	shalt  }
0x6e: {  	_ =	shalt  }
0x6f: {  	_ =	shalt  }
0x70: {  	_ =	shalt  }
0x71: {  	_ =	shalt  }
0x72: {  	_ =	shalt  }
0x73: {  	_ =	shalt  }
0x74: {  	_ =	shalt  }
0x75: {  	_ =	shalt  }
0x76: {  	_ =	shalt  }
0x77: {  	_ =	shalt  }
0x78: {  	_ =	shalt  }
0x79: {  	_ =	shalt  }
0x7a: {  	_ =	shalt  }
0x7b: {  	_ =	shalt  }
0x7c: {  	_ =	shalt  }
0x7d: {  	_ =	shalt  }
0x7e: {  	_ =	shalt  }
0x7f: {  	_ =	shalt  }
0x80: {  	_ =	shalt  }
0x81: {  	_ =	shalt  }
0x82: {  	_ =	shalt  }
0x83: {  	_ =	shalt  }
0x84: {  	_ =	shalt  }
0x85: {  	_ =	shalt  }
0x86: {  	_ =	shalt  }
0x87: {  	_ =	shalt  }
.Lfunc_end0:
.L_simem_size_0:
called_computation.1_lowered:
.L_overlay_start_0:
0x88: {  	s2 =	sld [smem:$0x3FD9]  }
0x89: {  	s3 =	sld [smem:$0x3FFE];
	_ =	sdelay $0x1  }
0x8a: {  	s1 =	srdreg.scid  }
0x8b: {  	s0 =	sand.u32 $0x1, s1  }
0x8c: {  	s17 =	sshll.u32 s0, $0xA;
	s2 =	sadd.s32 s3, s2  }
0x8d: {  	s2 =	sadd.s32 s2, s17  }
0x8e: {  	[smem:$0x3FC3] =	sst s2  }
0x8f: {  	_ = 	snop  }
0x90: {  	s2 =	sld [smem:$0x3FD0];
	(tm) =	ssettm $0x1  }
0x91: {  	s18 =	sld [smem:$0x3FFB];
	_ =	sdelay $0x3  }
0x92: {  	_ =	strace s18  }
0x93: {  	s3 =	sld [smem:$0x3FFC];
	_ =	sdelay $0x3  }
0x94: {  	_ =	strace s3  }
0x95: {  	s3 =	sld [smem:$0x3FFD];
	_ =	sdelay $0x3  }
0x96: {  	_ =	strace s3  }
0x97: {  	_ =	strace $0x8FFFFFFF  }
0x98: {  	s19 =	sld [smem:$0x3FDB];
	_ =	sdelay $0x1  }
0x99: {  	s4 =	simm.s32 $_scs_section_size  }
0x9a: {  	s5 =	simm.s32 $_size__tile_overlayer_lowered;
	s6 =	simm.s32 $_tile_overlayer_lowered  }
0x9b: {  	s22 =	simm.s32 $0x1BFF;
	s21 =	sshll.u32 s6, $0x1;
	s3 =	sadd.s32 s4, s19  }
0x9c: {  	s7 =	simm.s32 $0x0;
	s20 =	sshll.u32 s5, $0x1;
	s5 =	sadd.s32 s21, s3  }
0x9d: {  	[timem:s7], [sflag:s22] =	dma.local [hbm:s5], s20  }
0x9e: {  	_ =	swait.ge [sflag:s22], s20  }
0x9f: {  	s4 =	ssub.s32 $0x0, s20;
	[sflag:s22] =	ssyncset.done $0x0  }
0xa0: {  	[sflag:s22] =	ssyncadd.s32 s4;
	_ =	sdelay $0x1  }
0xa1: {  	s23 =	simm.s32 $0x1B8B  }
0xa2: {  	_ =	swait.ge [sflag:s23], $0x1  }
0xa3: {  	[sflag:s23] =	ssyncset.done $0x0  }
0xa4: {  	s25 =	simm.s32 $0x1B8E;
	s24 =	sld [smem:$0x3FFE];
	[sflag:s23] =	ssyncadd.s32 $0xFFFFFFFF  }
0xa5: {  	s26 =	simm.s32 $execute0_lowered;
	[smem:$0x3FD2] =	sst s25  }
0xa6: {  	s5 =	sshll.u32 s26, $0x1;
	_ =	strace $0x80000049;
	[dreg:$0x1] =	wrdreg $0xFFFFFFFF  }
0xa7: {  	s28 =	simm.s32 $_size_execute0_lowered;
	s3 =	sadd.s32 s3, s5;
	[dreg:$0x0] =	wrdreg $0x0  }
0xa8: {  	s5 =	sshll.u32 s28, $0x1;
	[dreg:$0x2] =	wrdreg s3  }
0xa9: {  	[dreg:$0x3] =	wrdreg s5  }
0xaa: {  	[dreg:$0x4] =	wrdreg $0xC0  }
0xab: {  	_ =	task [dreg:s7], $0x5FFFF  }
0xac: {  	[dreg:$0x1] =	wrdreg $0xFFFFFFFF  }
0xad: {  	[dreg:$0x0] =	wrdreg $0x60  }
0xae: {  	[dreg:$0x2] =	wrdreg s24  }
0xaf: {  	[dreg:$0x3] =	wrdreg s2  }
0xb0: {  	[dreg:$0x4] =	wrdreg $0x9  }
0xb1: {  	_ =	task.clear_ibuf [dreg:s7], $0x5FFFF;
	_ =	strace $0x90000049  }
0xb2: {  	s29 =	simm.s32 $0x9;
	_ =	strace $0x8000004B  }
0xb3: {  	_ =	swait.ge [sflag:s29], $0x1  }
0xb4: {  	[sflag:s29] =	ssyncadd.s32 $0xFFFFFFFF  }
0xb5: {  	_ =	strace $0x9000004B  }
0xb6: {  	_ =	sfence  }
0xb7: {  	s30 =	sld [smem:$0x0];
	_ =	sdelay $0x2  }
0xb8: {  	s31 =	sshll.u32 s1, $0xD;
	s1 =	sshrl.u32 s1, $0x2  }
0xb9: {  	s3 =	sand.u32 $0x4000, s31;
	s1 =	sadd.s32 s1, s30  }
0xba: {  	s0 =	sor.u32 s3, s0;
	s1 =	sshll.u32 s1, $0x11  }
0xbb: {  	s0 =	sor.u32 s1, s0  }
0xbc: {  	s0 =	sadd.s32 $0x8F2B, s0  }
0xbd: {  	[sflag:s0] =	ssyncadd.remote.s32 $0x1  }
0xbe: {  	_ =	sfence.sel $0xFFFF  }
0xbf: {  	[dreg:$0x0] =	wrdreg $0xFFFFFFFF;
	(pc) =	sbr.abs _section_cstart, $3  }
0xc0: {  	[dreg:$0x1] =	wrdreg $0xFFFFFFFF  }
0xc1: {  	_ =	task.clear_ibuf [dreg:s7], $0x2FFFF;
	_ =	strace $0x9FFFFFFF  }
0xc2: {  	(tm) =	ssettm $0x7FFFFFFF  }
0xc3: {  	_ =	shalt  }
tec
execute0_lowered:
.L_overlay_start_1:
0x0: {  	(tag) =	ssettag $0x1  }
0x1: {  	s10 =	rddreg [dreg:$0x0]  }
0x2: {  	s1 =	rddreg [dreg:$0x1]  }
0x3: {  	s0 =	rddreg [dreg:$0x2];
	s2 =	simm.s32 $0x0;
	s4 =	srdreg.scid  }
0x4: {  	s14 =	simm.s32 $0x100;
	s15 =	simm.s32 $0x700;
	s16 =	simm.s32 $0x180  }
0x5: {  	s17 =	simm.s32 $0xF00;
	s18 =	simm.s32 $0x200;
	s19 =	simm.s32 $0x1700  }
0x6: {  	s20 =	simm.s32 $0x280;
	s21 =	simm.s32 $0x1F00;
	s22 =	simm.s32 $0x1  }
0x7: {  	s23 =	simm.s32 $0x2700;
	s24 =	simm.s32 $0x0;
	[smem:$0x7FF] =	sst s2  }
0x8: {  	s3 =	sadd.s32 $0x37F000, s10;
	s5 =	sadd.s32 $0x157000, s10;
	s6 =	sadd.s32 $0x15F000, s10  }
0x9: {  	s8 =	sand.u32 $0x1, s4;
	s7 =	sadd.s32 $0x17F000, s10;
	s4 =	stileid.u32  }
0xa: {  	_ =	strace $0x8000004A;
	s9 =	ssub.s32 $0x2, s8;
	s12 =	sshll.u32 s4, $0x9  }
0xb: {  	s13 =	sshll.u32 s8, $0x8;
	s8 =	sadd.s32 $0x1A00, s10;
	s11 =	sshrl.u32 s9, $0x1  }
0xc: {  	s10 =	sadd.s32 $0x39F000, s10;
	s11 =	ssub.s32 s9, s11;
	s9 =	sor.u32 s13, s12  }
0xd: {  	v0 =	vlaneseq.u32;
	s12 =	simm.s32 $0x2;
	s13 =	simm.s32 $0x80;
	s11 =	smax.u32 s11, $0x1  }
.LBB2_1:
0xe: {  	s25 =	simm.s32 $0x0  }
.LBB2_2:
0xf: {  	s26 =	sadd.s32 s9, s25  }
0x10: {  	s28 =	sshll.u32 s26, $0x4  }
0x11: {  	s30 =	simm.s32 $0x0;
	s29 =	sadd.s32 s3, s28  }
0x12: {  	[tilespmem:s30], [sflag:$0x2] =	stream.linear.gather [hbm4b:s29+s30], $0x80, $0x38;
	[tilespmem:$0x2B00] =	vst v63  }
0x13: {  	_ =	swait.ge [sflag:s12], $0x80  }
0x14: {  	[sflag:s12] =	ssyncset.done $0x0  }
0x15: {  	s28 =	sadd.s32 s28, s10;
	[sflag:s12] =	ssyncadd.s32 $0xFFFFFF80  }
0x16: {  	[tilespmem:s13], [sflag:$0x2] =	stream.linear.gather [hbm4b:s28+s30], $0x80, $0x38;
	[tilespmem:$0x2B00] =	vst v63  }
0x17: {  	_ =	swait.ge [sflag:s12], $0x80  }
0x18: {  	[sflag:s12] =	ssyncset.done $0x0  }
0x19: {  	s28 =	simm.s32 $0x0;
	[sflag:s12] =	ssyncadd.s32 $0xFFFFFF80  }
0x1a: {  	v1 =	vld [tilespmem:s28+$0x0]  }
0x1b: {  	v2 =	vld [tilespmem:s28+$0x80];
	_ =	sdelay $0x4  }
0x1c: {  	v3 =	vmul.f32 $1.280000000e+02, v1;
	v4 =	vmul.f32 $1.280000000e+02, v2  }
0x1d: {  	v5 =	vmul.f32 $2.560000000e+02, v1;
	v7 =	vmul.f32 $5.120000000e+02, v1  }
0x1e: {  	v8 =	vmul.f32 $1.024000000e+03, v1;
	v10 =	vmul.f32 $5.120000000e+02, v2  }
0x1f: {  	v11 =	vmul.f32 $1.024000000e+03, v2;
	v2 =	vmul.f32 $2.560000000e+02, v2  }
0x20: {  	v6 =	vadd.f32 $-1.280000000e+02, v3;
	vm0 =	vge.f32 v3, $1.280000000e+02;
	v9 =	vadd.f32 $-2.560000000e+02, v5  }
0x21: {  	vm13 =	vge.f32 v5, $2.560000000e+02;
	vm1 =	vge.f32 v7, $5.120000000e+02;
	vm2 =	vge.f32 v11, $1.024000000e+03  }
0x22: {  	vm3 =	vge.f32 v8, $1.024000000e+03;
	v12 =	vadd.f32 $-1.024000000e+03, v11;
	vm4 =	vge.f32 v4, $1.280000000e+02  }
0x23: {  	v13 =	vadd.f32 $-5.120000000e+02, v10;
	vm14 =	vge.f32 v10, $5.120000000e+02;
	vm15 =	vge.f32 v2, $2.560000000e+02  }
0x24: {  	v1 =	vsel vm0, v6, v3;
	v3 =	vadd.f32 $-1.024000000e+03, v8;
	v6 =	vadd.f32 $-5.120000000e+02, v7  }
0x25: {  	v9 =	vsel vm13, v9, v5;
	v10 =	vsel vm14, v13, v10;
	v13 =	vadd.f32 $-1.280000000e+02, v4  }
0x26: {  	v5 =	vtrunc.f32 v9;
	v15 =	vtrunc.f32 v1;
	v16 =	vsel vm3, v3, v8  }
0x27: {  	v3 =	vsel vm2, v12, v11;
	v11 =	vadd.f32 $-2.560000000e+02, v2;
	v5 =	vcvt.f32.s32 v5  }
0x28: {  	v6 =	vsel vm1, v6, v7;
	v7 =	vtrunc.f32 v10;
	v8 =	vtrunc.f32 v3  }
0x29: {  	v17 =	vsel vm4, v13, v4;
	v12 =	vtrunc.f32 v16;
	v8 =	vcvt.f32.s32 v8  }
0x2a: {  	v13 =	vtrunc.f32 v6;
	v11 =	vsel vm15, v11, v2;
	v2 =	vcvt.f32.s32 v7  }
0x2b: {  	v7 =	vtrunc.f32 v17;
	v4 =	vcvt.s32.f32 v8  }
0x2c: {  	v12 =	vcvt.f32.s32 v12;
	v19 =	vcvt.f32.s32 v13  }
0x2d: {  	v14 =	vcvt.s32.f32 v5;
	v13 =	vcvt.s32.f32 v2;
	v18 =	vsub.f32 v3, v4  }
0x2e: {  	v21 =	vcvt.s32.f32 v12;
	v4 =	vtrunc.f32 v11;
	v3 =	vshll.u32 v5, $0x8  }
0x2f: {  	v5 =	vcvt.f32.s32 v4;
	v4 =	vshll.u32 v12, $0xA;
	v20 =	vadd.f32 v18, v18  }
0x30: {  	v12 =	vcvt.s32.f32 v19;
	v22 =	vadd.s32 v8, v4;
	v8 =	vcvt.f32.s32 v7  }
0x31: {  	v13 =	vsub.f32 v10, v13;
	v4 =	vcvt.s32.f32 v5;
	v20 =	vsub.f32 $3.000000000e+00, v20  }
0x32: {  	v7 =	vsub.f32 v9, v14;
	v9 =	vsub.f32 v6, v12;
	v10 =	vcvt.s32.f32 v8  }
0x33: {  	v4 =	vsub.f32 v11, v4;
	v11 =	vadd.f32 v13, v13;
	v6 =	vmul.f32 v20, v18  }
0x34: {  	v15 =	vcvt.f32.s32 v15;
	v14 =	vadd.f32 v7, v7;
	v20 =	vadd.f32 v9, v9  }
0x35: {  	v10 =	vsub.f32 v17, v10;
	v23 =	vsub.f32 $3.000000000e+00, v11;
	v18 =	vmul.f32 v6, v18  }
0x36: {  	[tilespmem:s28+$0x280] =	vst v22;
	v12 =	vadd.f32 v4, v4;
	v11 =	vshll.u32 v19, $0x9;
	v6 =	vsub.f32 v16, v21  }
0x37: {  	s29 =	simm.s32 $0x40;
	v16 =	vadd.f32 v10, v10;
	v17 =	vsub.f32 $3.000000000e+00, v20;
	[tilespmem:s28+$0x680] =	vst v18;
	v18 =	vmul.f32 v23, v13  }
.LBB2_3:
0x38: {  	s30 =	sshra.s32 s29, $0x2;
	p0 =	sne.s32 s29, $0x1C0;
	s29 =	sadd.s32 $0x40, s29;
	v19 =	vcvt.s32.f32 v15;
	v15 =	vshll.u32 v15, $0x7;
	v14 =	vsub.f32 $3.000000000e+00, v14  }
0x39: {  	v20 =	vld [tilespmem:s30+$0x0];
	v16 =	vsub.f32 $3.000000000e+00, v16;
	v17 =	vmul.f32 v17, v9;
	v13 =	vmul.f32 v18, v13  }
0x3a: {  	v18 =	vld [tilespmem:s30+$0x80];
	v19 =	vsub.f32 v1, v19;
	v1 =	vmul.f32 v14, v7;
	v14 =	vadd.f32 v6, v6  }
0x3b: {  	v8 =	vadd.s32 v8, v15;
	v16 =	vmul.f32 v16, v10;
	v9 =	vmul.f32 v17, v9;
	[tilespmem:s28+$0x580] =	vst v13  }
0x3c: {  	v3 =	vadd.s32 v5, v3;
	[tilespmem:s28+$0x100] =	vst v8;
	v1 =	vmul.f32 v1, v7;
	v5 =	vsub.f32 $3.000000000e+00, v14  }
0x3d: {  	v2 =	vadd.s32 v2, v11;
	v7 =	vadd.f32 v19, v19;
	v8 =	vmul.f32 v16, v10;
	[tilespmem:s28+$0x500] =	vst v9  }
0x3e: {  	v9 =	vmul.f32 $1.280000000e+02, v20;
	[tilespmem:s28+$0x400] =	vst v1;
	v1 =	vsub.f32 $3.000000000e+00, v12;
	v5 =	vmul.f32 v5, v6  }
0x3f: {  	v11 =	vmul.f32 $2.560000000e+02, v20;
	v7 =	vsub.f32 $3.000000000e+00, v7;
	v10 =	vmul.f32 $1.280000000e+02, v18;
	[tilespmem:s28+$0x380] =	vst v8  }
0x40: {  	v12 =	vmul.f32 $5.120000000e+02, v20;
	v8 =	vadd.f32 $-1.280000000e+02, v9;
	v13 =	vmul.f32 v1, v4;
	[tilespmem:s28+$0x200] =	vst v2  }
0x41: {  	vm0 =	vge.f32 v9, $1.280000000e+02;
	v2 =	vmul.f32 $1.024000000e+03, v20;
	v7 =	vmul.f32 v7, v19;
	[tilespmem:s28+$0x180] =	vst v3  }
0x42: {  	v14 =	vmul.f32 $5.120000000e+02, v18;
	v15 =	vmul.f32 $1.024000000e+03, v18;
	v3 =	vadd.f32 $-2.560000000e+02, v11  }
0x43: {  	v1 =	vsel vm0, v8, v9;
	v8 =	vadd.f32 $-1.024000000e+03, v2;
	v4 =	vmul.f32 v13, v4  }
0x44: {  	vm1 =	vge.f32 v11, $2.560000000e+02;
	v9 =	vmul.f32 $2.560000000e+02, v18;
	vm0 =	vge.f32 v12, $5.120000000e+02  }
0x45: {  	vm2 =	vge.f32 v15, $1.024000000e+03;
	v13 =	vadd.f32 $-5.120000000e+02, v12;
	v7 =	vmul.f32 v7, v19;
	[tilespmem:s28+$0x480] =	vst v4  }
0x46: {  	v5 =	vmul.f32 v5, v6;
	vm3 =	vge.f32 v2, $1.024000000e+03;
	v4 =	vadd.f32 $-1.024000000e+03, v15  }
0x47: {  	vm4 =	vge.f32 v10, $1.280000000e+02;
	v6 =	vadd.f32 $-5.120000000e+02, v14;
	v16 =	vsel vm3, v8, v2;
	[tilespmem:s28+$0x300] =	vst v7  }
0x48: {  	v7 =	vsel vm1, v3, v11;
	vm1 =	vge.f32 v14, $5.120000000e+02;
	v3 =	vsel vm2, v4, v15;
	[tilespmem:s28+$0x600] =	vst v5;
	s28 =	smov.u32 s30  }
0x49: {  	v2 =	vtrunc.f32 v7;
	v4 =	vsel vm1, v6, v14;
	v5 =	vtrunc.f32 v3  }
0x4a: {  	v8 =	vtrunc.f32 v16;
	vm1 =	vge.f32 v9, $2.560000000e+02;
	v6 =	vadd.f32 $-2.560000000e+02, v9  }
0x4b: {  	v11 =	vtrunc.f32 v1;
	v14 =	vadd.f32 $-1.280000000e+02, v10;
	v15 =	vcvt.f32.s32 v5  }
0x4c: {  	v12 =	vsel vm0, v13, v12;
	v5 =	vcvt.f32.s32 v2;
	v2 =	vtrunc.f32 v4  }
0x4d: {  	v10 =	vsel vm4, v14, v10;
	v6 =	vsel vm1, v6, v9;
	v9 =	vcvt.s32.f32 v15  }
0x4e: {  	v13 =	vtrunc.f32 v12;
	v2 =	vcvt.f32.s32 v2  }
0x4f: {  	v8 =	vcvt.f32.s32 v8;
	v14 =	vtrunc.f32 v10;
	v17 =	vsub.f32 v3, v9  }
0x50: {  	v18 =	vcvt.f32.s32 v13;
	v9 =	vtrunc.f32 v6;
	v3 =	vshll.u32 v5, $0x8  }
0x51: {  	v19 =	vcvt.s32.f32 v5;
	v13 =	vcvt.s32.f32 v2;
	v20 =	vadd.f32 v17, v17  }
0x52: {  	v21 =	vcvt.s32.f32 v8;
	v8 =	vshll.u32 v8, $0xA;
	v5 =	vcvt.f32.s32 v9  }
0x53: {  	v15 =	vadd.s32 v15, v8;
	v9 =	vcvt.s32.f32 v18;
	v20 =	vsub.f32 $3.000000000e+00, v20  }
0x54: {  	v8 =	vcvt.f32.s32 v14;
	v13 =	vsub.f32 v4, v13;
	v14 =	vcvt.s32.f32 v5;
	[tilespmem:s28+$0x280] =	vst v15  }
0x55: {  	v7 =	vsub.f32 v7, v19;
	v9 =	vsub.f32 v12, v9;
	v12 =	vmul.f32 v20, v17  }
.Ltmp0:
0x56: {  	v19 =	vcvt.s32.f32 v8;
	v4 =	vsub.f32 v6, v14;
	v6 =	vadd.f32 v13, v13;
	(pc) =	sbr.rel @p0 .LBB2_3-.Ltmp0, $4  }
0x57: {  	v14 =	vadd.f32 v7, v7;
	v20 =	vadd.f32 v9, v9;
	v17 =	vmul.f32 v12, v17  }
0x58: {  	v10 =	vsub.f32 v10, v19;
	v15 =	vcvt.f32.s32 v11;
	v19 =	vsub.f32 $3.000000000e+00, v6  }
0x59: {  	v11 =	vshll.u32 v18, $0x9;
	v6 =	vsub.f32 v16, v21;
	v12 =	vadd.f32 v4, v4;
	[tilespmem:s28+$0x680] =	vst v17  }
0x5a: {  	v16 =	vadd.f32 v10, v10;
	v18 =	vmul.f32 v19, v13;
	v17 =	vsub.f32 $3.000000000e+00, v20  }
0x5b: {  	v19 =	vcvt.s32.f32 v15;
	v14 =	vsub.f32 $3.000000000e+00, v14  }
0x5c: {  	v55 =	vshll.u32 v15, $0x7;
	v57 =	vadd.f32 v6, v6;
	v58 =	vsub.f32 $3.000000000e+00, v12  }
0x5d: {  	v2 =	vadd.s32 v2, v11;
	v3 =	vadd.s32 v5, v3;
	v1 =	vsub.f32 v1, v19  }
0x5e: {  	v16 =	vsub.f32 $3.000000000e+00, v16;
	v17 =	vmul.f32 v17, v9;
	v13 =	vmul.f32 v18, v13;
	[tilespmem:s28+$0x200] =	vst v2  }
0x5f: {  	v8 =	vadd.s32 v8, v55;
	[tilespmem:s28+$0x180] =	vst v3;
	v14 =	vmul.f32 v14, v7;
	v56 =	vadd.f32 v1, v1  }
0x60: {  	[tilespmem:s28+$0x100] =	vst v8;
	v60 =	vsub.f32 $3.000000000e+00, v57;
	v61 =	vmul.f32 v58, v4;
	v9 =	vmul.f32 v17, v9  }
0x61: {  	v16 =	vmul.f32 v16, v10;
	[tilespmem:s28+$0x580] =	vst v13;
	v7 =	vmul.f32 v14, v7;
	v59 =	vsub.f32 $3.000000000e+00, v56  }
0x62: {  	v63 =	vmul.f32 v60, v6;
	v2 =	vmul.f32 v61, v4;
	[tilespmem:s28+$0x500] =	vst v9  }
0x63: {  	v10 =	vmul.f32 v16, v10;
	[tilespmem:s28+$0x400] =	vst v7;
	v62 =	vmul.f32 v59, v1  }
0x64: {  	[tilespmem:s28+$0x480] =	vst v2;
	v2 =	vmul.f32 v63, v6  }
0x65: {  	[tilespmem:s28+$0x380] =	vst v10;
	v1 =	vmul.f32 v62, v1  }
0x66: {  	[tilespmem:s28+$0x600] =	vst v2  }
0x67: {  	[tilespmem:s28+$0x300] =	vst v1  }
0x68: {  	[tilespmem:s15], [sflag:$0x1] =	stream.indirect.gather [hbm4b:s5+s13], $0x10, s14, s13, $0xb8;
	[tilespmem:$0x2B00] =	vst v63  }
0x69: {  	_ = 	snop  }
0x6a: {  	[tilespmem:s17], [sflag:$0x1] =	stream.indirect.gather [hbm4b:s6+s13], $0x10, s16, s13, $0xb8;
	[tilespmem:$0x2B00] =	vst v63  }
0x6b: {  	_ = 	snop  }
0x6c: {  	[tilespmem:s19], [sflag:$0x1] =	stream.indirect.gather [hbm4b:s1+s13], $0x10, s18, s13, $0xb8;
	[tilespmem:$0x2B00] =	vst v63  }
0x6d: {  	_ = 	snop  }
0x6e: {  	[tilespmem:s21], [sflag:$0x1] =	stream.indirect.gather [hbm4b:s7+s13], $0x10, s20, s13, $0xb8;
	[tilespmem:$0x2B00] =	vst v63  }
0x6f: {  	_ =	swait.ge [sflag:s22], $0x800  }
0x70: {  	[sflag:s22] =	ssyncset.done $0x0  }
0x71: {  	[sflag:s22] =	ssyncadd.s32 $0xFFFFF800  }
0x72: {  	_ =	swait.ge [sflag:s22], $0x800  }
0x73: {  	[sflag:s22] =	ssyncset.done $0x0  }
0x74: {  	[sflag:s22] =	ssyncadd.s32 $0xFFFFF800  }
0x75: {  	_ =	swait.ge [sflag:s22], $0x800  }
0x76: {  	[sflag:s22] =	ssyncset.done $0x0  }
0x77: {  	[sflag:s22] =	ssyncadd.s32 $0xFFFFF800  }
0x78: {  	_ =	swait.ge [sflag:s22], $0x800  }
0x79: {  	[sflag:s22] =	ssyncset.done $0x0  }
0x7a: {  	s29 =	simm.s32 $0x500;
	s28 =	simm.s32 $0x0;
	[sflag:s22] =	ssyncadd.s32 $0xFFFFF800  }
.LBB2_5:
0x7b: {  	v1 =	vor.u32 s28, v0  }
0x7c: {  	v17 =	vshll.u32 v1, $0x4  }
0x7d: {  	v18 =	vld [tilespmem:s29+$0xFFFFFE00]  }
0x7e: {  	v19 =	vld [tilespmem:s29+$0xFFFFFE80];
	v16 =	vor.u32 $0x4, v17  }
0x7f: {  	v36 =	vld [tilespmem:s29+$0xFFFFFF00];
	v15 =	vor.u32 $0x8, v17  }
0x80: {  	v37 =	vld [tilespmem:s29+$0xFFFFFF80];
	v14 =	vor.u32 $0xC, v17  }
0x81: {  	v13 =	vor.u32 $0x1, v17;
	v20 =	vld.idx.msk [tilespmem:v17+s15+$0x0], $0xffff  }
0x82: {  	v12 =	vor.u32 $0x5, v17;
	v38 =	vld.idx.msk [tilespmem:v17+s17+$0x0], $0xffff  }
0x83: {  	v11 =	vor.u32 $0x9, v17;
	v21 =	vld.idx.msk [tilespmem:v16+s15+$0x0], $0xffff  }
0x84: {  	v10 =	vor.u32 $0xD, v17;
	v22 =	vld.idx.msk [tilespmem:v15+s15+$0x0], $0xffff  }
0x85: {  	v9 =	vor.u32 $0x2, v17;
	v23 =	vld.idx.msk [tilespmem:v14+s15+$0x0], $0xffff  }
0x86: {  	v8 =	vor.u32 $0x6, v17;
	v24 =	vld.idx.msk [tilespmem:v13+s15+$0x0], $0xffff  }
0x87: {  	v7 =	vor.u32 $0xA, v17;
	v25 =	vld.idx.msk [tilespmem:v12+s15+$0x0], $0xffff  }
0x88: {  	v6 =	vor.u32 $0xE, v17;
	v26 =	vld.idx.msk [tilespmem:v11+s15+$0x0], $0xffff  }
0x89: {  	v5 =	vor.u32 $0x3, v17;
	v27 =	vld.idx.msk [tilespmem:v10+s15+$0x0], $0xffff  }
0x8a: {  	v4 =	vor.u32 $0x7, v17;
	v28 =	vld.idx.msk [tilespmem:v9+s15+$0x0], $0xffff  }
0x8b: {  	v3 =	vor.u32 $0xB, v17;
	v29 =	vld.idx.msk [tilespmem:v8+s15+$0x0], $0xffff  }
0x8c: {  	v2 =	vor.u32 $0xF, v17;
	v30 =	vld.idx.msk [tilespmem:v7+s15+$0x0], $0xffff  }
0x8d: {  	v31 =	vld.idx.msk [tilespmem:v6+s15+$0x0], $0xffff  }
0x8e: {  	v32 =	vld.idx.msk [tilespmem:v5+s15+$0x0], $0xffff  }
0x8f: {  	v33 =	vld.idx.msk [tilespmem:v4+s15+$0x0], $0xffff  }
0x90: {  	v34 =	vld.idx.msk [tilespmem:v3+s15+$0x0], $0xffff  }
0x91: {  	v35 =	vld.idx.msk [tilespmem:v2+s15+$0x0], $0xffff  }
0x92: {  	v39 =	vld.idx.msk [tilespmem:v16+s17+$0x0], $0xffff  }
0x93: {  	v40 =	vld.idx.msk [tilespmem:v15+s17+$0x0], $0xffff  }
0x94: {  	v63 =	vld.idx.msk [tilespmem:v14+s17+$0x0], $0xffff  }
0x95: {  	v41 =	vld.idx.msk [tilespmem:v12+s17+$0x0], $0xffff  }
0x96: {  	v42 =	vld.idx.msk [tilespmem:v11+s17+$0x0], $0xffff  }
0x97: {  	v43 =	vld.idx.msk [tilespmem:v10+s17+$0x0], $0xffff  }
0x98: {  	v44 =	vld.idx.msk [tilespmem:v9+s17+$0x0], $0xffff  }
0x99: {  	v50 =	vld.idx.msk [tilespmem:v8+s17+$0x0], $0xffff  }
0x9a: {  	v51 =	vld.idx.msk [tilespmem:v7+s17+$0x0], $0xffff  }
0x9b: {  	v53 =	vld.idx.msk [tilespmem:v6+s17+$0x0], $0xffff  }
0x9c: {  	v56 =	vld.idx.msk [tilespmem:v5+s17+$0x0], $0xffff  }
0x9d: {  	v58 =	vld.idx.msk [tilespmem:v4+s17+$0x0], $0xffff  }
0x9e: {  	v59 =	vld.idx.msk [tilespmem:v3+s17+$0x0], $0xffff  }
0x9f: {  	v45 =	vld.idx.msk [tilespmem:v2+s17+$0x0], $0xffff  }
0xa0: {  	v31 =	vsub.f32 v31, v29;
	v62 =	vsub.f32 v43, v41;
	v43 =	vld.idx.msk [tilespmem:v16+s19+$0x0], $0xffff  }
0xa1: {  	v57 =	vsub.f32 v40, v38;
	v16 =	vld.idx.msk [tilespmem:v16+s21+$0x0], $0xffff  }
0xa2: {  	v22 =	vsub.f32 v22, v20;
	v30 =	vsub.f32 v30, v28;
	v49 =	vmul.f32 v31, v18;
	v31 =	vld.idx.msk [tilespmem:v8+s19+$0x0], $0xffff  }
0xa3: {  	v23 =	vsub.f32 v23, v21;
	v55 =	vsub.f32 v35, v33;
	v35 =	vmul.f32 v57, v36;
	v57 =	vld.idx.msk [tilespmem:v4+s19+$0x0], $0xffff  }
0xa4: {  	v26 =	vsub.f32 v26, v24;
	v48 =	vmul.f32 v30, v18;
	v30 =	vsub.f32 v59, v56;
	v59 =	vld.idx.msk [tilespmem:v2+s19+$0x0], $0xffff  }
0xa5: {  	v27 =	vsub.f32 v27, v25;
	v22 =	vmul.f32 v22, v18;
	v8 =	vld.idx.msk [tilespmem:v8+s21+$0x0], $0xffff  }
0xa6: {  	v23 =	vmul.f32 v23, v18;
	v26 =	vmul.f32 v26, v18;
	v4 =	vld.idx.msk [tilespmem:v4+s21+$0x0], $0xffff  }
0xa7: {  	v54 =	vsub.f32 v34, v32;
	v27 =	vmul.f32 v27, v18;
	v2 =	vld.idx.msk [tilespmem:v2+s21+$0x0], $0xffff;
	v20 =	vadd.f32 v22, v20  }
0xa8: {  	v21 =	vadd.f32 v23, v21;
	v23 =	vld.idx.msk [tilespmem:v13+s17+$0x0], $0xffff;
	v24 =	vadd.f32 v26, v24  }
0xa9: {  	v25 =	vadd.f32 v27, v25;
	v22 =	vsub.f32 v63, v39;
	v63 =	vld.idx.msk [tilespmem:v14+s19+$0x0], $0xffff  }
0xaa: {  	v52 =	vadd.f32 v49, v29;
	v29 =	vmul.f32 v54, v18;
	v35 =	vadd.f32 v35, v38;
	v54 =	vld.idx.msk [tilespmem:v6+s19+$0x0], $0xffff  }
0xab: {  	v18 =	vmul.f32 v55, v18;
	v26 =	vsub.f32 v51, v44;
	v49 =	vsub.f32 v45, v58;
	v14 =	vld.idx.msk [tilespmem:v14+s21+$0x0], $0xffff  }
0xac: {  	v6 =	vld.idx.msk [tilespmem:v6+s21+$0x0], $0xffff;
	v21 =	vsub.f32 v21, v20;
	v25 =	vsub.f32 v25, v24;
	v22 =	vmul.f32 v22, v36  }
0xad: {  	v46 =	vld.idx.msk [tilespmem:v15+s19+$0x0], $0xffff;
	v29 =	vadd.f32 v29, v32;
	v60 =	vadd.f32 v18, v33;
	v26 =	vmul.f32 v26, v36  }
0xae: {  	v47 =	vld.idx.msk [tilespmem:v11+s19+$0x0], $0xffff;
	v51 =	vmul.f32 v49, v36;
	v49 =	vsub.f32 v59, v57;
	v2 =	vsub.f32 v2, v4  }
0xaf: {  	v15 =	vld.idx.msk [tilespmem:v15+s21+$0x0], $0xffff;
	v22 =	vadd.f32 v22, v39;
	v32 =	vsub.f32 v60, v29  }
0xb0: {  	v33 =	vld [tilespmem:s29+$0x0];
	v21 =	vmul.f32 v21, v19;
	v26 =	vadd.f32 v26, v44;
	v61 =	vsub.f32 v42, v23  }
0xb1: {  	v39 =	vmul.f32 v62, v36;
	v62 =	vld [tilespmem:s29+$0x100];
	v14 =	vsub.f32 v14, v16;
	v6 =	vsub.f32 v6, v8  }
0xb2: {  	v11 =	vld.idx.msk [tilespmem:v11+s21+$0x0], $0xffff;
	v25 =	vmul.f32 v25, v19;
	v20 =	vadd.f32 v21, v20;
	v21 =	vadd.f32 v48, v28  }
0xb3: {  	v55 =	vld.idx.msk [tilespmem:v5+s19+$0x0], $0xffff;
	v22 =	vsub.f32 v22, v35;
	v28 =	vsub.f32 v53, v50  }
0xb4: {  	v42 =	vld.idx.msk [tilespmem:v17+s19+$0x0], $0xffff;
	v24 =	vadd.f32 v25, v24;
	v25 =	vsub.f32 v63, v43;
	v38 =	vmul.f32 v61, v36  }
0xb5: {  	v17 =	vld.idx.msk [tilespmem:v17+s21+$0x0], $0xffff;
	v41 =	vadd.f32 v39, v41;
	v22 =	vmul.f32 v22, v37;
	v28 =	vmul.f32 v28, v36  }
0xb6: {  	v5 =	vld.idx.msk [tilespmem:v5+s21+$0x0], $0xffff;
	v27 =	vsub.f32 v52, v21;
	v25 =	vmul.f32 v25, v33;
	v14 =	vmul.f32 v14, v62  }
0xb7: {  	v48 =	vld.idx.msk [tilespmem:v10+s19+$0x0], $0xffff;
	v23 =	vadd.f32 v38, v23;
	v6 =	vmul.f32 v6, v62;
	v2 =	vmul.f32 v2, v62  }
0xb8: {  	v10 =	vld.idx.msk [tilespmem:v10+s21+$0x0], $0xffff;
	v27 =	vmul.f32 v27, v19;
	v22 =	vadd.f32 v22, v35;
	v28 =	vadd.f32 v28, v50  }
0xb9: {  	v38 =	vld.idx.msk [tilespmem:v12+s19+$0x0], $0xffff;
	v50 =	vmul.f32 v30, v36;
	v30 =	vadd.f32 v51, v58;
	v25 =	vadd.f32 v25, v43  }
0xba: {  	v12 =	vld.idx.msk [tilespmem:v12+s21+$0x0], $0xffff;
	v19 =	vmul.f32 v32, v19;
	v15 =	vsub.f32 v15, v17;
	v14 =	vadd.f32 v14, v16  }
0xbb: {  	v32 =	vld.idx.msk [tilespmem:v13+s19+$0x0], $0xffff;
	v6 =	vadd.f32 v6, v8;
	v2 =	vadd.f32 v2, v4  }
0xbc: {  	v58 =	vld.idx.msk [tilespmem:v3+s19+$0x0], $0xffff;
	v21 =	vadd.f32 v27, v21;
	v19 =	vadd.f32 v19, v29;
	v22 =	vmul.f32 $5.000000000e-01, v22  }
0xbd: {  	v13 =	vld.idx.msk [tilespmem:v13+s21+$0x0], $0xffff;
	v27 =	vsub.f32 v41, v23;
	v53 =	vsub.f32 v28, v26  }
0xbe: {  	v3 =	vld.idx.msk [tilespmem:v3+s21+$0x0], $0xffff;
	v28 =	vsub.f32 v54, v31;
	v20 =	vadd.f32 v22, v20  }
0xbf: {  	v52 =	vld.idx.msk [tilespmem:v7+s19+$0x0], $0xffff;
	v15 =	vmul.f32 v15, v62;
	v22 =	vadd.f32 v50, v56;
	v56 =	vsub.f32 v46, v42  }
0xc0: {  	v7 =	vld.idx.msk [tilespmem:v7+s21+$0x0], $0xffff;
	v35 =	vsub.f32 v48, v38;
	v10 =	vsub.f32 v10, v12  }
0xc1: {  	v41 =	vld.idx.msk [tilespmem:v9+s19+$0x0], $0xffff;
	v27 =	vmul.f32 v27, v37;
	v15 =	vadd.f32 v15, v17;
	v29 =	vsub.f32 v47, v32  }
0xc2: {  	v51 =	vmul.f32 v49, v33;
	v9 =	vld.idx.msk [tilespmem:v9+s21+$0x0], $0xffff;
	v48 =	vsub.f32 v58, v55;
	v11 =	vsub.f32 v11, v13  }
0xc3: {  	v47 =	vmul.f32 v28, v33;
	v3 =	vsub.f32 v3, v5;
	v23 =	vadd.f32 v27, v23  }
0xc4: {  	v27 =	vmul.f32 v53, v37;
	v30 =	vsub.f32 v30, v22;
	v39 =	vmul.f32 v56, v33  }
0xc5: {  	v18 =	vld [tilespmem:s29+$0x80];
	v61 =	vmul.f32 v35, v33;
	v53 =	vadd.f32 v51, v57;
	v10 =	vmul.f32 v10, v62  }
0xc6: {  	v60 =	vmul.f32 v29, v33;
	v50 =	vmul.f32 v48, v33;
	v63 =	vadd.f32 v39, v42  }
0xc7: {  	v11 =	vmul.f32 v11, v62;
	v7 =	vsub.f32 v7, v9;
	v26 =	vadd.f32 v27, v26  }
0xc8: {  	v30 =	vmul.f32 v30, v37;
	v29 =	vadd.f32 v61, v38;
	v25 =	vsub.f32 v25, v63  }
0xc9: {  	v23 =	vmul.f32 $5.000000000e-01, v23;
	v42 =	vsub.f32 v52, v41;
	v27 =	vadd.f32 v60, v32  }
0xca: {  	v10 =	vadd.f32 v10, v12;
	v22 =	vadd.f32 v30, v22;
	v25 =	vmul.f32 v25, v18  }
0xcb: {  	v11 =	vadd.f32 v11, v13;
	v26 =	vmul.f32 $5.000000000e-01, v26;
	v39 =	vsub.f32 v29, v27  }
0xcc: {  	v23 =	vadd.f32 v23, v24;
	v22 =	vmul.f32 $5.000000000e-01, v22;
	v43 =	vadd.f32 v25, v63  }
0xcd: {  	v46 =	vmul.f32 v42, v33;
	v21 =	vadd.f32 v26, v21;
	v24 =	vmul.f32 v39, v18  }
0xce: {  	v26 =	vadd.f32 v47, v31;
	v19 =	vadd.f32 v22, v19;
	v22 =	vmul.f32 $2.500000000e-01, v43  }
0xcf: {  	v3 =	vmul.f32 v3, v62;
	v25 =	vadd.f32 v46, v41;
	v24 =	vadd.f32 v24, v27  }
0xd0: {  	v1 =	vshll.u32 v1, $0x3;
	v20 =	vadd.f32 v22, v20;
	v22 =	vadd.f32 v50, v55;
	v55 =	vld [tilespmem:s29+$0x180]  }
0xd1: {  	v56 =	vsub.f32 v14, v15;
	v7 =	vmul.f32 v7, v62;
	v3 =	vadd.f32 v3, v5  }
0xd2: {  	v10 =	vsub.f32 v10, v11;
	v52 =	vsub.f32 v26, v25;
	v24 =	vmul.f32 $2.500000000e-01, v24  }
0xd3: {  	v62 =	vor.u32 $0x1, v1;
	v7 =	vadd.f32 v7, v9;
	v2 =	vsub.f32 v2, v3  }
0xd4: {  	v23 =	vadd.f32 v24, v23;
	v24 =	vmul.f32 v52, v18;
	v54 =	vsub.f32 v53, v22  }
0xd5: {  	v6 =	vsub.f32 v6, v7;
	v63 =	vor.u32 $0x3, v1;
	v60 =	vmul.f32 v56, v55  }
0xd6: {  	v24 =	vadd.f32 v24, v25;
	v57 =	vmul.f32 v54, v18;
	v61 =	vmul.f32 v10, v55  }
0xd7: {  	v6 =	vmul.f32 v6, v55;
	v2 =	vmul.f32 v2, v55;
	v5 =	vadd.f32 v60, v15  }
0xd8: {  	v58 =	vmul.f32 $2.500000000e-01, v24;
	v59 =	vadd.f32 v57, v22;
	v9 =	vadd.f32 v61, v11  }
0xd9: {  	v6 =	vadd.f32 v6, v7;
	v2 =	vadd.f32 v2, v3;
	v5 =	vmul.f32 $1.250000000e-01, v5  }
0xda: {  	v3 =	vor.u32 $0x2, v1;
	v4 =	vmul.f32 $2.500000000e-01, v59;
	v9 =	vmul.f32 $1.250000000e-01, v9  }
0xdb: {  	p0 =	sne.s32 s28, $0x70;
	v8 =	vadd.f32 v58, v21;
	v6 =	vmul.f32 $1.250000000e-01, v6;
	v5 =	vadd.f32 v5, v20  }
.Ltmp1:
0xdc: {  	v2 =	vmul.f32 $1.250000000e-01, v2;
	v4 =	vadd.f32 v4, v19;
	v9 =	vadd.f32 v9, v23;
	(pc) =	sbr.rel @p0 .LBB2_5-.Ltmp1, $4  }
0xdd: {  	v6 =	vadd.f32 v6, v8;
	[tilespmem:v1+s23+$0x0] =	vst.idx.msk $0xffff, v5  }
0xde: {  	v1 =	vadd.f32 v2, v4;
	[tilespmem:v62+s23+$0x0] =	vst.idx.msk $0xffff, v9  }
0xdf: {  	[tilespmem:v3+s23+$0x0] =	vst.idx.msk $0xffff, v6  }
0xe0: {  	s28 =	sadd.s32 $0x10, s28;
	s29 =	sadd.s32 $0x10, s29;
	[tilespmem:v63+s23+$0x0] =	vst.idx.msk $0xffff, v1  }
0xe1: {  	s25 =	sadd.s32 $0x1, s25  }
0xe2: {  	s26 =	sshll.u32 s26, $0x7;
	p0 =	sne.s32 s25, $0x100  }
.Ltmp2:
0xe3: {  	s26 =	sadd.s32 s8, s26;
	(pc) =	sbr.rel @p0 .LBB2_2-.Ltmp2, $4  }
0xe4: {  	[hbm4b:s26+s2] =	stream.linear.scatter [tilespmem:s23], [sflag:$0x2], $0x400, $0x38;
	[tilespmem:$0x2B00] =	vst v63  }
0xe5: {  	_ =	swait.ge [sflag:s12], $0x400  }
0xe6: {  	[sflag:s12] =	ssyncset.done $0x0  }
0xe7: {  	[sflag:s12] =	ssyncadd.s32 $0xFFFFFC00  }
0xe8: {  	s24 =	sadd.s32 $0x1, s24  }
0xe9: {  	p0 =	sne.s32 s24, s11  }
.Ltmp3:
0xea: {  	_ = 	snop;
	(pc) =	sbr.rel @p0 .LBB2_1-.Ltmp3, $1  }
0xeb: {  	_ =	sdelay $0x3  }
0xec: {  	_ =	sfence.sel $0x180000  }
0xed: {  	[bflag:$0x0] =	sbarrier.arrive $0xFFFF  }
0xee: {  	p0 =	sne.s32 s4, $0x0;
	_ =	strace $0x9000004A  }
0xef: {  	s0 =	sadd.s32 @!p0 $0x100000, s0;
	[bflag:$0x2] =	sbarrier.arrive $0xFFFF  }
0xf0: {  	[sflag:s0] =	ssyncadd.tile.s32 @!p0 $0x1;
	_ =	shalt  }
.Lfunc_end2:
_tile_overlayer_lowered:
.L_overlay_start_2:
0xf1: {  	(tag) =	ssettag $0x2  }
0xf2: {  	s0 =	rddreg [dreg:$0x0];
	s2 =	stileid.u32  }
0xf3: {  	s1 =	rddreg [dreg:$0x1];
	p0 =	sne.s32 s2, $0x0  }
0xf4: {  	s3 =	rddreg [dreg:$0x2];
	[bflag:$0x3] =	sbarrier.arrive $0xFFFF;
	s2 =	simm.s32 @!p0 $0x1C02  }
0xf5: {  	[timem:s3], [sflag:s2] =	dma.local @!p0 [hbm:s0], s1  }
0xf6: {  	s0 =	simm.s32 @!p0 $0x2  }
0xf7: {  	_ =	swait.ge @!p0 [sflag:s0], s1  }
0xf8: {  	s1 =	ssub.s32 @!p0 $0x0, s1;
	[sflag:s0] =	ssyncset.done @!p0 $0x0  }
0xf9: {  	[sflag:s0] =	ssyncadd.s32 @!p0 s1  }
0xfa: {  	[bflag:$0x3] =	sbarrier.arrive $0xFFFF  }
0xfb: {  	_ =	shalt  }

</sc_bundles>
